<compile_context>
chip_gen: v7x
topology: tpu7x:2x2x1
jax: 0.10.2.dev20260603
libtpu: 0.0.44.dev20260713+nightly
codegen_flags: <defaults>
</compile_context>

<pallas_src>
import functools

import jax
import jax.numpy as jnp
from jax import lax
from jax.experimental import pallas as pl
from jax.experimental.pallas import tpu as pltpu
from jax.experimental.pallas import tpu_sc as plsc

_NUM_EMB = 1000000
_D = 32
_B = 16384
_S = 50
_TOTAL = _B * _S
_NW = 32
_CH = 512
_PER_W = _TOTAL // _NW
_CHUNKS = _PER_W // _CH
_CPS = _B // _CH

_mesh = plsc.VectorSubcoreMesh(core_axis_name="c", subcore_axis_name="s")


@functools.partial(
    pl.kernel,
    mesh=_mesh,
    compiler_params=pltpu.CompilerParams(
        use_tc_tiling_on_sc=False, needs_layout_passes=False
    ),
    out_type=jax.ShapeDtypeStruct((_S, _D, _B), jnp.float32),
    scratch_types=[
        pltpu.VMEM((_PER_W,), jnp.int32),
        pltpu.VMEM((2, _CH, _D), jnp.float32),
        pltpu.VMEM((2, _D, _CH + 1), jnp.float32),
        pltpu.SemaphoreType.DMA,
        pltpu.SemaphoreType.DMA,
        pltpu.SemaphoreType.DMA,
    ],
)
def _emb_lookup(table_hbm, idx_hbm, out_hbm, idx_v, rows_v, t_v,
                sem_g, sem_s0, sem_s1):
    wid = lax.axis_index("s") * 2 + lax.axis_index("c")
    base = wid * _PER_W
    pltpu.sync_copy(idx_hbm.at[pl.ds(base, _PER_W)], idx_v)
    c0 = wid * _CHUNKS
    sems = (sem_s0, sem_s1)
    lane = lax.iota(jnp.int32, 16)
    d_lo = lane
    d_hi = lane + 16

    def drain_out(b):
        pltpu.make_async_copy(
            t_v.at[b, :, pl.ds(0, _CH)], out_hbm.at[0, :, pl.ds(0, _CH)], sems[b]
        ).wait()

    def fire_gather(i, b):
        return pltpu.async_copy(
            table_hbm.at[idx_v.at[pl.ds(i * _CH, _CH)]], rows_v.at[b], sem_g
        )

    def transpose_and_store(i, b):
        def tr(k, carry):
            for u in range(16):
                tok = k * 16 + u
                lo = rows_v[b, tok, pl.ds(0, 16)]
                hi = rows_v[b, tok, pl.ds(16, 16)]
                ts = jnp.full((16,), tok, jnp.int32)
                plsc.store_scatter(t_v.at[b], [d_lo, ts], lo)
                plsc.store_scatter(t_v.at[b], [d_hi, ts], hi)
            return carry

        lax.fori_loop(0, _CH // 16, tr, 0)
        c = c0 + i
        s = c // _CPS
        t0 = (c % _CPS) * _CH
        pltpu.async_copy(
            t_v.at[b, :, pl.ds(0, _CH)], out_hbm.at[s, :, pl.ds(t0, _CH)], sems[b]
        )

    def do_pair(t, drain):
        if drain:
            drain_out(0)
        g0 = fire_gather(2 * t, 0)
        if drain:
            drain_out(1)
        g1 = fire_gather(2 * t + 1, 1)
        g0.wait()
        transpose_and_store(2 * t, 0)
        g1.wait()
        transpose_and_store(2 * t + 1, 1)

    do_pair(0, False)

    def pair(t, carry):
        do_pair(t, True)
        return carry

    lax.fori_loop(1, _CHUNKS // 2, pair, 0)
    drain_out(0)
    drain_out(1)


def kernel(token_ids, weight):
    idx = jnp.transpose(token_ids).reshape(_TOTAL).astype(jnp.int32)
    out = _emb_lookup(weight, idx)
    return jnp.transpose(out, (2, 0, 1))

# --- scband reference (transcript-rebuilt; emitter-appended) ---
"""Pipeline reference for scband-embedding-62345745268814 (READ-ONLY COPY).

The authoritative reference and input builder live on the scoring server;
editing this copy changes nothing except your own understanding.
"""

import jax, jax.numpy as jnp
import numpy as np

NUM_EMBEDDINGS = 1000000
EMBEDDING_DIM = 32

def setup_inputs(seed: int = 0) -> dict:
    key = jax.random.key(seed)
    k1, k2 = jax.random.split(key)
    token_ids = jax.random.randint(k1, (16384, 50), 0, NUM_EMBEDDINGS, dtype=jnp.int64 if jax.config.jax_enable_x64 else jnp.int32)
    # trunc_normal_(mean=0, std=1, a=-3, b=3)
    weight = jax.random.truncated_normal(k2, -3.0, 3.0, (NUM_EMBEDDINGS, EMBEDDING_DIM), dtype=jnp.float32)
    return {"token_ids": token_ids, "weight": weight}

def reference(token_ids, weight):
    # Faithful translation of: return self.weight[token_ids]
    return jnp.take(weight, token_ids, axis=0)

if __name__ == "__main__":
    import jax
    _d = setup_inputs()
    print(jax.jit(kernel)(*tuple(_d.values())))

</pallas_src>

<mosaic_0001>
#map = affine_map<(d0, d1) -> (0, 0)>
#map1 = affine_map<(d0, d1) -> (0)>
#map2 = affine_map<(d0, d1) -> (0, 0, 0)>
module attributes {stable_mosaic.version = 14 : i64} {
  func.func @_emb_lookup(%arg0: i32, %arg1: i32, %arg2: memref<1000000x32xf32, #tpu.memory_space<hbm>>, %arg3: memref<819200xi32, #tpu.memory_space<hbm>>, %arg4: memref<50x32x16384xf32, #tpu.memory_space<hbm>>, %arg5: memref<25600xi32, #tpu.memory_space<vmem>>, %arg6: memref<2x512x32xf32, #tpu.memory_space<vmem>>, %arg7: memref<2x32x513xf32, #tpu.memory_space<vmem>>, %arg8: memref<!tpu.dma_semaphore, #tpu.memory_space<semaphore_mem>>, %arg9: memref<!tpu.dma_semaphore, #tpu.memory_space<semaphore_mem>>, %arg10: memref<!tpu.dma_semaphore, #tpu.memory_space<semaphore_mem>>) attributes {dimension_semantics = [#tpu.dimension_semantics<core_parallel>, #tpu.dimension_semantics<subcore_parallel>], iteration_bounds = array<i64: 2, 16>, scalar_prefetch = 0 : i64, scratch_operands = 6 : i64, tpu.core_type = #tpu.core_type<sc_vector_subcore>, window_params = [{transform_indices = #map}, {transform_indices = #map1}, {transform_indices = #map2}]} {
    %mul3A = arith.constant 2 : i32
    %mul3A_0 = arith.muli %arg1, %mul3A : i32
    %add3A = arith.addi %mul3A_0, %arg0 : i32
    %mul3A_1 = arith.constant 25600 : i32
    %mul3A_2 = arith.muli %add3A, %mul3A_1 : i32
    "tpu.region"() ({
      %run_scoped3A = tpu.sem_alloc : memref<!tpu.dma_semaphore, #tpu.memory_space<semaphore_mem>>
      %dma_start3A_207 = tpu.memref_slice %arg3[%mul3A_2] : memref<819200xi32, #tpu.memory_space<hbm>> -> memref<25600xi32, #tpu.memory_space<hbm>>
      %dma_start3A_208 = tpu.memref_slice %arg3[%mul3A_2] : memref<819200xi32, #tpu.memory_space<hbm>> -> memref<25600xi32, #tpu.memory_space<hbm>>
      tpu.enqueue_dma source(%dma_start3A_208 : memref<25600xi32, #tpu.memory_space<hbm>>) target(%arg5 : memref<25600xi32, #tpu.memory_space<vmem>>) target_semaphore(%run_scoped3A : memref<!tpu.dma_semaphore, #tpu.memory_space<semaphore_mem>>)
      %dma_wait3A_209 = tpu.memref_slice %arg3[%mul3A_2] : memref<819200xi32, #tpu.memory_space<hbm>> -> memref<25600xi32, #tpu.memory_space<hbm>>
      %dma_wait3A_210 = tpu.memref_slice %arg3[%mul3A_2] : memref<819200xi32, #tpu.memory_space<hbm>> -> memref<25600xi32, #tpu.memory_space<hbm>>
      tpu.wait_dma2 semaphore(%run_scoped3A : memref<!tpu.dma_semaphore, #tpu.memory_space<semaphore_mem>>) src(%dma_wait3A_210 : memref<25600xi32, #tpu.memory_space<hbm>>) dst(%arg5 : memref<25600xi32, #tpu.memory_space<vmem>>)
      tpu.yield
    }) : () -> ()
    %mul3A_3 = arith.constant 50 : i32
    %mul3A_4 = arith.muli %add3A, %mul3A_3 : i32
    %iota3A = tpu.iota {dimensions = array<i32: 0>} : vector<16xi32>
    %add3A_5 = arith.constant 16 : i32
    %add3A_6 = vector.broadcast %add3A_5 : i32 to vector<16xi32>
    %add3A_7 = arith.addi %iota3A, %add3A_6 : vector<16xi32>
    %dma_start3A = arith.constant 0 : i32
    %dma_start3A_8 = arith.constant 0 : i32
    %dma_start3A_9 = arith.constant 0 : i32
    %dma_start3A_10 = tpu.memref_slice %arg6[%dma_start3A, %dma_start3A_8, %dma_start3A_9] : memref<2x512x32xf32, #tpu.memory_space<vmem>> -> memref<1x512x32xf32, #tpu.memory_space<vmem>>
    %dma_start3A_11 = tpu.memref_squeeze %dma_start3A_10 : memref<1x512x32xf32, #tpu.memory_space<vmem>> -> memref<512x32xf32, #tpu.memory_space<vmem>>
    %dma_start3A_12 = arith.constant 0 : i32
    %dma_start3A_13 = tpu.memref_slice %arg5[%dma_start3A_12] : memref<25600xi32, #tpu.memory_space<vmem>> -> memref<512xi32, #tpu.memory_space<vmem>>
    %dma_start3A_14 = arith.constant 0 : i32
    %dma_start3A_15 = arith.constant 0 : i32
    %dma_start3A_16 = tpu.memref_slice %arg2[%dma_start3A_14, %dma_start3A_15] : memref<1000000x32xf32, #tpu.memory_space<hbm>> -> memref<1000000x32xf32, #tpu.memory_space<hbm>>
    tpu.enqueue_indirect_dma source(%dma_start3A_16 : memref<1000000x32xf32, #tpu.memory_space<hbm>>) target(%dma_start3A_11 : memref<512x32xf32, #tpu.memory_space<vmem>>) offsets(%dma_start3A_13 : memref<512xi32, #tpu.memory_space<vmem>>) semaphore(%arg8 : memref<!tpu.dma_semaphore, #tpu.memory_space<semaphore_mem>>)
    %dma_start3A_17 = arith.constant 1 : i32
    %dma_start3A_18 = arith.constant 0 : i32
    %dma_start3A_19 = arith.constant 0 : i32
    %dma_start3A_20 = tpu.memref_slice %arg6[%dma_start3A_17, %dma_start3A_18, %dma_start3A_19] : memref<2x512x32xf32, #tpu.memory_space<vmem>> -> memref<1x512x32xf32, #tpu.memory_space<vmem>>
    %dma_start3A_21 = tpu.memref_squeeze %dma_start3A_20 : memref<1x512x32xf32, #tpu.memory_space<vmem>> -> memref<512x32xf32, #tpu.memory_space<vmem>>
    %dma_start3A_22 = arith.constant 512 : i32
    %dma_start3A_23 = tpu.memref_slice %arg5[%dma_start3A_22] : memref<25600xi32, #tpu.memory_space<vmem>> -> memref<512xi32, #tpu.memory_space<vmem>>
    %dma_start3A_24 = arith.constant 0 : i32
    %dma_start3A_25 = arith.constant 0 : i32
    %dma_start3A_26 = tpu.memref_slice %arg2[%dma_start3A_24, %dma_start3A_25] : memref<1000000x32xf32, #tpu.memory_space<hbm>> -> memref<1000000x32xf32, #tpu.memory_space<hbm>>
    tpu.enqueue_indirect_dma source(%dma_start3A_26 : memref<1000000x32xf32, #tpu.memory_space<hbm>>) target(%dma_start3A_21 : memref<512x32xf32, #tpu.memory_space<vmem>>) offsets(%dma_start3A_23 : memref<512xi32, #tpu.memory_space<vmem>>) semaphore(%arg8 : memref<!tpu.dma_semaphore, #tpu.memory_space<semaphore_mem>>)
    %dma_wait3A = arith.constant 0 : i32
    %dma_wait3A_27 = arith.constant 0 : i32
    %dma_wait3A_28 = arith.constant 0 : i32
    %dma_wait3A_29 = tpu.memref_slice %arg6[%dma_wait3A, %dma_wait3A_27, %dma_wait3A_28] : memref<2x512x32xf32, #tpu.memory_space<vmem>> -> memref<1x512x32xf32, #tpu.memory_space<vmem>>
    %dma_wait3A_30 = tpu.memref_squeeze %dma_wait3A_29 : memref<1x512x32xf32, #tpu.memory_space<vmem>> -> memref<512x32xf32, #tpu.memory_space<vmem>>
    %dma_wait3A_31 = arith.constant 0 : i32
    %dma_wait3A_32 = tpu.memref_slice %arg5[%dma_wait3A_31] : memref<25600xi32, #tpu.memory_space<vmem>> -> memref<512xi32, #tpu.memory_space<vmem>>
    %dma_wait3A_33 = arith.constant 0 : i32
    %dma_wait3A_34 = arith.constant 0 : i32
    %dma_wait3A_35 = tpu.memref_slice %arg2[%dma_wait3A_33, %dma_wait3A_34] : memref<1000000x32xf32, #tpu.memory_space<hbm>> -> memref<1000000x32xf32, #tpu.memory_space<hbm>>
    tpu.wait_indirect_dma semaphore(%arg8 : memref<!tpu.dma_semaphore, #tpu.memory_space<semaphore_mem>>) src(%dma_wait3A_35 : memref<1000000x32xf32, #tpu.memory_space<hbm>>) dst(%dma_wait3A_30 : memref<512x32xf32, #tpu.memory_space<vmem>>)
    %scan3A = arith.constant 0 : i32
    %scan3A_36 = arith.constant 0 : i32
    %scan3A_37 = arith.constant 32 : i32
    %scan3A_38 = arith.addi %scan3A_36, %scan3A_37 : i32
    %scan3A_39 = arith.constant 1 : i32
    scf.for %scan3A_207 = %scan3A_36 to %scan3A_38 step %scan3A_39  : i32 {
      %mul3A_208 = arith.constant 16 : i32
      %mul3A_209 = arith.muli %scan3A_207, %mul3A_208 : i32
      %add3A_210 = arith.constant 0 : i32
      %add3A_211 = arith.addi %mul3A_209, %add3A_210 : i32
      %get3A = arith.constant 0 : i32
      %get3A_212 = arith.index_cast %get3A : i32 to index
      %get3A_213 = arith.index_cast %add3A_211 : i32 to index
      %get3A_214 = arith.constant 0 : index
      %get3A_215 = tpu.vector_load %arg6[%get3A_212, %get3A_213, %get3A_214] {strides = array<i32>} : memref<2x512x32xf32, #tpu.memory_space<vmem>>, vector<16xf32>,
      %get3A_216 = arith.constant 0 : i32
      %get3A_217 = arith.index_cast %get3A_216 : i32 to index
      %get3A_218 = arith.index_cast %add3A_211 : i32 to index
      %get3A_219 = arith.constant 16 : index
      %get3A_220 = tpu.vector_load %arg6[%get3A_217, %get3A_218, %get3A_219] {strides = array<i32>} : memref<2x512x32xf32, #tpu.memory_space<vmem>>, vector<16xf32>,
      %broadcast_in_dim3A = vector.broadcast %add3A_211 : i32 to vector<16xi32>
      %scatter3A = arith.constant 0 : i32
      %scatter3A_221 = arith.constant 0 : i32
      %scatter3A_222 = arith.constant 0 : i32
      %scatter3A_223 = tpu.memref_slice %arg7[%scatter3A, %scatter3A_221, %scatter3A_222] : memref<2x32x513xf32, #tpu.memory_space<vmem>> -> memref<1x32x513xf32, #tpu.memory_space<vmem>>
      %scatter3A_224 = tpu.memref_squeeze %scatter3A_223 : memref<1x32x513xf32, #tpu.memory_space<vmem>> -> memref<32x513xf32, #tpu.memory_space<vmem>>
      tpu.vector_store_idx %scatter3A_224[%iota3A, %broadcast_in_dim3A], %get3A_215 : memref<32x513xf32, #tpu.memory_space<vmem>>[vector<16xi32>, vector<16xi32>], vector<16xf32>,
      %scatter3A_225 = arith.constant 0 : i32
      %scatter3A_226 = arith.constant 0 : i32
      %scatter3A_227 = arith.constant 0 : i32
      %scatter3A_228 = tpu.memref_slice %arg7[%scatter3A_225, %scatter3A_226, %scatter3A_227] : memref<2x32x513xf32, #tpu.memory_space<vmem>> -> memref<1x32x513xf32, #tpu.memory_space<vmem>>
      %scatter3A_229 = tpu.memref_squeeze %scatter3A_228 : memref<1x32x513xf32, #tpu.memory_space<vmem>> -> memref<32x513xf32, #tpu.memory_space<vmem>>
      tpu.vector_store_idx %scatter3A_229[%add3A_7, %broadcast_in_dim3A], %get3A_220 : memref<32x513xf32, #tpu.memory_space<vmem>>[vector<16xi32>, vector<16xi32>], vector<16xf32>,
      %mul3A_230 = arith.constant 16 : i32
      %mul3A_231 = arith.muli %scan3A_207, %mul3A_230 : i32
      %add3A_232 = arith.constant 1 : i32
      %add3A_233 = arith.addi %mul3A_231, %add3A_232 : i32
      %get3A_234 = arith.constant 0 : i32
      %get3A_235 = arith.index_cast %get3A_234 : i32 to index
      %get3A_236 = arith.index_cast %add3A_233 : i32 to index
      %get3A_237 = arith.constant 0 : index
      %get3A_238 = tpu.vector_load %arg6[%get3A_235, %get3A_236, %get3A_237] {strides = array<i32>} : memref<2x512x32xf32, #tpu.memory_space<vmem>>, vector<16xf32>,
      %get3A_239 = arith.constant 0 : i32
      %get3A_240 = arith.index_cast %get3A_239 : i32 to index
      %get3A_241 = arith.index_cast %add3A_233 : i32 to index
      %get3A_242 = arith.constant 16 : index
      %get3A_243 = tpu.vector_load %arg6[%get3A_240, %get3A_241, %get3A_242] {strides = array<i32>} : memref<2x512x32xf32, #tpu.memory_space<vmem>>, vector<16xf32>,
      %broadcast_in_dim3A_244 = vector.broadcast %add3A_233 : i32 to vector<16xi32>
      %scatter3A_245 = arith.constant 0 : i32
      %scatter3A_246 = arith.constant 0 : i32
      %scatter3A_247 = arith.constant 0 : i32
      %scatter3A_248 = tpu.memref_slice %arg7[%scatter3A_245, %scatter3A_246, %scatter3A_247] : memref<2x32x513xf32, #tpu.memory_space<vmem>> -> memref<1x32x513xf32, #tpu.memory_space<vmem>>
      %scatter3A_249 = tpu.memref_squeeze %scatter3A_248 : memref<1x32x513xf32, #tpu.memory_space<vmem>> -> memref<32x513xf32, #tpu.memory_space<vmem>>
      tpu.vector_store_idx %scatter3A_249[%iota3A, %broadcast_in_dim3A_244], %get3A_238 : memref<32x513xf32, #tpu.memory_space<vmem>>[vector<16xi32>, vector<16xi32>], vector<16xf32>,
      %scatter3A_250 = arith.constant 0 : i32
      %scatter3A_251 = arith.constant 0 : i32
      %scatter3A_252 = arith.constant 0 : i32
      %scatter3A_253 = tpu.memref_slice %arg7[%scatter3A_250, %scatter3A_251, %scatter3A_252] : memref<2x32x513xf32, #tpu.memory_space<vmem>> -> memref<1x32x513xf32, #tpu.memory_space<vmem>>
      %scatter3A_254 = tpu.memref_squeeze %scatter3A_253 : memref<1x32x513xf32, #tpu.memory_space<vmem>> -> memref<32x513xf32, #tpu.memory_space<vmem>>
      tpu.vector_store_idx %scatter3A_254[%add3A_7, %broadcast_in_dim3A_244], %get3A_243 : memref<32x513xf32, #tpu.memory_space<vmem>>[vector<16xi32>, vector<16xi32>], vector<16xf32>,
      %mul3A_255 = arith.constant 16 : i32
      %mul3A_256 = arith.muli %scan3A_207, %mul3A_255 : i32
      %add3A_257 = arith.constant 2 : i32
      %add3A_258 = arith.addi %mul3A_256, %add3A_257 : i32
      %get3A_259 = arith.constant 0 : i32
      %get3A_260 = arith.index_cast %get3A_259 : i32 to index
      %get3A_261 = arith.index_cast %add3A_258 : i32 to index
      %get3A_262 = arith.constant 0 : index
      %get3A_263 = tpu.vector_load %arg6[%get3A_260, %get3A_261, %get3A_262] {strides = array<i32>} : memref<2x512x32xf32, #tpu.memory_space<vmem>>, vector<16xf32>,
      %get3A_264 = arith.constant 0 : i32
      %get3A_265 = arith.index_cast %get3A_264 : i32 to index
      %get3A_266 = arith.index_cast %add3A_258 : i32 to index
      %get3A_267 = arith.constant 16 : index
      %get3A_268 = tpu.vector_load %arg6[%get3A_265, %get3A_266, %get3A_267] {strides = array<i32>} : memref<2x512x32xf32, #tpu.memory_space<vmem>>, vector<16xf32>,
      %broadcast_in_dim3A_269 = vector.broadcast %add3A_258 : i32 to vector<16xi32>
      %scatter3A_270 = arith.constant 0 : i32
      %scatter3A_271 = arith.constant 0 : i32
      %scatter3A_272 = arith.constant 0 : i32
      %scatter3A_273 = tpu.memref_slice %arg7[%scatter3A_270, %scatter3A_271, %scatter3A_272] : memref<2x32x513xf32, #tpu.memory_space<vmem>> -> memref<1x32x513xf32, #tpu.memory_space<vmem>>
      %scatter3A_274 = tpu.memref_squeeze %scatter3A_273 : memref<1x32x513xf32, #tpu.memory_space<vmem>> -> memref<32x513xf32, #tpu.memory_space<vmem>>
      tpu.vector_store_idx %scatter3A_274[%iota3A, %broadcast_in_dim3A_269], %get3A_263 : memref<32x513xf32, #tpu.memory_space<vmem>>[vector<16xi32>, vector<16xi32>], vector<16xf32>,
      %scatter3A_275 = arith.constant 0 : i32
      %scatter3A_276 = arith.constant 0 : i32
      %scatter3A_277 = arith.constant 0 : i32
      %scatter3A_278 = tpu.memref_slice %arg7[%scatter3A_275, %scatter3A_276, %scatter3A_277] : memref<2x32x513xf32, #tpu.memory_space<vmem>> -> memref<1x32x513xf32, #tpu.memory_space<vmem>>
      %scatter3A_279 = tpu.memref_squeeze %scatter3A_278 : memref<1x32x513xf32, #tpu.memory_space<vmem>> -> memref<32x513xf32, #tpu.memory_space<vmem>>
      tpu.vector_store_idx %scatter3A_279[%add3A_7, %broadcast_in_dim3A_269], %get3A_268 : memref<32x513xf32, #tpu.memory_space<vmem>>[vector<16xi32>, vector<16xi32>], vector<16xf32>,
      %mul3A_280 = arith.constant 16 : i32
      %mul3A_281 = arith.muli %scan3A_207, %mul3A_280 : i32
      %add3A_282 = arith.constant 3 : i32
      %add3A_283 = arith.addi %mul3A_281, %add3A_282 : i32
      %get3A_284 = arith.constant 0 : i32
      %get3A_285 = arith.index_cast %get3A_284 : i32 to index
      %get3A_286 = arith.index_cast %add3A_283 : i32 to index
      %get3A_287 = arith.constant 0 : index
      %get3A_288 = tpu.vector_load %arg6[%get3A_285, %get3A_286, %get3A_287] {strides = array<i32>} : memref<2x512x32xf32, #tpu.memory_space<vmem>>, vector<16xf32>,
      %get3A_289 = arith.constant 0 : i32
      %get3A_290 = arith.index_cast %get3A_289 : i32 to index
      %get3A_291 = arith.index_cast %add3A_283 : i32 to index
      %get3A_292 = arith.constant 16 : index
      %get3A_293 = tpu.vector_load %arg6[%get3A_290, %get3A_291, %get3A_292] {strides = array<i32>} : memref<2x512x32xf32, #tpu.memory_space<vmem>>, vector<16xf32>,
      %broadcast_in_dim3A_294 = vector.broadcast %add3A_283 : i32 to vector<16xi32>
      %scatter3A_295 = arith.constant 0 : i32
      %scatter3A_296 = arith.constant 0 : i32
      %scatter3A_297 = arith.constant 0 : i32
      %scatter3A_298 = tpu.memref_slice %arg7[%scatter3A_295, %scatter3A_296, %scatter3A_297] : memref<2x32x513xf32, #tpu.memory_space<vmem>> -> memref<1x32x513xf32, #tpu.memory_space<vmem>>
      %scatter3A_299 = tpu.memref_squeeze %scatter3A_298 : memref<1x32x513xf32, #tpu.memory_space<vmem>> -> memref<32x513xf32, #tpu.memory_space<vmem>>
      tpu.vector_store_idx %scatter3A_299[%iota3A, %broadcast_in_dim3A_294], %get3A_288 : memref<32x513xf32, #tpu.memory_space<vmem>>[vector<16xi32>, vector<16xi32>], vector<16xf32>,
      %scatter3A_300 = arith.constant 0 : i32
      %scatter3A_301 = arith.constant 0 : i32
      %scatter3A_302 = arith.constant 0 : i32
      %scatter3A_303 = tpu.memref_slice %arg7[%scatter3A_300, %scatter3A_301, %scatter3A_302] : memref<2x32x513xf32, #tpu.memory_space<vmem>> -> memref<1x32x513xf32, #tpu.memory_space<vmem>>
      %scatter3A_304 = tpu.memref_squeeze %scatter3A_303 : memref<1x32x513xf32, #tpu.memory_space<vmem>> -> memref<32x513xf32, #tpu.memory_space<vmem>>
      tpu.vector_store_idx %scatter3A_304[%add3A_7, %broadcast_in_dim3A_294], %get3A_293 : memref<32x513xf32, #tpu.memory_space<vmem>>[vector<16xi32>, vector<16xi32>], vector<16xf32>,
      %mul3A_305 = arith.constant 16 : i32
      %mul3A_306 = arith.muli %scan3A_207, %mul3A_305 : i32
      %add3A_307 = arith.constant 4 : i32
      %add3A_308 = arith.addi %mul3A_306, %add3A_307 : i32
      %get3A_309 = arith.constant 0 : i32
      %get3A_310 = arith.index_cast %get3A_309 : i32 to index
      %get3A_311 = arith.index_cast %add3A_308 : i32 to index
      %get3A_312 = arith.constant 0 : index
      %get3A_313 = tpu.vector_load %arg6[%get3A_310, %get3A_311, %get3A_312] {strides = array<i32>} : memref<2x512x32xf32, #tpu.memory_space<vmem>>, vector<16xf32>,
      %get3A_314 = arith.constant 0 : i32
      %get3A_315 = arith.index_cast %get3A_314 : i32 to index
      %get3A_316 = arith.index_cast %add3A_308 : i32 to index
      %get3A_317 = arith.constant 16 : index
      %get3A_318 = tpu.vector_load %arg6[%get3A_315, %get3A_316, %get3A_317] {strides = array<i32>} : memref<2x512x32xf32, #tpu.memory_space<vmem>>, vector<16xf32>,
      %broadcast_in_dim3A_319 = vector.broadcast %add3A_308 : i32 to vector<16xi32>
      %scatter3A_320 = arith.constant 0 : i32
      %scatter3A_321 = arith.constant 0 : i32
      %scatter3A_322 = arith.constant 0 : i32
      %scatter3A_323 = tpu.memref_slice %arg7[%scatter3A_320, %scatter3A_321, %scatter3A_322] : memref<2x32x513xf32, #tpu.memory_space<vmem>> -> memref<1x32x513xf32, #tpu.memory_space<vmem>>
      %scatter3A_324 = tpu.memref_squeeze %scatter3A_323 : memref<1x32x513xf32, #tpu.memory_space<vmem>> -> memref<32x513xf32, #tpu.memory_space<vmem>>
      tpu.vector_store_idx %scatter3A_324[%iota3A, %broadcast_in_dim3A_319], %get3A_313 : memref<32x513xf32, #tpu.memory_space<vmem>>[vector<16xi32>, vector<16xi32>], vector<16xf32>,
      %scatter3A_325 = arith.constant 0 : i32
      %scatter3A_326 = arith.constant 0 : i32
      %scatter3A_327 = arith.constant 0 : i32
      %scatter3A_328 = tpu.memref_slice %arg7[%scatter3A_325, %scatter3A_326, %scatter3A_327] : memref<2x32x513xf32, #tpu.memory_space<vmem>> -> memref<1x32x513xf32, #tpu.memory_space<vmem>>
      %scatter3A_329 = tpu.memref_squeeze %scatter3A_328 : memref<1x32x513xf32, #tpu.memory_space<vmem>> -> memref<32x513xf32, #tpu.memory_space<vmem>>
      tpu.vector_store_idx %scatter3A_329[%add3A_7, %broadcast_in_dim3A_319], %get3A_318 : memref<32x513xf32, #tpu.memory_space<vmem>>[vector<16xi32>, vector<16xi32>], vector<16xf32>,
      %mul3A_330 = arith.constant 16 : i32
      %mul3A_331 = arith.muli %scan3A_207, %mul3A_330 : i32
      %add3A_332 = arith.constant 5 : i32
      %add3A_333 = arith.addi %mul3A_331, %add3A_332 : i32
      %get3A_334 = arith.constant 0 : i32
      %get3A_335 = arith.index_cast %get3A_334 : i32 to index
      %get3A_336 = arith.index_cast %add3A_333 : i32 to index
      %get3A_337 = arith.constant 0 : index
      %get3A_338 = tpu.vector_load %arg6[%get3A_335, %get3A_336, %get3A_337] {strides = array<i32>} : memref<2x512x32xf32, #tpu.memory_space<vmem>>, vector<16xf32>,
      %get3A_339 = arith.constant 0 : i32
      %get3A_340 = arith.index_cast %get3A_339 : i32 to index
      %get3A_341 = arith.index_cast %add3A_333 : i32 to index
      %get3A_342 = arith.constant 16 : index
      %get3A_343 = tpu.vector_load %arg6[%get3A_340, %get3A_341, %get3A_342] {strides = array<i32>} : memref<2x512x32xf32, #tpu.memory_space<vmem>>, vector<16xf32>,
      %broadcast_in_dim3A_344 = vector.broadcast %add3A_333 : i32 to vector<16xi32>
      %scatter3A_345 = arith.constant 0 : i32
      %scatter3A_346 = arith.constant 0 : i32
      %scatter3A_347 = arith.constant 0 : i32
      %scatter3A_348 = tpu.memref_slice %arg7[%scatter3A_345, %scatter3A_346, %scatter3A_347] : memref<2x32x513xf32, #tpu.memory_space<vmem>> -> memref<1x32x513xf32, #tpu.memory_space<vmem>>
      %scatter3A_349 = tpu.memref_squeeze %scatter3A_348 : memref<1x32x513xf32, #tpu.memory_space<vmem>> -> memref<32x513xf32, #tpu.memory_space<vmem>>
      tpu.vector_store_idx %scatter3A_349[%iota3A, %broadcast_in_dim3A_344], %get3A_338 : memref<32x513xf32, #tpu.memory_space<vmem>>[vector<16xi32>, vector<16xi32>], vector<16xf32>,
      %scatter3A_350 = arith.constant 0 : i32
      %scatter3A_351 = arith.constant 0 : i32
      %scatter3A_352 = arith.constant 0 : i32
      %scatter3A_353 = tpu.memref_slice %arg7[%scatter3A_350, %scatter3A_351, %scatter3A_352] : memref<2x32x513xf32, #tpu.memory_space<vmem>> -> memref<1x32x513xf32, #tpu.memory_space<vmem>>
      %scatter3A_354 = tpu.memref_squeeze %scatter3A_353 : memref<1x32x513xf32, #tpu.memory_space<vmem>> -> memref<32x513xf32, #tpu.memory_space<vmem>>
      tpu.vector_store_idx %scatter3A_354[%add3A_7, %broadcast_in_dim3A_344], %get3A_343 : memref<32x513xf32, #tpu.memory_space<vmem>>[vector<16xi32>, vector<16xi32>], vector<16xf32>,
      %mul3A_355 = arith.constant 16 : i32
      %mul3A_356 = arith.muli %scan3A_207, %mul3A_355 : i32
      %add3A_357 = arith.constant 6 : i32
      %add3A_358 = arith.addi %mul3A_356, %add3A_357 : i32
      %get3A_359 = arith.constant 0 : i32
      %get3A_360 = arith.index_cast %get3A_359 : i32 to index
      %get3A_361 = arith.index_cast %add3A_358 : i32 to index
      %get3A_362 = arith.constant 0 : index
      %get3A_363 = tpu.vector_load %arg6[%get3A_360, %get3A_361, %get3A_362] {strides = array<i32>} : memref<2x512x32xf32, #tpu.memory_space<vmem>>, vector<16xf32>,
      %get3A_364 = arith.constant 0 : i32
      %get3A_365 = arith.index_cast %get3A_364 : i32 to index
      %get3A_366 = arith.index_cast %add3A_358 : i32 to index
      %get3A_367 = arith.constant 16 : index
      %get3A_368 = tpu.vector_load %arg6[%get3A_365, %get3A_366, %get3A_367] {strides = array<i32>} : memref<2x512x32xf32, #tpu.memory_space<vmem>>, vector<16xf32>,
      %broadcast_in_dim3A_369 = vector.broadcast %add3A_358 : i32 to vector<16xi32>
      %scatter3A_370 = arith.constant 0 : i32
      %scatter3A_371 = arith.constant 0 : i32
      %scatter3A_372 = arith.constant 0 : i32
      %scatter3A_373 = tpu.memref_slice %arg7[%scatter3A_370, %scatter3A_371, %scatter3A_372] : memref<2x32x513xf32, #tpu.memory_space<vmem>> -> memref<1x32x513xf32, #tpu.memory_space<vmem>>
      %scatter3A_374 = tpu.memref_squeeze %scatter3A_373 : memref<1x32x513xf32, #tpu.memory_space<vmem>> -> memref<32x513xf32, #tpu.memory_space<vmem>>
      tpu.vector_store_idx %scatter3A_374[%iota3A, %broadcast_in_dim3A_369], %get3A_363 : memref<32x513xf32, #tpu.memory_space<vmem>>[vector<16xi32>, vector<16xi32>], vector<16xf32>,
      %scatter3A_375 = arith.constant 0 : i32
      %scatter3A_376 = arith.constant 0 : i32
      %scatter3A_377 = arith.constant 0 : i32
      %scatter3A_378 = tpu.memref_slice %arg7[%scatter3A_375, %scatter3A_376, %scatter3A_377] : memref<2x32x513xf32, #tpu.memory_space<vmem>> -> memref<1x32x513xf32, #tpu.memory_space<vmem>>
      %scatter3A_379 = tpu.memref_squeeze %scatter3A_378 : memref<1x32x513xf32, #tpu.memory_space<vmem>> -> memref<32x513xf32, #tpu.memory_space<vmem>>
      tpu.vector_store_idx %scatter3A_379[%add3A_7, %broadcast_in_dim3A_369], %get3A_368 : memref<32x513xf32, #tpu.memory_space<vmem>>[vector<16xi32>, vector<16xi32>], vector<16xf32>,
      %mul3A_380 = arith.constant 16 : i32
      %mul3A_381 = arith.muli %scan3A_207, %mul3A_380 : i32
      %add3A_382 = arith.constant 7 : i32
      %add3A_383 = arith.addi %mul3A_381, %add3A_382 : i32
      %get3A_384 = arith.constant 0 : i32
      %get3A_385 = arith.index_cast %get3A_384 : i32 to index
      %get3A_386 = arith.index_cast %add3A_383 : i32 to index
      %get3A_387 = arith.constant 0 : index
      %get3A_388 = tpu.vector_load %arg6[%get3A_385, %get3A_386, %get3A_387] {strides = array<i32>} : memref<2x512x32xf32, #tpu.memory_space<vmem>>, vector<16xf32>,
      %get3A_389 = arith.constant 0 : i32
      %get3A_390 = arith.index_cast %get3A_389 : i32 to index
      %get3A_391 = arith.index_cast %add3A_383 : i32 to index
      %get3A_392 = arith.constant 16 : index
      %get3A_393 = tpu.vector_load %arg6[%get3A_390, %get3A_391, %get3A_392] {strides = array<i32>} : memref<2x512x32xf32, #tpu.memory_space<vmem>>, vector<16xf32>,
      %broadcast_in_dim3A_394 = vector.broadcast %add3A_383 : i32 to vector<16xi32>
      %scatter3A_395 = arith.constant 0 : i32
      %scatter3A_396 = arith.constant 0 : i32
      %scatter3A_397 = arith.constant 0 : i32
      %scatter3A_398 = tpu.memref_slice %arg7[%scatter3A_395, %scatter3A_396, %scatter3A_397] : memref<2x32x513xf32, #tpu.memory_space<vmem>> -> memref<1x32x513xf32, #tpu.memory_space<vmem>>
      %scatter3A_399 = tpu.memref_squeeze %scatter3A_398 : memref<1x32x513xf32, #tpu.memory_space<vmem>> -> memref<32x513xf32, #tpu.memory_space<vmem>>
      tpu.vector_store_idx %scatter3A_399[%iota3A, %broadcast_in_dim3A_394], %get3A_388 : memref<32x513xf32, #tpu.memory_space<vmem>>[vector<16xi32>, vector<16xi32>], vector<16xf32>,
      %scatter3A_400 = arith.constant 0 : i32
      %scatter3A_401 = arith.constant 0 : i32
      %scatter3A_402 = arith.constant 0 : i32
      %scatter3A_403 = tpu.memref_slice %arg7[%scatter3A_400, %scatter3A_401, %scatter3A_402] : memref<2x32x513xf32, #tpu.memory_space<vmem>> -> memref<1x32x513xf32, #tpu.memory_space<vmem>>
      %scatter3A_404 = tpu.memref_squeeze %scatter3A_403 : memref<1x32x513xf32, #tpu.memory_space<vmem>> -> memref<32x513xf32, #tpu.memory_space<vmem>>
      tpu.vector_store_idx %scatter3A_404[%add3A_7, %broadcast_in_dim3A_394], %get3A_393 : memref<32x513xf32, #tpu.memory_space<vmem>>[vector<16xi32>, vector<16xi32>], vector<16xf32>,
      %mul3A_405 = arith.constant 16 : i32
      %mul3A_406 = arith.muli %scan3A_207, %mul3A_405 : i32
      %add3A_407 = arith.constant 8 : i32
      %add3A_408 = arith.addi %mul3A_406, %add3A_407 : i32
      %get3A_409 = arith.constant 0 : i32
      %get3A_410 = arith.index_cast %get3A_409 : i32 to index
      %get3A_411 = arith.index_cast %add3A_408 : i32 to index
      %get3A_412 = arith.constant 0 : index
      %get3A_413 = tpu.vector_load %arg6[%get3A_410, %get3A_411, %get3A_412] {strides = array<i32>} : memref<2x512x32xf32, #tpu.memory_space<vmem>>, vector<16xf32>,
      %get3A_414 = arith.constant 0 : i32
      %get3A_415 = arith.index_cast %get3A_414 : i32 to index
      %get3A_416 = arith.index_cast %add3A_408 : i32 to index
      %get3A_417 = arith.constant 16 : index
      %get3A_418 = tpu.vector_load %arg6[%get3A_415, %get3A_416, %get3A_417] {strides = array<i32>} : memref<2x512x32xf32, #tpu.memory_space<vmem>>, vector<16xf32>,
      %broadcast_in_dim3A_419 = vector.broadcast %add3A_408 : i32 to vector<16xi32>
      %scatter3A_420 = arith.constant 0 : i32
      %scatter3A_421 = arith.constant 0 : i32
      %scatter3A_422 = arith.constant 0 : i32
      %scatter3A_423 = tpu.memref_slice %arg7[%scatter3A_420, %scatter3A_421, %scatter3A_422] : memref<2x32x513xf32, #tpu.memory_space<vmem>> -> memref<1x32x513xf32, #tpu.memory_space<vmem>>
      %scatter3A_424 = tpu.memref_squeeze %scatter3A_423 : memref<1x32x513xf32, #tpu.memory_space<vmem>> -> memref<32x513xf32, #tpu.memory_space<vmem>>
      tpu.vector_store_idx %scatter3A_424[%iota3A, %broadcast_in_dim3A_419], %get3A_413 : memref<32x513xf32, #tpu.memory_space<vmem>>[vector<16xi32>, vector<16xi32>], vector<16xf32>,
      %scatter3A_425 = arith.constant 0 : i32
      %scatter3A_426 = arith.constant 0 : i32
      %scatter3A_427 = arith.constant 0 : i32
      %scatter3A_428 = tpu.memref_slice %arg7[%scatter3A_425, %scatter3A_426, %scatter3A_427] : memref<2x32x513xf32, #tpu.memory_space<vmem>> -> memref<1x32x513xf32, #tpu.memory_space<vmem>>
      %scatter3A_429 = tpu.memref_squeeze %scatter3A_428 : memref<1x32x513xf32, #tpu.memory_space<vmem>> -> memref<32x513xf32, #tpu.memory_space<vmem>>
      tpu.vector_store_idx %scatter3A_429[%add3A_7, %broadcast_in_dim3A_419], %get3A_418 : memref<32x513xf32, #tpu.memory_space<vmem>>[vector<16xi32>, vector<16xi32>], vector<16xf32>,
      %mul3A_430 = arith.constant 16 : i32
      %mul3A_431 = arith.muli %scan3A_207, %mul3A_430 : i32
      %add3A_432 = arith.constant 9 : i32
      %add3A_433 = arith.addi %mul3A_431, %add3A_432 : i32
      %get3A_434 = arith.constant 0 : i32
      %get3A_435 = arith.index_cast %get3A_434 : i32 to index
      %get3A_436 = arith.index_cast %add3A_433 : i32 to index
      %get3A_437 = arith.constant 0 : index
      %get3A_438 = tpu.vector_load %arg6[%get3A_435, %get3A_436, %get3A_437] {strides = array<i32>} : memref<2x512x32xf32, #tpu.memory_space<vmem>>, vector<16xf32>,
      %get3A_439 = arith.constant 0 : i32
      %get3A_440 = arith.index_cast %get3A_439 : i32 to index
      %get3A_441 = arith.index_cast %add3A_433 : i32 to index
      %get3A_442 = arith.constant 16 : index
      %get3A_443 = tpu.vector_load %arg6[%get3A_440, %get3A_441, %get3A_442] {strides = array<i32>} : memref<2x512x32xf32, #tpu.memory_space<vmem>>, vector<16xf32>,
      %broadcast_in_dim3A_444 = vector.broadcast %add3A_433 : i32 to vector<16xi32>
      %scatter3A_445 = arith.constant 0 : i32
      %scatter3A_446 = arith.constant 0 : i32
      %scatter3A_447 = arith.constant 0 : i32
      %scatter3A_448 = tpu.memref_slice %arg7[%scatter3A_445, %scatter3A_446, %scatter3A_447] : memref<2x32x513xf32, #tpu.memory_space<vmem>> -> memref<1x32x513xf32, #tpu.memory_space<vmem>>
      %scatter3A_449 = tpu.memref_squeeze %scatter3A_448 : memref<1x32x513xf32, #tpu.memory_space<vmem>> -> memref<32x513xf32, #tpu.memory_space<vmem>>
      tpu.vector_store_idx %scatter3A_449[%iota3A, %broadcast_in_dim3A_444], %get3A_438 : memref<32x513xf32, #tpu.memory_space<vmem>>[vector<16xi32>, vector<16xi32>], vector<16xf32>,
      %scatter3A_450 = arith.constant 0 : i32
      %scatter3A_451 = arith.constant 0 : i32
      %scatter3A_452 = arith.constant 0 : i32
      %scatter3A_453 = tpu.memref_slice %arg7[%scatter3A_450, %scatter3A_451, %scatter3A_452] : memref<2x32x513xf32, #tpu.memory_space<vmem>> -> memref<1x32x513xf32, #tpu.memory_space<vmem>>
      %scatter3A_454 = tpu.memref_squeeze %scatter3A_453 : memref<1x32x513xf32, #tpu.memory_space<vmem>> -> memref<32x513xf32, #tpu.memory_space<vmem>>
      tpu.vector_store_idx %scatter3A_454[%add3A_7, %broadcast_in_dim3A_444], %get3A_443 : memref<32x513xf32, #tpu.memory_space<vmem>>[vector<16xi32>, vector<16xi32>], vector<16xf32>,
      %mul3A_455 = arith.constant 16 : i32
      %mul3A_456 = arith.muli %scan3A_207, %mul3A_455 : i32
      %add3A_457 = arith.constant 10 : i32
      %add3A_458 = arith.addi %mul3A_456, %add3A_457 : i32
      %get3A_459 = arith.constant 0 : i32
      %get3A_460 = arith.index_cast %get3A_459 : i32 to index
      %get3A_461 = arith.index_cast %add3A_458 : i32 to index
      %get3A_462 = arith.constant 0 : index
      %get3A_463 = tpu.vector_load %arg6[%get3A_460, %get3A_461, %get3A_462] {strides = array<i32>} : memref<2x512x32xf32, #tpu.memory_space<vmem>>, vector<16xf32>,
      %get3A_464 = arith.constant 0 : i32
      %get3A_465 = arith.index_cast %get3A_464 : i32 to index
      %get3A_466 = arith.index_cast %add3A_458 : i32 to index
      %get3A_467 = arith.constant 16 : index
      %get3A_468 = tpu.vector_load %arg6[%get3A_465, %get3A_466, %get3A_467] {strides = array<i32>} : memref<2x512x32xf32, #tpu.memory_space<vmem>>, vector<16xf32>,
      %broadcast_in_dim3A_469 = vector.broadcast %add3A_458 : i32 to vector<16xi32>
      %scatter3A_470 = arith.constant 0 : i32
      %scatter3A_471 = arith.constant 0 : i32
      %scatter3A_472 = arith.constant 0 : i32
      %scatter3A_473 = tpu.memref_slice %arg7[%scatter3A_470, %scatter3A_471, %scatter3A_472] : memref<2x32x513xf32, #tpu.memory_space<vmem>> -> memref<1x32x513xf32, #tpu.memory_space<vmem>>
      %scatter3A_474 = tpu.memref_squeeze %scatter3A_473 : memref<1x32x513xf32, #tpu.memory_space<vmem>> -> memref<32x513xf32, #tpu.memory_space<vmem>>
      tpu.vector_store_idx %scatter3A_474[%iota3A, %broadcast_in_dim3A_469], %get3A_463 : memref<32x513xf32, #tpu.memory_space<vmem>>[vector<16xi32>, vector<16xi32>], vector<16xf32>,
      %scatter3A_475 = arith.constant 0 : i32
      %scatter3A_476 = arith.constant 0 : i32
      %scatter3A_477 = arith.constant 0 : i32
      %scatter3A_478 = tpu.memref_slice %arg7[%scatter3A_475, %scatter3A_476, %scatter3A_477] : memref<2x32x513xf32, #tpu.memory_space<vmem>> -> memref<1x32x513xf32, #tpu.memory_space<vmem>>
      %scatter3A_479 = tpu.memref_squeeze %scatter3A_478 : memref<1x32x513xf32, #tpu.memory_space<vmem>> -> memref<32x513xf32, #tpu.memory_space<vmem>>
      tpu.vector_store_idx %scatter3A_479[%add3A_7, %broadcast_in_dim3A_469], %get3A_468 : memref<32x513xf32, #tpu.memory_space<vmem>>[vector<16xi32>, vector<16xi32>], vector<16xf32>,
      %mul3A_480 = arith.constant 16 : i32
      %mul3A_481 = arith.muli %scan3A_207, %mul3A_480 : i32
      %add3A_482 = arith.constant 11 : i32
      %add3A_483 = arith.addi %mul3A_481, %add3A_482 : i32
      %get3A_484 = arith.constant 0 : i32
      %get3A_485 = arith.index_cast %get3A_484 : i32 to index
      %get3A_486 = arith.index_cast %add3A_483 : i32 to index
      %get3A_487 = arith.constant 0 : index
      %get3A_488 = tpu.vector_load %arg6[%get3A_485, %get3A_486, %get3A_487] {strides = array<i32>} : memref<2x512x32xf32, #tpu.memory_space<vmem>>, vector<16xf32>,
      %get3A_489 = arith.constant 0 : i32
      %get3A_490 = arith.index_cast %get3A_489 : i32 to index
      %get3A_491 = arith.index_cast %add3A_483 : i32 to index
      %get3A_492 = arith.constant 16 : index
      %get3A_493 = tpu.vector_load %arg6[%get3A_490, %get3A_491, %get3A_492] {strides = array<i32>} : memref<2x512x32xf32, #tpu.memory_space<vmem>>, vector<16xf32>,
      %broadcast_in_dim3A_494 = vector.broadcast %add3A_483 : i32 to vector<16xi32>
      %scatter3A_495 = arith.constant 0 : i32
      %scatter3A_496 = arith.constant 0 : i32
      %scatter3A_497 = arith.constant 0 : i32
      %scatter3A_498 = tpu.memref_slice %arg7[%scatter3A_495, %scatter3A_496, %scatter3A_497] : memref<2x32x513xf32, #tpu.memory_space<vmem>> -> memref<1x32x513xf32, #tpu.memory_space<vmem>>
      %scatter3A_499 = tpu.memref_squeeze %scatter3A_498 : memref<1x32x513xf32, #tpu.memory_space<vmem>> -> memref<32x513xf32, #tpu.memory_space<vmem>>
      tpu.vector_store_idx %scatter3A_499[%iota3A, %broadcast_in_dim3A_494], %get3A_488 : memref<32x513xf32, #tpu.memory_space<vmem>>[vector<16xi32>, vector<16xi32>], vector<16xf32>,
      %scatter3A_500 = arith.constant 0 : i32
      %scatter3A_501 = arith.constant 0 : i32
      %scatter3A_502 = arith.constant 0 : i32
      %scatter3A_503 = tpu.memref_slice %arg7[%scatter3A_500, %scatter3A_501, %scatter3A_502] : memref<2x32x513xf32, #tpu.memory_space<vmem>> -> memref<1x32x513xf32, #tpu.memory_space<vmem>>
      %scatter3A_504 = tpu.memref_squeeze %scatter3A_503 : memref<1x32x513xf32, #tpu.memory_space<vmem>> -> memref<32x513xf32, #tpu.memory_space<vmem>>
      tpu.vector_store_idx %scatter3A_504[%add3A_7, %broadcast_in_dim3A_494], %get3A_493 : memref<32x513xf32, #tpu.memory_space<vmem>>[vector<16xi32>, vector<16xi32>], vector<16xf32>,
      %mul3A_505 = arith.constant 16 : i32
      %mul3A_506 = arith.muli %scan3A_207, %mul3A_505 : i32
      %add3A_507 = arith.constant 12 : i32
      %add3A_508 = arith.addi %mul3A_506, %add3A_507 : i32
      %get3A_509 = arith.constant 0 : i32
      %get3A_510 = arith.index_cast %get3A_509 : i32 to index
      %get3A_511 = arith.index_cast %add3A_508 : i32 to index
      %get3A_512 = arith.constant 0 : index
      %get3A_513 = tpu.vector_load %arg6[%get3A_510, %get3A_511, %get3A_512] {strides = array<i32>} : memref<2x512x32xf32, #tpu.memory_space<vmem>>, vector<16xf32>,
      %get3A_514 = arith.constant 0 : i32
      %get3A_515 = arith.index_cast %get3A_514 : i32 to index
      %get3A_516 = arith.index_cast %add3A_508 : i32 to index
      %get3A_517 = arith.constant 16 : index
      %get3A_518 = tpu.vector_load %arg6[%get3A_515, %get3A_516, %get3A_517] {strides = array<i32>} : memref<2x512x32xf32, #tpu.memory_space<vmem>>, vector<16xf32>,
      %broadcast_in_dim3A_519 = vector.broadcast %add3A_508 : i32 to vector<16xi32>
      %scatter3A_520 = arith.constant 0 : i32
      %scatter3A_521 = arith.constant 0 : i32
      %scatter3A_522 = arith.constant 0 : i32
      %scatter3A_523 = tpu.memref_slice %arg7[%scatter3A_520, %scatter3A_521, %scatter3A_522] : memref<2x32x513xf32, #tpu.memory_space<vmem>> -> memref<1x32x513xf32, #tpu.memory_space<vmem>>
      %scatter3A_524 = tpu.memref_squeeze %scatter3A_523 : memref<1x32x513xf32, #tpu.memory_space<vmem>> -> memref<32x513xf32, #tpu.memory_space<vmem>>
      tpu.vector_store_idx %scatter3A_524[%iota3A, %broadcast_in_dim3A_519], %get3A_513 : memref<32x513xf32, #tpu.memory_space<vmem>>[vector<16xi32>, vector<16xi32>], vector<16xf32>,
      %scatter3A_525 = arith.constant 0 : i32
      %scatter3A_526 = arith.constant 0 : i32
      %scatter3A_527 = arith.constant 0 : i32
      %scatter3A_528 = tpu.memref_slice %arg7[%scatter3A_525, %scatter3A_526, %scatter3A_527] : memref<2x32x513xf32, #tpu.memory_space<vmem>> -> memref<1x32x513xf32, #tpu.memory_space<vmem>>
      %scatter3A_529 = tpu.memref_squeeze %scatter3A_528 : memref<1x32x513xf32, #tpu.memory_space<vmem>> -> memref<32x513xf32, #tpu.memory_space<vmem>>
      tpu.vector_store_idx %scatter3A_529[%add3A_7, %broadcast_in_dim3A_519], %get3A_518 : memref<32x513xf32, #tpu.memory_space<vmem>>[vector<16xi32>, vector<16xi32>], vector<16xf32>,
      %mul3A_530 = arith.constant 16 : i32
      %mul3A_531 = arith.muli %scan3A_207, %mul3A_530 : i32
      %add3A_532 = arith.constant 13 : i32
      %add3A_533 = arith.addi %mul3A_531, %add3A_532 : i32
      %get3A_534 = arith.constant 0 : i32
      %get3A_535 = arith.index_cast %get3A_534 : i32 to index
      %get3A_536 = arith.index_cast %add3A_533 : i32 to index
      %get3A_537 = arith.constant 0 : index
      %get3A_538 = tpu.vector_load %arg6[%get3A_535, %get3A_536, %get3A_537] {strides = array<i32>} : memref<2x512x32xf32, #tpu.memory_space<vmem>>, vector<16xf32>,
      %get3A_539 = arith.constant 0 : i32
      %get3A_540 = arith.index_cast %get3A_539 : i32 to index
      %get3A_541 = arith.index_cast %add3A_533 : i32 to index
      %get3A_542 = arith.constant 16 : index
      %get3A_543 = tpu.vector_load %arg6[%get3A_540, %get3A_541, %get3A_542] {strides = array<i32>} : memref<2x512x32xf32, #tpu.memory_space<vmem>>, vector<16xf32>,
      %broadcast_in_dim3A_544 = vector.broadcast %add3A_533 : i32 to vector<16xi32>
      %scatter3A_545 = arith.constant 0 : i32
      %scatter3A_546 = arith.constant 0 : i32
      %scatter3A_547 = arith.constant 0 : i32
      %scatter3A_548 = tpu.memref_slice %arg7[%scatter3A_545, %scatter3A_546, %scatter3A_547] : memref<2x32x513xf32, #tpu.memory_space<vmem>> -> memref<1x32x513xf32, #tpu.memory_space<vmem>>
      %scatter3A_549 = tpu.memref_squeeze %scatter3A_548 : memref<1x32x513xf32, #tpu.memory_space<vmem>> -> memref<32x513xf32, #tpu.memory_space<vmem>>
      tpu.vector_store_idx %scatter3A_549[%iota3A, %broadcast_in_dim3A_544], %get3A_538 : memref<32x513xf32, #tpu.memory_space<vmem>>[vector<16xi32>, vector<16xi32>], vector<16xf32>,
      %scatter3A_550 = arith.constant 0 : i32
      %scatter3A_551 = arith.constant 0 : i32
      %scatter3A_552 = arith.constant 0 : i32
      %scatter3A_553 = tpu.memref_slice %arg7[%scatter3A_550, %scatter3A_551, %scatter3A_552] : memref<2x32x513xf32, #tpu.memory_space<vmem>> -> memref<1x32x513xf32, #tpu.memory_space<vmem>>
      %scatter3A_554 = tpu.memref_squeeze %scatter3A_553 : memref<1x32x513xf32, #tpu.memory_space<vmem>> -> memref<32x513xf32, #tpu.memory_space<vmem>>
      tpu.vector_store_idx %scatter3A_554[%add3A_7, %broadcast_in_dim3A_544], %get3A_543 : memref<32x513xf32, #tpu.memory_space<vmem>>[vector<16xi32>, vector<16xi32>], vector<16xf32>,
      %mul3A_555 = arith.constant 16 : i32
      %mul3A_556 = arith.muli %scan3A_207, %mul3A_555 : i32
      %add3A_557 = arith.constant 14 : i32
      %add3A_558 = arith.addi %mul3A_556, %add3A_557 : i32
      %get3A_559 = arith.constant 0 : i32
      %get3A_560 = arith.index_cast %get3A_559 : i32 to index
      %get3A_561 = arith.index_cast %add3A_558 : i32 to index
      %get3A_562 = arith.constant 0 : index
      %get3A_563 = tpu.vector_load %arg6[%get3A_560, %get3A_561, %get3A_562] {strides = array<i32>} : memref<2x512x32xf32, #tpu.memory_space<vmem>>, vector<16xf32>,
      %get3A_564 = arith.constant 0 : i32
      %get3A_565 = arith.index_cast %get3A_564 : i32 to index
      %get3A_566 = arith.index_cast %add3A_558 : i32 to index
      %get3A_567 = arith.constant 16 : index
      %get3A_568 = tpu.vector_load %arg6[%get3A_565, %get3A_566, %get3A_567] {strides = array<i32>} : memref<2x512x32xf32, #tpu.memory_space<vmem>>, vector<16xf32>,
      %broadcast_in_dim3A_569 = vector.broadcast %add3A_558 : i32 to vector<16xi32>
      %scatter3A_570 = arith.constant 0 : i32
      %scatter3A_571 = arith.constant 0 : i32
      %scatter3A_572 = arith.constant 0 : i32
      %scatter3A_573 = tpu.memref_slice %arg7[%scatter3A_570, %scatter3A_571, %scatter3A_572] : memref<2x32x513xf32, #tpu.memory_space<vmem>> -> memref<1x32x513xf32, #tpu.memory_space<vmem>>
      %scatter3A_574 = tpu.memref_squeeze %scatter3A_573 : memref<1x32x513xf32, #tpu.memory_space<vmem>> -> memref<32x513xf32, #tpu.memory_space<vmem>>
      tpu.vector_store_idx %scatter3A_574[%iota3A, %broadcast_in_dim3A_569], %get3A_563 : memref<32x513xf32, #tpu.memory_space<vmem>>[vector<16xi32>, vector<16xi32>], vector<16xf32>,
      %scatter3A_575 = arith.constant 0 : i32
      %scatter3A_576 = arith.constant 0 : i32
      %scatter3A_577 = arith.constant 0 : i32
      %scatter3A_578 = tpu.memref_slice %arg7[%scatter3A_575, %scatter3A_576, %scatter3A_577] : memref<2x32x513xf32, #tpu.memory_space<vmem>> -> memref<1x32x513xf32, #tpu.memory_space<vmem>>
      %scatter3A_579 = tpu.memref_squeeze %scatter3A_578 : memref<1x32x513xf32, #tpu.memory_space<vmem>> -> memref<32x513xf32, #tpu.memory_space<vmem>>
      tpu.vector_store_idx %scatter3A_579[%add3A_7, %broadcast_in_dim3A_569], %get3A_568 : memref<32x513xf32, #tpu.memory_space<vmem>>[vector<16xi32>, vector<16xi32>], vector<16xf32>,
      %mul3A_580 = arith.constant 16 : i32
      %mul3A_581 = arith.muli %scan3A_207, %mul3A_580 : i32
      %add3A_582 = arith.constant 15 : i32
      %add3A_583 = arith.addi %mul3A_581, %add3A_582 : i32
      %get3A_584 = arith.constant 0 : i32
      %get3A_585 = arith.index_cast %get3A_584 : i32 to index
      %get3A_586 = arith.index_cast %add3A_583 : i32 to index
      %get3A_587 = arith.constant 0 : index
      %get3A_588 = tpu.vector_load %arg6[%get3A_585, %get3A_586, %get3A_587] {strides = array<i32>} : memref<2x512x32xf32, #tpu.memory_space<vmem>>, vector<16xf32>,
      %get3A_589 = arith.constant 0 : i32
      %get3A_590 = arith.index_cast %get3A_589 : i32 to index
      %get3A_591 = arith.index_cast %add3A_583 : i32 to index
      %get3A_592 = arith.constant 16 : index
      %get3A_593 = tpu.vector_load %arg6[%get3A_590, %get3A_591, %get3A_592] {strides = array<i32>} : memref<2x512x32xf32, #tpu.memory_space<vmem>>, vector<16xf32>,
      %broadcast_in_dim3A_594 = vector.broadcast %add3A_583 : i32 to vector<16xi32>
      %scatter3A_595 = arith.constant 0 : i32
      %scatter3A_596 = arith.constant 0 : i32
      %scatter3A_597 = arith.constant 0 : i32
      %scatter3A_598 = tpu.memref_slice %arg7[%scatter3A_595, %scatter3A_596, %scatter3A_597] : memref<2x32x513xf32, #tpu.memory_space<vmem>> -> memref<1x32x513xf32, #tpu.memory_space<vmem>>
      %scatter3A_599 = tpu.memref_squeeze %scatter3A_598 : memref<1x32x513xf32, #tpu.memory_space<vmem>> -> memref<32x513xf32, #tpu.memory_space<vmem>>
      tpu.vector_store_idx %scatter3A_599[%iota3A, %broadcast_in_dim3A_594], %get3A_588 : memref<32x513xf32, #tpu.memory_space<vmem>>[vector<16xi32>, vector<16xi32>], vector<16xf32>,
      %scatter3A_600 = arith.constant 0 : i32
      %scatter3A_601 = arith.constant 0 : i32
      %scatter3A_602 = arith.constant 0 : i32
      %scatter3A_603 = tpu.memref_slice %arg7[%scatter3A_600, %scatter3A_601, %scatter3A_602] : memref<2x32x513xf32, #tpu.memory_space<vmem>> -> memref<1x32x513xf32, #tpu.memory_space<vmem>>
      %scatter3A_604 = tpu.memref_squeeze %scatter3A_603 : memref<1x32x513xf32, #tpu.memory_space<vmem>> -> memref<32x513xf32, #tpu.memory_space<vmem>>
      tpu.vector_store_idx %scatter3A_604[%add3A_7, %broadcast_in_dim3A_594], %get3A_593 : memref<32x513xf32, #tpu.memory_space<vmem>>[vector<16xi32>, vector<16xi32>], vector<16xf32>,
    }
    %scan3A_40 = arith.constant 32 : i32
    %add3A_41 = arith.constant 0 : i32
    %add3A_42 = arith.addi %mul3A_4, %add3A_41 : i32
    %jit3A = arith.constant 32 : i32
    %div3A = arith.divsi %add3A_42, %jit3A : i32
    %sign3A = arith.constant 0 : i32
    %sign3A_43 = arith.cmpi sgt, %add3A_42, %sign3A : i32
    %sign3A_44 = arith.extui %sign3A_43 : i1 to i32
    %sign3A_45 = arith.constant 0 : i32
    %sign3A_46 = arith.cmpi slt, %add3A_42, %sign3A_45 : i32
    %sign3A_47 = arith.extui %sign3A_46 : i1 to i32
    %sign3A_48 = arith.subi %sign3A_44, %sign3A_47 : i32
    %sign3A_49 = arith.constant 0 : i32
    %sign3A_50 = arith.cmpi sgt, %jit3A, %sign3A_49 : i32
    %sign3A_51 = arith.extui %sign3A_50 : i1 to i32
    %sign3A_52 = arith.constant 0 : i32
    %sign3A_53 = arith.cmpi slt, %jit3A, %sign3A_52 : i32
    %sign3A_54 = arith.extui %sign3A_53 : i1 to i32
    %sign3A_55 = arith.subi %sign3A_51, %sign3A_54 : i32
    %ne3A = arith.cmpi ne, %sign3A_48, %sign3A_55 : i32
    %rem3A = arith.remsi %add3A_42, %jit3A : i32
    %ne3A_56 = arith.constant 0 : i32
    %ne3A_57 = arith.cmpi ne, %rem3A, %ne3A_56 : i32
    %and3A = arith.andi %ne3A, %ne3A_57 : i1
    %sub3A = arith.constant 1 : i32
    %sub3A_58 = arith.subi %div3A, %sub3A : i32
    %select_n3A = arith.select %and3A, %sub3A_58, %div3A : i32
    %jit3A_59 = arith.constant 32 : i32
    %eq3A = arith.constant 0 : i32
    %eq3A_60 = arith.cmpi eq, %jit3A_59, %eq3A : i32
    %jit3A_61 = arith.constant 1 : i32
    %select_n3A_62 = arith.select %eq3A_60, %jit3A_61, %jit3A_59 : i32
    %rem3A_63 = arith.remsi %add3A_42, %select_n3A_62 : i32
    %ne3A_64 = arith.constant 0 : i32
    %ne3A_65 = arith.cmpi ne, %rem3A_63, %ne3A_64 : i32
    %lt3A = arith.constant 0 : i32
    %lt3A_66 = arith.cmpi slt, %rem3A_63, %lt3A : i32
    %lt3A_67 = arith.constant 0 : i32
    %lt3A_68 = arith.cmpi slt, %select_n3A_62, %lt3A_67 : i32
    %ne3A_69 = arith.xori %lt3A_66, %lt3A_68 : i1
    %and3A_70 = arith.andi %ne3A_69, %ne3A_65 : i1
    %add3A_71 = arith.addi %rem3A_63, %select_n3A_62 : i32
    %select_n3A_72 = arith.select %and3A_70, %add3A_71, %rem3A_63 : i32
    %mul3A_73 = arith.constant 512 : i32
    %mul3A_74 = arith.muli %select_n3A_72, %mul3A_73 : i32
    %dma_start3A_75 = arith.constant 0 : i32
    %dma_start3A_76 = arith.constant 0 : i32
    %dma_start3A_77 = arith.constant 0 : i32
    %dma_start3A_78 = tpu.memref_slice %arg7[%dma_start3A_75, %dma_start3A_76, %dma_start3A_77] : memref<2x32x513xf32, #tpu.memory_space<vmem>> -> memref<1x32x512xf32, #tpu.memory_space<vmem>>
    %dma_start3A_79 = tpu.memref_squeeze %dma_start3A_78 : memref<1x32x512xf32, #tpu.memory_space<vmem>> -> memref<32x512xf32, #tpu.memory_space<vmem>>
    %dma_start3A_80 = arith.constant 0 : i32
    %dma_start3A_81 = tpu.memref_slice %arg4[%select_n3A, %dma_start3A_80, %mul3A_74] : memref<50x32x16384xf32, #tpu.memory_space<hbm>> -> memref<1x32x512xf32, #tpu.memory_space<hbm>>
    %dma_start3A_82 = tpu.memref_squeeze %dma_start3A_81 : memref<1x32x512xf32, #tpu.memory_space<hbm>> -> memref<32x512xf32, #tpu.memory_space<hbm>>
    %dma_start3A_83 = arith.constant 0 : i32
    %dma_start3A_84 = tpu.memref_slice %arg4[%select_n3A, %dma_start3A_83, %mul3A_74] : memref<50x32x16384xf32, #tpu.memory_space<hbm>> -> memref<1x32x512xf32, #tpu.memory_space<hbm>>
    %dma_start3A_85 = tpu.memref_squeeze %dma_start3A_84 : memref<1x32x512xf32, #tpu.memory_space<hbm>> -> memref<32x512xf32, #tpu.memory_space<hbm>>
    %dma_start3A_86 = arith.constant 0 : i32
    %dma_start3A_87 = arith.constant 0 : i32
    %dma_start3A_88 = tpu.memref_slice %arg7[%dma_start3A_75, %dma_start3A_86, %dma_start3A_87] : memref<2x32x513xf32, #tpu.memory_space<vmem>> -> memref<1x32x512xf32, #tpu.memory_space<vmem>>
    %dma_start3A_89 = tpu.memref_squeeze %dma_start3A_88 : memref<1x32x512xf32, #tpu.memory_space<vmem>> -> memref<32x512xf32, #tpu.memory_space<vmem>>
    tpu.enqueue_dma source(%dma_start3A_89 : memref<32x512xf32, #tpu.memory_space<vmem>>) target(%dma_start3A_85 : memref<32x512xf32, #tpu.memory_space<hbm>>) target_semaphore(%arg9 : memref<!tpu.dma_semaphore, #tpu.memory_space<semaphore_mem>>)
    %dma_wait3A_90 = arith.constant 1 : i32
    %dma_wait3A_91 = arith.constant 0 : i32
    %dma_wait3A_92 = arith.constant 0 : i32
    %dma_wait3A_93 = tpu.memref_slice %arg6[%dma_wait3A_90, %dma_wait3A_91, %dma_wait3A_92] : memref<2x512x32xf32, #tpu.memory_space<vmem>> -> memref<1x512x32xf32, #tpu.memory_space<vmem>>
    %dma_wait3A_94 = tpu.memref_squeeze %dma_wait3A_93 : memref<1x512x32xf32, #tpu.memory_space<vmem>> -> memref<512x32xf32, #tpu.memory_space<vmem>>
    %dma_wait3A_95 = arith.constant 512 : i32
    %dma_wait3A_96 = tpu.memref_slice %arg5[%dma_wait3A_95] : memref<25600xi32, #tpu.memory_space<vmem>> -> memref<512xi32, #tpu.memory_space<vmem>>
    %dma_wait3A_97 = arith.constant 0 : i32
    %dma_wait3A_98 = arith.constant 0 : i32
    %dma_wait3A_99 = tpu.memref_slice %arg2[%dma_wait3A_97, %dma_wait3A_98] : memref<1000000x32xf32, #tpu.memory_space<hbm>> -> memref<1000000x32xf32, #tpu.memory_space<hbm>>
    tpu.wait_indirect_dma semaphore(%arg8 : memref<!tpu.dma_semaphore, #tpu.memory_space<semaphore_mem>>) src(%dma_wait3A_99 : memref<1000000x32xf32, #tpu.memory_space<hbm>>) dst(%dma_wait3A_94 : memref<512x32xf32, #tpu.memory_space<vmem>>)
    %scan3A_100 = arith.constant 0 : i32
    %scan3A_101 = arith.constant 0 : i32
    %scan3A_102 = arith.constant 32 : i32
    %scan3A_103 = arith.addi %scan3A_101, %scan3A_102 : i32
    %scan3A_104 = arith.constant 1 : i32
    scf.for %scan3A_207 = %scan3A_101 to %scan3A_103 step %scan3A_104  : i32 {
      %mul3A_208 = arith.constant 16 : i32
      %mul3A_209 = arith.muli %scan3A_207, %mul3A_208 : i32
      %add3A_210 = arith.constant 0 : i32
      %add3A_211 = arith.addi %mul3A_209, %add3A_210 : i32
      %get3A = arith.constant 1 : i32
      %get3A_212 = arith.index_cast %get3A : i32 to index
      %get3A_213 = arith.index_cast %add3A_211 : i32 to index
      %get3A_214 = arith.constant 0 : index
      %get3A_215 = tpu.vector_load %arg6[%get3A_212, %get3A_213, %get3A_214] {strides = array<i32>} : memref<2x512x32xf32, #tpu.memory_space<vmem>>, vector<16xf32>,
      %get3A_216 = arith.constant 1 : i32
      %get3A_217 = arith.index_cast %get3A_216 : i32 to index
      %get3A_218 = arith.index_cast %add3A_211 : i32 to index
      %get3A_219 = arith.constant 16 : index
      %get3A_220 = tpu.vector_load %arg6[%get3A_217, %get3A_218, %get3A_219] {strides = array<i32>} : memref<2x512x32xf32, #tpu.memory_space<vmem>>, vector<16xf32>,
      %broadcast_in_dim3A = vector.broadcast %add3A_211 : i32 to vector<16xi32>
      %scatter3A = arith.constant 1 : i32
      %scatter3A_221 = arith.constant 0 : i32
      %scatter3A_222 = arith.constant 0 : i32
      %scatter3A_223 = tpu.memref_slice %arg7[%scatter3A, %scatter3A_221, %scatter3A_222] : memref<2x32x513xf32, #tpu.memory_space<vmem>> -> memref<1x32x513xf32, #tpu.memory_space<vmem>>
      %scatter3A_224 = tpu.memref_squeeze %scatter3A_223 : memref<1x32x513xf32, #tpu.memory_space<vmem>> -> memref<32x513xf32, #tpu.memory_space<vmem>>
      tpu.vector_store_idx %scatter3A_224[%iota3A, %broadcast_in_dim3A], %get3A_215 : memref<32x513xf32, #tpu.memory_space<vmem>>[vector<16xi32>, vector<16xi32>], vector<16xf32>,
      %scatter3A_225 = arith.constant 1 : i32
      %scatter3A_226 = arith.constant 0 : i32
      %scatter3A_227 = arith.constant 0 : i32
      %scatter3A_228 = tpu.memref_slice %arg7[%scatter3A_225, %scatter3A_226, %scatter3A_227] : memref<2x32x513xf32, #tpu.memory_space<vmem>> -> memref<1x32x513xf32, #tpu.memory_space<vmem>>
      %scatter3A_229 = tpu.memref_squeeze %scatter3A_228 : memref<1x32x513xf32, #tpu.memory_space<vmem>> -> memref<32x513xf32, #tpu.memory_space<vmem>>
      tpu.vector_store_idx %scatter3A_229[%add3A_7, %broadcast_in_dim3A], %get3A_220 : memref<32x513xf32, #tpu.memory_space<vmem>>[vector<16xi32>, vector<16xi32>], vector<16xf32>,
      %mul3A_230 = arith.constant 16 : i32
      %mul3A_231 = arith.muli %scan3A_207, %mul3A_230 : i32
      %add3A_232 = arith.constant 1 : i32
      %add3A_233 = arith.addi %mul3A_231, %add3A_232 : i32
      %get3A_234 = arith.constant 1 : i32
      %get3A_235 = arith.index_cast %get3A_234 : i32 to index
      %get3A_236 = arith.index_cast %add3A_233 : i32 to index
      %get3A_237 = arith.constant 0 : index
      %get3A_238 = tpu.vector_load %arg6[%get3A_235, %get3A_236, %get3A_237] {strides = array<i32>} : memref<2x512x32xf32, #tpu.memory_space<vmem>>, vector<16xf32>,
      %get3A_239 = arith.constant 1 : i32
      %get3A_240 = arith.index_cast %get3A_239 : i32 to index
      %get3A_241 = arith.index_cast %add3A_233 : i32 to index
      %get3A_242 = arith.constant 16 : index
      %get3A_243 = tpu.vector_load %arg6[%get3A_240, %get3A_241, %get3A_242] {strides = array<i32>} : memref<2x512x32xf32, #tpu.memory_space<vmem>>, vector<16xf32>,
      %broadcast_in_dim3A_244 = vector.broadcast %add3A_233 : i32 to vector<16xi32>
      %scatter3A_245 = arith.constant 1 : i32
      %scatter3A_246 = arith.constant 0 : i32
      %scatter3A_247 = arith.constant 0 : i32
      %scatter3A_248 = tpu.memref_slice %arg7[%scatter3A_245, %scatter3A_246, %scatter3A_247] : memref<2x32x513xf32, #tpu.memory_space<vmem>> -> memref<1x32x513xf32, #tpu.memory_space<vmem>>
      %scatter3A_249 = tpu.memref_squeeze %scatter3A_248 : memref<1x32x513xf32, #tpu.memory_space<vmem>> -> memref<32x513xf32, #tpu.memory_space<vmem>>
      tpu.vector_store_idx %scatter3A_249[%iota3A, %broadcast_in_dim3A_244], %get3A_238 : memref<32x513xf32, #tpu.memory_space<vmem>>[vector<16xi32>, vector<16xi32>], vector<16xf32>,
      %scatter3A_250 = arith.constant 1 : i32
      %scatter3A_251 = arith.constant 0 : i32
      %scatter3A_252 = arith.constant 0 : i32
      %scatter3A_253 = tpu.memref_slice %arg7[%scatter3A_250, %scatter3A_251, %scatter3A_252] : memref<2x32x513xf32, #tpu.memory_space<vmem>> -> memref<1x32x513xf32, #tpu.memory_space<vmem>>
      %scatter3A_254 = tpu.memref_squeeze %scatter3A_253 : memref<1x32x513xf32, #tpu.memory_space<vmem>> -> memref<32x513xf32, #tpu.memory_space<vmem>>
      tpu.vector_store_idx %scatter3A_254[%add3A_7, %broadcast_in_dim3A_244], %get3A_243 : memref<32x513xf32, #tpu.memory_space<vmem>>[vector<16xi32>, vector<16xi32>], vector<16xf32>,
      %mul3A_255 = arith.constant 16 : i32
      %mul3A_256 = arith.muli %scan3A_207, %mul3A_255 : i32
      %add3A_257 = arith.constant 2 : i32
      %add3A_258 = arith.addi %mul3A_256, %add3A_257 : i32
      %get3A_259 = arith.constant 1 : i32
      %get3A_260 = arith.index_cast %get3A_259 : i32 to index
      %get3A_261 = arith.index_cast %add3A_258 : i32 to index
      %get3A_262 = arith.constant 0 : index
      %get3A_263 = tpu.vector_load %arg6[%get3A_260, %get3A_261, %get3A_262] {strides = array<i32>} : memref<2x512x32xf32, #tpu.memory_space<vmem>>, vector<16xf32>,
      %get3A_264 = arith.constant 1 : i32
      %get3A_265 = arith.index_cast %get3A_264 : i32 to index
      %get3A_266 = arith.index_cast %add3A_258 : i32 to index
      %get3A_267 = arith.constant 16 : index
      %get3A_268 = tpu.vector_load %arg6[%get3A_265, %get3A_266, %get3A_267] {strides = array<i32>} : memref<2x512x32xf32, #tpu.memory_space<vmem>>, vector<16xf32>,
      %broadcast_in_dim3A_269 = vector.broadcast %add3A_258 : i32 to vector<16xi32>
      %scatter3A_270 = arith.constant 1 : i32
      %scatter3A_271 = arith.constant 0 : i32
      %scatter3A_272 = arith.constant 0 : i32
      %scatter3A_273 = tpu.memref_slice %arg7[%scatter3A_270, %scatter3A_271, %scatter3A_272] : memref<2x32x513xf32, #tpu.memory_space<vmem>> -> memref<1x32x513xf32, #tpu.memory_space<vmem>>
      %scatter3A_274 = tpu.memref_squeeze %scatter3A_273 : memref<1x32x513xf32, #tpu.memory_space<vmem>> -> memref<32x513xf32, #tpu.memory_space<vmem>>
      tpu.vector_store_idx %scatter3A_274[%iota3A, %broadcast_in_dim3A_269], %get3A_263 : memref<32x513xf32, #tpu.memory_space<vmem>>[vector<16xi32>, vector<16xi32>], vector<16xf32>,
      %scatter3A_275 = arith.constant 1 : i32
      %scatter3A_276 = arith.constant 0 : i32
      %scatter3A_277 = arith.constant 0 : i32
      %scatter3A_278 = tpu.memref_slice %arg7[%scatter3A_275, %scatter3A_276, %scatter3A_277] : memref<2x32x513xf32, #tpu.memory_space<vmem>> -> memref<1x32x513xf32, #tpu.memory_space<vmem>>
      %scatter3A_279 = tpu.memref_squeeze %scatter3A_278 : memref<1x32x513xf32, #tpu.memory_space<vmem>> -> memref<32x513xf32, #tpu.memory_space<vmem>>
      tpu.vector_store_idx %scatter3A_279[%add3A_7, %broadcast_in_dim3A_269], %get3A_268 : memref<32x513xf32, #tpu.memory_space<vmem>>[vector<16xi32>, vector<16xi32>], vector<16xf32>,
      %mul3A_280 = arith.constant 16 : i32
      %mul3A_281 = arith.muli %scan3A_207, %mul3A_280 : i32
      %add3A_282 = arith.constant 3 : i32
      %add3A_283 = arith.addi %mul3A_281, %add3A_282 : i32
      %get3A_284 = arith.constant 1 : i32
      %get3A_285 = arith.index_cast %get3A_284 : i32 to index
      %get3A_286 = arith.index_cast %add3A_283 : i32 to index
      %get3A_287 = arith.constant 0 : index
      %get3A_288 = tpu.vector_load %arg6[%get3A_285, %get3A_286, %get3A_287] {strides = array<i32>} : memref<2x512x32xf32, #tpu.memory_space<vmem>>, vector<16xf32>,
      %get3A_289 = arith.constant 1 : i32
      %get3A_290 = arith.index_cast %get3A_289 : i32 to index
      %get3A_291 = arith.index_cast %add3A_283 : i32 to index
      %get3A_292 = arith.constant 16 : index
      %get3A_293 = tpu.vector_load %arg6[%get3A_290, %get3A_291, %get3A_292] {strides = array<i32>} : memref<2x512x32xf32, #tpu.memory_space<vmem>>, vector<16xf32>,
      %broadcast_in_dim3A_294 = vector.broadcast %add3A_283 : i32 to vector<16xi32>
      %scatter3A_295 = arith.constant 1 : i32
      %scatter3A_296 = arith.constant 0 : i32
      %scatter3A_297 = arith.constant 0 : i32
      %scatter3A_298 = tpu.memref_slice %arg7[%scatter3A_295, %scatter3A_296, %scatter3A_297] : memref<2x32x513xf32, #tpu.memory_space<vmem>> -> memref<1x32x513xf32, #tpu.memory_space<vmem>>
      %scatter3A_299 = tpu.memref_squeeze %scatter3A_298 : memref<1x32x513xf32, #tpu.memory_space<vmem>> -> memref<32x513xf32, #tpu.memory_space<vmem>>
      tpu.vector_store_idx %scatter3A_299[%iota3A, %broadcast_in_dim3A_294], %get3A_288 : memref<32x513xf32, #tpu.memory_space<vmem>>[vector<16xi32>, vector<16xi32>], vector<16xf32>,
      %scatter3A_300 = arith.constant 1 : i32
      %scatter3A_301 = arith.constant 0 : i32
      %scatter3A_302 = arith.constant 0 : i32
      %scatter3A_303 = tpu.memref_slice %arg7[%scatter3A_300, %scatter3A_301, %scatter3A_302] : memref<2x32x513xf32, #tpu.memory_space<vmem>> -> memref<1x32x513xf32, #tpu.memory_space<vmem>>
      %scatter3A_304 = tpu.memref_squeeze %scatter3A_303 : memref<1x32x513xf32, #tpu.memory_space<vmem>> -> memref<32x513xf32, #tpu.memory_space<vmem>>
      tpu.vector_store_idx %scatter3A_304[%add3A_7, %broadcast_in_dim3A_294], %get3A_293 : memref<32x513xf32, #tpu.memory_space<vmem>>[vector<16xi32>, vector<16xi32>], vector<16xf32>,
      %mul3A_305 = arith.constant 16 : i32
      %mul3A_306 = arith.muli %scan3A_207, %mul3A_305 : i32
      %add3A_307 = arith.constant 4 : i32
      %add3A_308 = arith.addi %mul3A_306, %add3A_307 : i32
      %get3A_309 = arith.constant 1 : i32
      %get3A_310 = arith.index_cast %get3A_309 : i32 to index
      %get3A_311 = arith.index_cast %add3A_308 : i32 to index
      %get3A_312 = arith.constant 0 : index
      %get3A_313 = tpu.vector_load %arg6[%get3A_310, %get3A_311, %get3A_312] {strides = array<i32>} : memref<2x512x32xf32, #tpu.memory_space<vmem>>, vector<16xf32>,
      %get3A_314 = arith.constant 1 : i32
      %get3A_315 = arith.index_cast %get3A_314 : i32 to index
      %get3A_316 = arith.index_cast %add3A_308 : i32 to index
      %get3A_317 = arith.constant 16 : index
      %get3A_318 = tpu.vector_load %arg6[%get3A_315, %get3A_316, %get3A_317] {strides = array<i32>} : memref<2x512x32xf32, #tpu.memory_space<vmem>>, vector<16xf32>,
      %broadcast_in_dim3A_319 = vector.broadcast %add3A_308 : i32 to vector<16xi32>
      %scatter3A_320 = arith.constant 1 : i32
      %scatter3A_321 = arith.constant 0 : i32
      %scatter3A_322 = arith.constant 0 : i32
      %scatter3A_323 = tpu.memref_slice %arg7[%scatter3A_320, %scatter3A_321, %scatter3A_322] : memref<2x32x513xf32, #tpu.memory_space<vmem>> -> memref<1x32x513xf32, #tpu.memory_space<vmem>>
      %scatter3A_324 = tpu.memref_squeeze %scatter3A_323 : memref<1x32x513xf32, #tpu.memory_space<vmem>> -> memref<32x513xf32, #tpu.memory_space<vmem>>
      tpu.vector_store_idx %scatter3A_324[%iota3A, %broadcast_in_dim3A_319], %get3A_313 : memref<32x513xf32, #tpu.memory_space<vmem>>[vector<16xi32>, vector<16xi32>], vector<16xf32>,
      %scatter3A_325 = arith.constant 1 : i32
      %scatter3A_326 = arith.constant 0 : i32
      %scatter3A_327 = arith.constant 0 : i32
      %scatter3A_328 = tpu.memref_slice %arg7[%scatter3A_325, %scatter3A_326, %scatter3A_327] : memref<2x32x513xf32, #tpu.memory_space<vmem>> -> memref<1x32x513xf32, #tpu.memory_space<vmem>>
      %scatter3A_329 = tpu.memref_squeeze %scatter3A_328 : memref<1x32x513xf32, #tpu.memory_space<vmem>> -> memref<32x513xf32, #tpu.memory_space<vmem>>
      tpu.vector_store_idx %scatter3A_329[%add3A_7, %broadcast_in_dim3A_319], %get3A_318 : memref<32x513xf32, #tpu.memory_space<vmem>>[vector<16xi32>, vector<16xi32>], vector<16xf32>,
      %mul3A_330 = arith.constant 16 : i32
      %mul3A_331 = arith.muli %scan3A_207, %mul3A_330 : i32
      %add3A_332 = arith.constant 5 : i32
      %add3A_333 = arith.addi %mul3A_331, %add3A_332 : i32
      %get3A_334 = arith.constant 1 : i32
      %get3A_335 = arith.index_cast %get3A_334 : i32 to index
      %get3A_336 = arith.index_cast %add3A_333 : i32 to index
      %get3A_337 = arith.constant 0 : index
      %get3A_338 = tpu.vector_load %arg6[%get3A_335, %get3A_336, %get3A_337] {strides = array<i32>} : memref<2x512x32xf32, #tpu.memory_space<vmem>>, vector<16xf32>,
      %get3A_339 = arith.constant 1 : i32
      %get3A_340 = arith.index_cast %get3A_339 : i32 to index
      %get3A_341 = arith.index_cast %add3A_333 : i32 to index
      %get3A_342 = arith.constant 16 : index
      %get3A_343 = tpu.vector_load %arg6[%get3A_340, %get3A_341, %get3A_342] {strides = array<i32>} : memref<2x512x32xf32, #tpu.memory_space<vmem>>, vector<16xf32>,
      %broadcast_in_dim3A_344 = vector.broadcast %add3A_333 : i32 to vector<16xi32>
      %scatter3A_345 = arith.constant 1 : i32
      %scatter3A_346 = arith.constant 0 : i32
      %scatter3A_347 = arith.constant 0 : i32
      %scatter3A_348 = tpu.memref_slice %arg7[%scatter3A_345, %scatter3A_346, %scatter3A_347] : memref<2x32x513xf32, #tpu.memory_space<vmem>> -> memref<1x32x513xf32, #tpu.memory_space<vmem>>
      %scatter3A_349 = tpu.memref_squeeze %scatter3A_348 : memref<1x32x513xf32, #tpu.memory_space<vmem>> -> memref<32x513xf32, #tpu.memory_space<vmem>>
      tpu.vector_store_idx %scatter3A_349[%iota3A, %broadcast_in_dim3A_344], %get3A_338 : memref<32x513xf32, #tpu.memory_space<vmem>>[vector<16xi32>, vector<16xi32>], vector<16xf32>,
      %scatter3A_350 = arith.constant 1 : i32
      %scatter3A_351 = arith.constant 0 : i32
      %scatter3A_352 = arith.constant 0 : i32
      %scatter3A_353 = tpu.memref_slice %arg7[%scatter3A_350, %scatter3A_351, %scatter3A_352] : memref<2x32x513xf32, #tpu.memory_space<vmem>> -> memref<1x32x513xf32, #tpu.memory_space<vmem>>
      %scatter3A_354 = tpu.memref_squeeze %scatter3A_353 : memref<1x32x513xf32, #tpu.memory_space<vmem>> -> memref<32x513xf32, #tpu.memory_space<vmem>>
      tpu.vector_store_idx %scatter3A_354[%add3A_7, %broadcast_in_dim3A_344], %get3A_343 : memref<32x513xf32, #tpu.memory_space<vmem>>[vector<16xi32>, vector<16xi32>], vector<16xf32>,
      %mul3A_355 = arith.constant 16 : i32
      %mul3A_356 = arith.muli %scan3A_207, %mul3A_355 : i32
      %add3A_357 = arith.constant 6 : i32
      %add3A_358 = arith.addi %mul3A_356, %add3A_357 : i32
      %get3A_359 = arith.constant 1 : i32
      %get3A_360 = arith.index_cast %get3A_359 : i32 to index
      %get3A_361 = arith.index_cast %add3A_358 : i32 to index
      %get3A_362 = arith.constant 0 : index
      %get3A_363 = tpu.vector_load %arg6[%get3A_360, %get3A_361, %get3A_362] {strides = array<i32>} : memref<2x512x32xf32, #tpu.memory_space<vmem>>, vector<16xf32>,
      %get3A_364 = arith.constant 1 : i32
      %get3A_365 = arith.index_cast %get3A_364 : i32 to index
      %get3A_366 = arith.index_cast %add3A_358 : i32 to index
      %get3A_367 = arith.constant 16 : index
      %get3A_368 = tpu.vector_load %arg6[%get3A_365, %get3A_366, %get3A_367] {strides = array<i32>} : memref<2x512x32xf32, #tpu.memory_space<vmem>>, vector<16xf32>,
      %broadcast_in_dim3A_369 = vector.broadcast %add3A_358 : i32 to vector<16xi32>
      %scatter3A_370 = arith.constant 1 : i32
      %scatter3A_371 = arith.constant 0 : i32
      %scatter3A_372 = arith.constant 0 : i32
      %scatter3A_373 = tpu.memref_slice %arg7[%scatter3A_370, %scatter3A_371, %scatter3A_372] : memref<2x32x513xf32, #tpu.memory_space<vmem>> -> memref<1x32x513xf32, #tpu.memory_space<vmem>>
      %scatter3A_374 = tpu.memref_squeeze %scatter3A_373 : memref<1x32x513xf32, #tpu.memory_space<vmem>> -> memref<32x513xf32, #tpu.memory_space<vmem>>
      tpu.vector_store_idx %scatter3A_374[%iota3A, %broadcast_in_dim3A_369], %get3A_363 : memref<32x513xf32, #tpu.memory_space<vmem>>[vector<16xi32>, vector<16xi32>], vector<16xf32>,
      %scatter3A_375 = arith.constant 1 : i32
      %scatter3A_376 = arith.constant 0 : i32
      %scatter3A_377 = arith.constant 0 : i32
      %scatter3A_378 = tpu.memref_slice %arg7[%scatter3A_375, %scatter3A_376, %scatter3A_377] : memref<2x32x513xf32, #tpu.memory_space<vmem>> -> memref<1x32x513xf32, #tpu.memory_space<vmem>>
      %scatter3A_379 = tpu.memref_squeeze %scatter3A_378 : memref<1x32x513xf32, #tpu.memory_space<vmem>> -> memref<32x513xf32, #tpu.memory_space<vmem>>
      tpu.vector_store_idx %scatter3A_379[%add3A_7, %broadcast_in_dim3A_369], %get3A_368 : memref<32x513xf32, #tpu.memory_space<vmem>>[vector<16xi32>, vector<16xi32>], vector<16xf32>,
      %mul3A_380 = arith.constant 16 : i32
      %mul3A_381 = arith.muli %scan3A_207, %mul3A_380 : i32
      %add3A_382 = arith.constant 7 : i32
      %add3A_383 = arith.addi %mul3A_381, %add3A_382 : i32
      %get3A_384 = arith.constant 1 : i32
      %get3A_385 = arith.index_cast %get3A_384 : i32 to index
      %get3A_386 = arith.index_cast %add3A_383 : i32 to index
      %get3A_387 = arith.constant 0 : index
      %get3A_388 = tpu.vector_load %arg6[%get3A_385, %get3A_386, %get3A_387] {strides = array<i32>} : memref<2x512x32xf32, #tpu.memory_space<vmem>>, vector<16xf32>,
      %get3A_389 = arith.constant 1 : i32
      %get3A_390 = arith.index_cast %get3A_389 : i32 to index
      %get3A_391 = arith.index_cast %add3A_383 : i32 to index
      %get3A_392 = arith.constant 16 : index
      %get3A_393 = tpu.vector_load %arg6[%get3A_390, %get3A_391, %get3A_392] {strides = array<i32>} : memref<2x512x32xf32, #tpu.memory_space<vmem>>, vector<16xf32>,
      %broadcast_in_dim3A_394 = vector.broadcast %add3A_383 : i32 to vector<16xi32>
      %scatter3A_395 = arith.constant 1 : i32
      %scatter3A_396 = arith.constant 0 : i32
      %scatter3A_397 = arith.constant 0 : i32
      %scatter3A_398 = tpu.memref_slice %arg7[%scatter3A_395, %scatter3A_396, %scatter3A_397] : memref<2x32x513xf32, #tpu.memory_space<vmem>> -> memref<1x32x513xf32, #tpu.memory_space<vmem>>
      %scatter3A_399 = tpu.memref_squeeze %scatter3A_398 : memref<1x32x513xf32, #tpu.memory_space<vmem>> -> memref<32x513xf32, #tpu.memory_space<vmem>>
      tpu.vector_store_idx %scatter3A_399[%iota3A, %broadcast_in_dim3A_394], %get3A_388 : memref<32x513xf32, #tpu.memory_space<vmem>>[vector<16xi32>, vector<16xi32>], vector<16xf32>,
      %scatter3A_400 = arith.constant 1 : i32
      %scatter3A_401 = arith.constant 0 : i32
      %scatter3A_402 = arith.constant 0 : i32
      %scatter3A_403 = tpu.memref_slice %arg7[%scatter3A_400, %scatter3A_401, %scatter3A_402] : memref<2x32x513xf32, #tpu.memory_space<vmem>> -> memref<1x32x513xf32, #tpu.memory_space<vmem>>
      %scatter3A_404 = tpu.memref_squeeze %scatter3A_403 : memref<1x32x513xf32, #tpu.memory_space<vmem>> -> memref<32x513xf32, #tpu.memory_space<vmem>>
      tpu.vector_store_idx %scatter3A_404[%add3A_7, %broadcast_in_dim3A_394], %get3A_393 : memref<32x513xf32, #tpu.memory_space<vmem>>[vector<16xi32>, vector<16xi32>], vector<16xf32>,
      %mul3A_405 = arith.constant 16 : i32
      %mul3A_406 = arith.muli %scan3A_207, %mul3A_405 : i32
      %add3A_407 = arith.constant 8 : i32
      %add3A_408 = arith.addi %mul3A_406, %add3A_407 : i32
      %get3A_409 = arith.constant 1 : i32
      %get3A_410 = arith.index_cast %get3A_409 : i32 to index
      %get3A_411 = arith.index_cast %add3A_408 : i32 to index
      %get3A_412 = arith.constant 0 : index
      %get3A_413 = tpu.vector_load %arg6[%get3A_410, %get3A_411, %get3A_412] {strides = array<i32>} : memref<2x512x32xf32, #tpu.memory_space<vmem>>, vector<16xf32>,
      %get3A_414 = arith.constant 1 : i32
      %get3A_415 = arith.index_cast %get3A_414 : i32 to index
      %get3A_416 = arith.index_cast %add3A_408 : i32 to index
      %get3A_417 = arith.constant 16 : index
      %get3A_418 = tpu.vector_load %arg6[%get3A_415, %get3A_416, %get3A_417] {strides = array<i32>} : memref<2x512x32xf32, #tpu.memory_space<vmem>>, vector<16xf32>,
      %broadcast_in_dim3A_419 = vector.broadcast %add3A_408 : i32 to vector<16xi32>
      %scatter3A_420 = arith.constant 1 : i32
      %scatter3A_421 = arith.constant 0 : i32
      %scatter3A_422 = arith.constant 0 : i32
      %scatter3A_423 = tpu.memref_slice %arg7[%scatter3A_420, %scatter3A_421, %scatter3A_422] : memref<2x32x513xf32, #tpu.memory_space<vmem>> -> memref<1x32x513xf32, #tpu.memory_space<vmem>>
      %scatter3A_424 = tpu.memref_squeeze %scatter3A_423 : memref<1x32x513xf32, #tpu.memory_space<vmem>> -> memref<32x513xf32, #tpu.memory_space<vmem>>
      tpu.vector_store_idx %scatter3A_424[%iota3A, %broadcast_in_dim3A_419], %get3A_413 : memref<32x513xf32, #tpu.memory_space<vmem>>[vector<16xi32>, vector<16xi32>], vector<16xf32>,
      %scatter3A_425 = arith.constant 1 : i32
      %scatter3A_426 = arith.constant 0 : i32
      %scatter3A_427 = arith.constant 0 : i32
      %scatter3A_428 = tpu.memref_slice %arg7[%scatter3A_425, %scatter3A_426, %scatter3A_427] : memref<2x32x513xf32, #tpu.memory_space<vmem>> -> memref<1x32x513xf32, #tpu.memory_space<vmem>>
      %scatter3A_429 = tpu.memref_squeeze %scatter3A_428 : memref<1x32x513xf32, #tpu.memory_space<vmem>> -> memref<32x513xf32, #tpu.memory_space<vmem>>
      tpu.vector_store_idx %scatter3A_429[%add3A_7, %broadcast_in_dim3A_419], %get3A_418 : memref<32x513xf32, #tpu.memory_space<vmem>>[vector<16xi32>, vector<16xi32>], vector<16xf32>,
      %mul3A_430 = arith.constant 16 : i32
      %mul3A_431 = arith.muli %scan3A_207, %mul3A_430 : i32
      %add3A_432 = arith.constant 9 : i32
      %add3A_433 = arith.addi %mul3A_431, %add3A_432 : i32
      %get3A_434 = arith.constant 1 : i32
      %get3A_435 = arith.index_cast %get3A_434 : i32 to index
      %get3A_436 = arith.index_cast %add3A_433 : i32 to index
      %get3A_437 = arith.constant 0 : index
      %get3A_438 = tpu.vector_load %arg6[%get3A_435, %get3A_436, %get3A_437] {strides = array<i32>} : memref<2x512x32xf32, #tpu.memory_space<vmem>>, vector<16xf32>,
      %get3A_439 = arith.constant 1 : i32
      %get3A_440 = arith.index_cast %get3A_439 : i32 to index
      %get3A_441 = arith.index_cast %add3A_433 : i32 to index
      %get3A_442 = arith.constant 16 : index
      %get3A_443 = tpu.vector_load %arg6[%get3A_440, %get3A_441, %get3A_442] {strides = array<i32>} : memref<2x512x32xf32, #tpu.memory_space<vmem>>, vector<16xf32>,
      %broadcast_in_dim3A_444 = vector.broadcast %add3A_433 : i32 to vector<16xi32>
      %scatter3A_445 = arith.constant 1 : i32
      %scatter3A_446 = arith.constant 0 : i32
      %scatter3A_447 = arith.constant 0 : i32
      %scatter3A_448 = tpu.memref_slice %arg7[%scatter3A_445, %scatter3A_446, %scatter3A_447] : memref<2x32x513xf32, #tpu.memory_space<vmem>> -> memref<1x32x513xf32, #tpu.memory_space<vmem>>
      %scatter3A_449 = tpu.memref_squeeze %scatter3A_448 : memref<1x32x513xf32, #tpu.memory_space<vmem>> -> memref<32x513xf32, #tpu.memory_space<vmem>>
      tpu.vector_store_idx %scatter3A_449[%iota3A, %broadcast_in_dim3A_444], %get3A_438 : memref<32x513xf32, #tpu.memory_space<vmem>>[vector<16xi32>, vector<16xi32>], vector<16xf32>,
      %scatter3A_450 = arith.constant 1 : i32
      %scatter3A_451 = arith.constant 0 : i32
      %scatter3A_452 = arith.constant 0 : i32
      %scatter3A_453 = tpu.memref_slice %arg7[%scatter3A_450, %scatter3A_451, %scatter3A_452] : memref<2x32x513xf32, #tpu.memory_space<vmem>> -> memref<1x32x513xf32, #tpu.memory_space<vmem>>
      %scatter3A_454 = tpu.memref_squeeze %scatter3A_453 : memref<1x32x513xf32, #tpu.memory_space<vmem>> -> memref<32x513xf32, #tpu.memory_space<vmem>>
      tpu.vector_store_idx %scatter3A_454[%add3A_7, %broadcast_in_dim3A_444], %get3A_443 : memref<32x513xf32, #tpu.memory_space<vmem>>[vector<16xi32>, vector<16xi32>], vector<16xf32>,
      %mul3A_455 = arith.constant 16 : i32
      %mul3A_456 = arith.muli %scan3A_207, %mul3A_455 : i32
      %add3A_457 = arith.constant 10 : i32
      %add3A_458 = arith.addi %mul3A_456, %add3A_457 : i32
      %get3A_459 = arith.constant 1 : i32
      %get3A_460 = arith.index_cast %get3A_459 : i32 to index
      %get3A_461 = arith.index_cast %add3A_458 : i32 to index
      %get3A_462 = arith.constant 0 : index
      %get3A_463 = tpu.vector_load %arg6[%get3A_460, %get3A_461, %get3A_462] {strides = array<i32>} : memref<2x512x32xf32, #tpu.memory_space<vmem>>, vector<16xf32>,
      %get3A_464 = arith.constant 1 : i32
      %get3A_465 = arith.index_cast %get3A_464 : i32 to index
      %get3A_466 = arith.index_cast %add3A_458 : i32 to index
      %get3A_467 = arith.constant 16 : index
      %get3A_468 = tpu.vector_load %arg6[%get3A_465, %get3A_466, %get3A_467] {strides = array<i32>} : memref<2x512x32xf32, #tpu.memory_space<vmem>>, vector<16xf32>,
      %broadcast_in_dim3A_469 = vector.broadcast %add3A_458 : i32 to vector<16xi32>
      %scatter3A_470 = arith.constant 1 : i32
      %scatter3A_471 = arith.constant 0 : i32
      %scatter3A_472 = arith.constant 0 : i32
      %scatter3A_473 = tpu.memref_slice %arg7[%scatter3A_470, %scatter3A_471, %scatter3A_472] : memref<2x32x513xf32, #tpu.memory_space<vmem>> -> memref<1x32x513xf32, #tpu.memory_space<vmem>>
      %scatter3A_474 = tpu.memref_squeeze %scatter3A_473 : memref<1x32x513xf32, #tpu.memory_space<vmem>> -> memref<32x513xf32, #tpu.memory_space<vmem>>
      tpu.vector_store_idx %scatter3A_474[%iota3A, %broadcast_in_dim3A_469], %get3A_463 : memref<32x513xf32, #tpu.memory_space<vmem>>[vector<16xi32>, vector<16xi32>], vector<16xf32>,
      %scatter3A_475 = arith.constant 1 : i32
      %scatter3A_476 = arith.constant 0 : i32
      %scatter3A_477 = arith.constant 0 : i32
      %scatter3A_478 = tpu.memref_slice %arg7[%scatter3A_475, %scatter3A_476, %scatter3A_477] : memref<2x32x513xf32, #tpu.memory_space<vmem>> -> memref<1x32x513xf32, #tpu.memory_space<vmem>>
      %scatter3A_479 = tpu.memref_squeeze %scatter3A_478 : memref<1x32x513xf32, #tpu.memory_space<vmem>> -> memref<32x513xf32, #tpu.memory_space<vmem>>
      tpu.vector_store_idx %scatter3A_479[%add3A_7, %broadcast_in_dim3A_469], %get3A_468 : memref<32x513xf32, #tpu.memory_space<vmem>>[vector<16xi32>, vector<16xi32>], vector<16xf32>,
      %mul3A_480 = arith.constant 16 : i32
      %mul3A_481 = arith.muli %scan3A_207, %mul3A_480 : i32
      %add3A_482 = arith.constant 11 : i32
      %add3A_483 = arith.addi %mul3A_481, %add3A_482 : i32
      %get3A_484 = arith.constant 1 : i32
      %get3A_485 = arith.index_cast %get3A_484 : i32 to index
      %get3A_486 = arith.index_cast %add3A_483 : i32 to index
      %get3A_487 = arith.constant 0 : index
      %get3A_488 = tpu.vector_load %arg6[%get3A_485, %get3A_486, %get3A_487] {strides = array<i32>} : memref<2x512x32xf32, #tpu.memory_space<vmem>>, vector<16xf32>,
      %get3A_489 = arith.constant 1 : i32
      %get3A_490 = arith.index_cast %get3A_489 : i32 to index
      %get3A_491 = arith.index_cast %add3A_483 : i32 to index
      %get3A_492 = arith.constant 16 : index
      %get3A_493 = tpu.vector_load %arg6[%get3A_490, %get3A_491, %get3A_492] {strides = array<i32>} : memref<2x512x32xf32, #tpu.memory_space<vmem>>, vector<16xf32>,
      %broadcast_in_dim3A_494 = vector.broadcast %add3A_483 : i32 to vector<16xi32>
      %scatter3A_495 = arith.constant 1 : i32
      %scatter3A_496 = arith.constant 0 : i32
      %scatter3A_497 = arith.constant 0 : i32
      %scatter3A_498 = tpu.memref_slice %arg7[%scatter3A_495, %scatter3A_496, %scatter3A_497] : memref<2x32x513xf32, #tpu.memory_space<vmem>> -> memref<1x32x513xf32, #tpu.memory_space<vmem>>
      %scatter3A_499 = tpu.memref_squeeze %scatter3A_498 : memref<1x32x513xf32, #tpu.memory_space<vmem>> -> memref<32x513xf32, #tpu.memory_space<vmem>>
      tpu.vector_store_idx %scatter3A_499[%iota3A, %broadcast_in_dim3A_494], %get3A_488 : memref<32x513xf32, #tpu.memory_space<vmem>>[vector<16xi32>, vector<16xi32>], vector<16xf32>,
      %scatter3A_500 = arith.constant 1 : i32
      %scatter3A_501 = arith.constant 0 : i32
      %scatter3A_502 = arith.constant 0 : i32
      %scatter3A_503 = tpu.memref_slice %arg7[%scatter3A_500, %scatter3A_501, %scatter3A_502] : memref<2x32x513xf32, #tpu.memory_space<vmem>> -> memref<1x32x513xf32, #tpu.memory_space<vmem>>
      %scatter3A_504 = tpu.memref_squeeze %scatter3A_503 : memref<1x32x513xf32, #tpu.memory_space<vmem>> -> memref<32x513xf32, #tpu.memory_space<vmem>>
      tpu.vector_store_idx %scatter3A_504[%add3A_7, %broadcast_in_dim3A_494], %get3A_493 : memref<32x513xf32, #tpu.memory_space<vmem>>[vector<16xi32>, vector<16xi32>], vector<16xf32>,
      %mul3A_505 = arith.constant 16 : i32
      %mul3A_506 = arith.muli %scan3A_207, %mul3A_505 : i32
      %add3A_507 = arith.constant 12 : i32
      %add3A_508 = arith.addi %mul3A_506, %add3A_507 : i32
      %get3A_509 = arith.constant 1 : i32
      %get3A_510 = arith.index_cast %get3A_509 : i32 to index
      %get3A_511 = arith.index_cast %add3A_508 : i32 to index
      %get3A_512 = arith.constant 0 : index
      %get3A_513 = tpu.vector_load %arg6[%get3A_510, %get3A_511, %get3A_512] {strides = array<i32>} : memref<2x512x32xf32, #tpu.memory_space<vmem>>, vector<16xf32>,
      %get3A_514 = arith.constant 1 : i32
      %get3A_515 = arith.index_cast %get3A_514 : i32 to index
      %get3A_516 = arith.index_cast %add3A_508 : i32 to index
      %get3A_517 = arith.constant 16 : index
      %get3A_518 = tpu.vector_load %arg6[%get3A_515, %get3A_516, %get3A_517] {strides = array<i32>} : memref<2x512x32xf32, #tpu.memory_space<vmem>>, vector<16xf32>,
      %broadcast_in_dim3A_519 = vector.broadcast %add3A_508 : i32 to vector<16xi32>
      %scatter3A_520 = arith.constant 1 : i32
      %scatter3A_521 = arith.constant 0 : i32
      %scatter3A_522 = arith.constant 0 : i32
      %scatter3A_523 = tpu.memref_slice %arg7[%scatter3A_520, %scatter3A_521, %scatter3A_522] : memref<2x32x513xf32, #tpu.memory_space<vmem>> -> memref<1x32x513xf32, #tpu.memory_space<vmem>>
      %scatter3A_524 = tpu.memref_squeeze %scatter3A_523 : memref<1x32x513xf32, #tpu.memory_space<vmem>> -> memref<32x513xf32, #tpu.memory_space<vmem>>
      tpu.vector_store_idx %scatter3A_524[%iota3A, %broadcast_in_dim3A_519], %get3A_513 : memref<32x513xf32, #tpu.memory_space<vmem>>[vector<16xi32>, vector<16xi32>], vector<16xf32>,
      %scatter3A_525 = arith.constant 1 : i32
      %scatter3A_526 = arith.constant 0 : i32
      %scatter3A_527 = arith.constant 0 : i32
      %scatter3A_528 = tpu.memref_slice %arg7[%scatter3A_525, %scatter3A_526, %scatter3A_527] : memref<2x32x513xf32, #tpu.memory_space<vmem>> -> memref<1x32x513xf32, #tpu.memory_space<vmem>>
      %scatter3A_529 = tpu.memref_squeeze %scatter3A_528 : memref<1x32x513xf32, #tpu.memory_space<vmem>> -> memref<32x513xf32, #tpu.memory_space<vmem>>
      tpu.vector_store_idx %scatter3A_529[%add3A_7, %broadcast_in_dim3A_519], %get3A_518 : memref<32x513xf32, #tpu.memory_space<vmem>>[vector<16xi32>, vector<16xi32>], vector<16xf32>,
      %mul3A_530 = arith.constant 16 : i32
      %mul3A_531 = arith.muli %scan3A_207, %mul3A_530 : i32
      %add3A_532 = arith.constant 13 : i32
      %add3A_533 = arith.addi %mul3A_531, %add3A_532 : i32
      %get3A_534 = arith.constant 1 : i32
      %get3A_535 = arith.index_cast %get3A_534 : i32 to index
      %get3A_536 = arith.index_cast %add3A_533 : i32 to index
      %get3A_537 = arith.constant 0 : index
      %get3A_538 = tpu.vector_load %arg6[%get3A_535, %get3A_536, %get3A_537] {strides = array<i32>} : memref<2x512x32xf32, #tpu.memory_space<vmem>>, vector<16xf32>,
      %get3A_539 = arith.constant 1 : i32
      %get3A_540 = arith.index_cast %get3A_539 : i32 to index
      %get3A_541 = arith.index_cast %add3A_533 : i32 to index
      %get3A_542 = arith.constant 16 : index
      %get3A_543 = tpu.vector_load %arg6[%get3A_540, %get3A_541, %get3A_542] {strides = array<i32>} : memref<2x512x32xf32, #tpu.memory_space<vmem>>, vector<16xf32>,
      %broadcast_in_dim3A_544 = vector.broadcast %add3A_533 : i32 to vector<16xi32>
      %scatter3A_545 = arith.constant 1 : i32
      %scatter3A_546 = arith.constant 0 : i32
      %scatter3A_547 = arith.constant 0 : i32
      %scatter3A_548 = tpu.memref_slice %arg7[%scatter3A_545, %scatter3A_546, %scatter3A_547] : memref<2x32x513xf32, #tpu.memory_space<vmem>> -> memref<1x32x513xf32, #tpu.memory_space<vmem>>
      %scatter3A_549 = tpu.memref_squeeze %scatter3A_548 : memref<1x32x513xf32, #tpu.memory_space<vmem>> -> memref<32x513xf32, #tpu.memory_space<vmem>>
      tpu.vector_store_idx %scatter3A_549[%iota3A, %broadcast_in_dim3A_544], %get3A_538 : memref<32x513xf32, #tpu.memory_space<vmem>>[vector<16xi32>, vector<16xi32>], vector<16xf32>,
      %scatter3A_550 = arith.constant 1 : i32
      %scatter3A_551 = arith.constant 0 : i32
      %scatter3A_552 = arith.constant 0 : i32
      %scatter3A_553 = tpu.memref_slice %arg7[%scatter3A_550, %scatter3A_551, %scatter3A_552] : memref<2x32x513xf32, #tpu.memory_space<vmem>> -> memref<1x32x513xf32, #tpu.memory_space<vmem>>
      %scatter3A_554 = tpu.memref_squeeze %scatter3A_553 : memref<1x32x513xf32, #tpu.memory_space<vmem>> -> memref<32x513xf32, #tpu.memory_space<vmem>>
      tpu.vector_store_idx %scatter3A_554[%add3A_7, %broadcast_in_dim3A_544], %get3A_543 : memref<32x513xf32, #tpu.memory_space<vmem>>[vector<16xi32>, vector<16xi32>], vector<16xf32>,
      %mul3A_555 = arith.constant 16 : i32
      %mul3A_556 = arith.muli %scan3A_207, %mul3A_555 : i32
      %add3A_557 = arith.constant 14 : i32
      %add3A_558 = arith.addi %mul3A_556, %add3A_557 : i32
      %get3A_559 = arith.constant 1 : i32
      %get3A_560 = arith.index_cast %get3A_559 : i32 to index
      %get3A_561 = arith.index_cast %add3A_558 : i32 to index
      %get3A_562 = arith.constant 0 : index
      %get3A_563 = tpu.vector_load %arg6[%get3A_560, %get3A_561, %get3A_562] {strides = array<i32>} : memref<2x512x32xf32, #tpu.memory_space<vmem>>, vector<16xf32>,
      %get3A_564 = arith.constant 1 : i32
      %get3A_565 = arith.index_cast %get3A_564 : i32 to index
      %get3A_566 = arith.index_cast %add3A_558 : i32 to index
      %get3A_567 = arith.constant 16 : index
      %get3A_568 = tpu.vector_load %arg6[%get3A_565, %get3A_566, %get3A_567] {strides = array<i32>} : memref<2x512x32xf32, #tpu.memory_space<vmem>>, vector<16xf32>,
      %broadcast_in_dim3A_569 = vector.broadcast %add3A_558 : i32 to vector<16xi32>
      %scatter3A_570 = arith.constant 1 : i32
      %scatter3A_571 = arith.constant 0 : i32
      %scatter3A_572 = arith.constant 0 : i32
      %scatter3A_573 = tpu.memref_slice %arg7[%scatter3A_570, %scatter3A_571, %scatter3A_572] : memref<2x32x513xf32, #tpu.memory_space<vmem>> -> memref<1x32x513xf32, #tpu.memory_space<vmem>>
      %scatter3A_574 = tpu.memref_squeeze %scatter3A_573 : memref<1x32x513xf32, #tpu.memory_space<vmem>> -> memref<32x513xf32, #tpu.memory_space<vmem>>
      tpu.vector_store_idx %scatter3A_574[%iota3A, %broadcast_in_dim3A_569], %get3A_563 : memref<32x513xf32, #tpu.memory_space<vmem>>[vector<16xi32>, vector<16xi32>], vector<16xf32>,
      %scatter3A_575 = arith.constant 1 : i32
      %scatter3A_576 = arith.constant 0 : i32
      %scatter3A_577 = arith.constant 0 : i32
      %scatter3A_578 = tpu.memref_slice %arg7[%scatter3A_575, %scatter3A_576, %scatter3A_577] : memref<2x32x513xf32, #tpu.memory_space<vmem>> -> memref<1x32x513xf32, #tpu.memory_space<vmem>>
      %scatter3A_579 = tpu.memref_squeeze %scatter3A_578 : memref<1x32x513xf32, #tpu.memory_space<vmem>> -> memref<32x513xf32, #tpu.memory_space<vmem>>
      tpu.vector_store_idx %scatter3A_579[%add3A_7, %broadcast_in_dim3A_569], %get3A_568 : memref<32x513xf32, #tpu.memory_space<vmem>>[vector<16xi32>, vector<16xi32>], vector<16xf32>,
      %mul3A_580 = arith.constant 16 : i32
      %mul3A_581 = arith.muli %scan3A_207, %mul3A_580 : i32
      %add3A_582 = arith.constant 15 : i32
      %add3A_583 = arith.addi %mul3A_581, %add3A_582 : i32
      %get3A_584 = arith.constant 1 : i32
      %get3A_585 = arith.index_cast %get3A_584 : i32 to index
      %get3A_586 = arith.index_cast %add3A_583 : i32 to index
      %get3A_587 = arith.constant 0 : index
      %get3A_588 = tpu.vector_load %arg6[%get3A_585, %get3A_586, %get3A_587] {strides = array<i32>} : memref<2x512x32xf32, #tpu.memory_space<vmem>>, vector<16xf32>,
      %get3A_589 = arith.constant 1 : i32
      %get3A_590 = arith.index_cast %get3A_589 : i32 to index
      %get3A_591 = arith.index_cast %add3A_583 : i32 to index
      %get3A_592 = arith.constant 16 : index
      %get3A_593 = tpu.vector_load %arg6[%get3A_590, %get3A_591, %get3A_592] {strides = array<i32>} : memref<2x512x32xf32, #tpu.memory_space<vmem>>, vector<16xf32>,
      %broadcast_in_dim3A_594 = vector.broadcast %add3A_583 : i32 to vector<16xi32>
      %scatter3A_595 = arith.constant 1 : i32
      %scatter3A_596 = arith.constant 0 : i32
      %scatter3A_597 = arith.constant 0 : i32
      %scatter3A_598 = tpu.memref_slice %arg7[%scatter3A_595, %scatter3A_596, %scatter3A_597] : memref<2x32x513xf32, #tpu.memory_space<vmem>> -> memref<1x32x513xf32, #tpu.memory_space<vmem>>
      %scatter3A_599 = tpu.memref_squeeze %scatter3A_598 : memref<1x32x513xf32, #tpu.memory_space<vmem>> -> memref<32x513xf32, #tpu.memory_space<vmem>>
      tpu.vector_store_idx %scatter3A_599[%iota3A, %broadcast_in_dim3A_594], %get3A_588 : memref<32x513xf32, #tpu.memory_space<vmem>>[vector<16xi32>, vector<16xi32>], vector<16xf32>,
      %scatter3A_600 = arith.constant 1 : i32
      %scatter3A_601 = arith.constant 0 : i32
      %scatter3A_602 = arith.constant 0 : i32
      %scatter3A_603 = tpu.memref_slice %arg7[%scatter3A_600, %scatter3A_601, %scatter3A_602] : memref<2x32x513xf32, #tpu.memory_space<vmem>> -> memref<1x32x513xf32, #tpu.memory_space<vmem>>
      %scatter3A_604 = tpu.memref_squeeze %scatter3A_603 : memref<1x32x513xf32, #tpu.memory_space<vmem>> -> memref<32x513xf32, #tpu.memory_space<vmem>>
      tpu.vector_store_idx %scatter3A_604[%add3A_7, %broadcast_in_dim3A_594], %get3A_593 : memref<32x513xf32, #tpu.memory_space<vmem>>[vector<16xi32>, vector<16xi32>], vector<16xf32>,
    }
    %scan3A_105 = arith.constant 32 : i32
    %add3A_106 = arith.constant 1 : i32
    %add3A_107 = arith.addi %mul3A_4, %add3A_106 : i32
    %jit3A_108 = arith.constant 32 : i32
    %div3A_109 = arith.divsi %add3A_107, %jit3A_108 : i32
    %sign3A_110 = arith.constant 0 : i32
    %sign3A_111 = arith.cmpi sgt, %add3A_107, %sign3A_110 : i32
    %sign3A_112 = arith.extui %sign3A_111 : i1 to i32
    %sign3A_113 = arith.constant 0 : i32
    %sign3A_114 = arith.cmpi slt, %add3A_107, %sign3A_113 : i32
    %sign3A_115 = arith.extui %sign3A_114 : i1 to i32
    %sign3A_116 = arith.subi %sign3A_112, %sign3A_115 : i32
    %sign3A_117 = arith.constant 0 : i32
    %sign3A_118 = arith.cmpi sgt, %jit3A_108, %sign3A_117 : i32
    %sign3A_119 = arith.extui %sign3A_118 : i1 to i32
    %sign3A_120 = arith.constant 0 : i32
    %sign3A_121 = arith.cmpi slt, %jit3A_108, %sign3A_120 : i32
    %sign3A_122 = arith.extui %sign3A_121 : i1 to i32
    %sign3A_123 = arith.subi %sign3A_119, %sign3A_122 : i32
    %ne3A_124 = arith.cmpi ne, %sign3A_116, %sign3A_123 : i32
    %rem3A_125 = arith.remsi %add3A_107, %jit3A_108 : i32
    %ne3A_126 = arith.constant 0 : i32
    %ne3A_127 = arith.cmpi ne, %rem3A_125, %ne3A_126 : i32
    %and3A_128 = arith.andi %ne3A_124, %ne3A_127 : i1
    %sub3A_129 = arith.constant 1 : i32
    %sub3A_130 = arith.subi %div3A_109, %sub3A_129 : i32
    %select_n3A_131 = arith.select %and3A_128, %sub3A_130, %div3A_109 : i32
    %jit3A_132 = arith.constant 32 : i32
    %eq3A_133 = arith.constant 0 : i32
    %eq3A_134 = arith.cmpi eq, %jit3A_132, %eq3A_133 : i32
    %jit3A_135 = arith.constant 1 : i32
    %select_n3A_136 = arith.select %eq3A_134, %jit3A_135, %jit3A_132 : i32
    %rem3A_137 = arith.remsi %add3A_107, %select_n3A_136 : i32
    %ne3A_138 = arith.constant 0 : i32
    %ne3A_139 = arith.cmpi ne, %rem3A_137, %ne3A_138 : i32
    %lt3A_140 = arith.constant 0 : i32
    %lt3A_141 = arith.cmpi slt, %rem3A_137, %lt3A_140 : i32
    %lt3A_142 = arith.constant 0 : i32
    %lt3A_143 = arith.cmpi slt, %select_n3A_136, %lt3A_142 : i32
    %ne3A_144 = arith.xori %lt3A_141, %lt3A_143 : i1
    %and3A_145 = arith.andi %ne3A_144, %ne3A_139 : i1
    %add3A_146 = arith.addi %rem3A_137, %select_n3A_136 : i32
    %select_n3A_147 = arith.select %and3A_145, %add3A_146, %rem3A_137 : i32
    %mul3A_148 = arith.constant 512 : i32
    %mul3A_149 = arith.muli %select_n3A_147, %mul3A_148 : i32
    %dma_start3A_150 = arith.constant 1 : i32
    %dma_start3A_151 = arith.constant 0 : i32
    %dma_start3A_152 = arith.constant 0 : i32
    %dma_start3A_153 = tpu.memref_slice %arg7[%dma_start3A_150, %dma_start3A_151, %dma_start3A_152] : memref<2x32x513xf32, #tpu.memory_space<vmem>> -> memref<1x32x512xf32, #tpu.memory_space<vmem>>
    %dma_start3A_154 = tpu.memref_squeeze %dma_start3A_153 : memref<1x32x512xf32, #tpu.memory_space<vmem>> -> memref<32x512xf32, #tpu.memory_space<vmem>>
    %dma_start3A_155 = arith.constant 0 : i32
    %dma_start3A_156 = tpu.memref_slice %arg4[%select_n3A_131, %dma_start3A_155, %mul3A_149] : memref<50x32x16384xf32, #tpu.memory_space<hbm>> -> memref<1x32x512xf32, #tpu.memory_space<hbm>>
    %dma_start3A_157 = tpu.memref_squeeze %dma_start3A_156 : memref<1x32x512xf32, #tpu.memory_space<hbm>> -> memref<32x512xf32, #tpu.memory_space<hbm>>
    %dma_start3A_158 = arith.constant 0 : i32
    %dma_start3A_159 = tpu.memref_slice %arg4[%select_n3A_131, %dma_start3A_158, %mul3A_149] : memref<50x32x16384xf32, #tpu.memory_space<hbm>> -> memref<1x32x512xf32, #tpu.memory_space<hbm>>
    %dma_start3A_160 = tpu.memref_squeeze %dma_start3A_159 : memref<1x32x512xf32, #tpu.memory_space<hbm>> -> memref<32x512xf32, #tpu.memory_space<hbm>>
    %dma_start3A_161 = arith.constant 0 : i32
    %dma_start3A_162 = arith.constant 0 : i32
    %dma_start3A_163 = tpu.memref_slice %arg7[%dma_start3A_150, %dma_start3A_161, %dma_start3A_162] : memref<2x32x513xf32, #tpu.memory_space<vmem>> -> memref<1x32x512xf32, #tpu.memory_space<vmem>>
    %dma_start3A_164 = tpu.memref_squeeze %dma_start3A_163 : memref<1x32x512xf32, #tpu.memory_space<vmem>> -> memref<32x512xf32, #tpu.memory_space<vmem>>
    tpu.enqueue_dma source(%dma_start3A_164 : memref<32x512xf32, #tpu.memory_space<vmem>>) target(%dma_start3A_160 : memref<32x512xf32, #tpu.memory_space<hbm>>) target_semaphore(%arg10 : memref<!tpu.dma_semaphore, #tpu.memory_space<semaphore_mem>>)
    %scan3A_165 = arith.constant 0 : i32
    %scan3A_166 = arith.constant 1 : i32
    %scan3A_167 = arith.constant 24 : i32
    %scan3A_168 = arith.addi %scan3A_166, %scan3A_167 : i32
    %scan3A_169 = arith.constant 1 : i32
    scf.for %scan3A_207 = %scan3A_166 to %scan3A_168 step %scan3A_169  : i32 {
      %dma_wait3A_208 = arith.constant 0 : i32
      %dma_wait3A_209 = arith.constant 0 : i32
      %dma_wait3A_210 = arith.constant 0 : i32
      %dma_wait3A_211 = arith.constant 0 : i32
      %dma_wait3A_212 = tpu.memref_slice %arg7[%dma_wait3A_208, %dma_wait3A_210, %dma_wait3A_211] : memref<2x32x513xf32, #tpu.memory_space<vmem>> -> memref<1x32x512xf32, #tpu.memory_space<vmem>>
      %dma_wait3A_213 = tpu.memref_squeeze %dma_wait3A_212 : memref<1x32x512xf32, #tpu.memory_space<vmem>> -> memref<32x512xf32, #tpu.memory_space<vmem>>
      %dma_wait3A_214 = arith.constant 0 : i32
      %dma_wait3A_215 = arith.constant 0 : i32
      %dma_wait3A_216 = tpu.memref_slice %arg4[%dma_wait3A_209, %dma_wait3A_214, %dma_wait3A_215] : memref<50x32x16384xf32, #tpu.memory_space<hbm>> -> memref<1x32x512xf32, #tpu.memory_space<hbm>>
      %dma_wait3A_217 = tpu.memref_squeeze %dma_wait3A_216 : memref<1x32x512xf32, #tpu.memory_space<hbm>> -> memref<32x512xf32, #tpu.memory_space<hbm>>
      %dma_wait3A_218 = arith.constant 0 : i32
      %dma_wait3A_219 = arith.constant 0 : i32
      %dma_wait3A_220 = tpu.memref_slice %arg4[%dma_wait3A_209, %dma_wait3A_218, %dma_wait3A_219] : memref<50x32x16384xf32, #tpu.memory_space<hbm>> -> memref<1x32x512xf32, #tpu.memory_space<hbm>>
      %dma_wait3A_221 = tpu.memref_squeeze %dma_wait3A_220 : memref<1x32x512xf32, #tpu.memory_space<hbm>> -> memref<32x512xf32, #tpu.memory_space<hbm>>
      %dma_wait3A_222 = arith.constant 0 : i32
      %dma_wait3A_223 = arith.constant 0 : i32
      %dma_wait3A_224 = tpu.memref_slice %arg7[%dma_wait3A_208, %dma_wait3A_222, %dma_wait3A_223] : memref<2x32x513xf32, #tpu.memory_space<vmem>> -> memref<1x32x512xf32, #tpu.memory_space<vmem>>
      %dma_wait3A_225 = tpu.memref_squeeze %dma_wait3A_224 : memref<1x32x512xf32, #tpu.memory_space<vmem>> -> memref<32x512xf32, #tpu.memory_space<vmem>>
      tpu.wait_dma2 semaphore(%arg9 : memref<!tpu.dma_semaphore, #tpu.memory_space<semaphore_mem>>) src(%dma_wait3A_225 : memref<32x512xf32, #tpu.memory_space<vmem>>) dst(%dma_wait3A_221 : memref<32x512xf32, #tpu.memory_space<hbm>>)
      %mul3A_226 = arith.constant 2 : i32
      %mul3A_227 = arith.muli %mul3A_226, %scan3A_207 : i32
      %mul3A_228 = arith.constant 512 : i32
      %mul3A_229 = arith.muli %mul3A_227, %mul3A_228 : i32
      %dma_start3A_230 = arith.constant 0 : i32
      %dma_start3A_231 = arith.constant 0 : i32
      %dma_start3A_232 = arith.constant 0 : i32
      %dma_start3A_233 = tpu.memref_slice %arg6[%dma_start3A_230, %dma_start3A_231, %dma_start3A_232] : memref<2x512x32xf32, #tpu.memory_space<vmem>> -> memref<1x512x32xf32, #tpu.memory_space<vmem>>
      %dma_start3A_234 = tpu.memref_squeeze %dma_start3A_233 : memref<1x512x32xf32, #tpu.memory_space<vmem>> -> memref<512x32xf32, #tpu.memory_space<vmem>>
      %dma_start3A_235 = tpu.memref_slice %arg5[%mul3A_229] : memref<25600xi32, #tpu.memory_space<vmem>> -> memref<512xi32, #tpu.memory_space<vmem>>
      %dma_start3A_236 = arith.constant 0 : i32
      %dma_start3A_237 = arith.constant 0 : i32
      %dma_start3A_238 = tpu.memref_slice %arg2[%dma_start3A_236, %dma_start3A_237] : memref<1000000x32xf32, #tpu.memory_space<hbm>> -> memref<1000000x32xf32, #tpu.memory_space<hbm>>
      tpu.enqueue_indirect_dma source(%dma_start3A_238 : memref<1000000x32xf32, #tpu.memory_space<hbm>>) target(%dma_start3A_234 : memref<512x32xf32, #tpu.memory_space<vmem>>) offsets(%dma_start3A_235 : memref<512xi32, #tpu.memory_space<vmem>>) semaphore(%arg8 : memref<!tpu.dma_semaphore, #tpu.memory_space<semaphore_mem>>)
      %dma_wait3A_239 = arith.constant 1 : i32
      %dma_wait3A_240 = arith.constant 0 : i32
      %dma_wait3A_241 = arith.constant 0 : i32
      %dma_wait3A_242 = arith.constant 0 : i32
      %dma_wait3A_243 = tpu.memref_slice %arg7[%dma_wait3A_239, %dma_wait3A_241, %dma_wait3A_242] : memref<2x32x513xf32, #tpu.memory_space<vmem>> -> memref<1x32x512xf32, #tpu.memory_space<vmem>>
      %dma_wait3A_244 = tpu.memref_squeeze %dma_wait3A_243 : memref<1x32x512xf32, #tpu.memory_space<vmem>> -> memref<32x512xf32, #tpu.memory_space<vmem>>
      %dma_wait3A_245 = arith.constant 0 : i32
      %dma_wait3A_246 = arith.constant 0 : i32
      %dma_wait3A_247 = tpu.memref_slice %arg4[%dma_wait3A_240, %dma_wait3A_245, %dma_wait3A_246] : memref<50x32x16384xf32, #tpu.memory_space<hbm>> -> memref<1x32x512xf32, #tpu.memory_space<hbm>>
      %dma_wait3A_248 = tpu.memref_squeeze %dma_wait3A_247 : memref<1x32x512xf32, #tpu.memory_space<hbm>> -> memref<32x512xf32, #tpu.memory_space<hbm>>
      %dma_wait3A_249 = arith.constant 0 : i32
      %dma_wait3A_250 = arith.constant 0 : i32
      %dma_wait3A_251 = tpu.memref_slice %arg4[%dma_wait3A_240, %dma_wait3A_249, %dma_wait3A_250] : memref<50x32x16384xf32, #tpu.memory_space<hbm>> -> memref<1x32x512xf32, #tpu.memory_space<hbm>>
      %dma_wait3A_252 = tpu.memref_squeeze %dma_wait3A_251 : memref<1x32x512xf32, #tpu.memory_space<hbm>> -> memref<32x512xf32, #tpu.memory_space<hbm>>
      %dma_wait3A_253 = arith.constant 0 : i32
      %dma_wait3A_254 = arith.constant 0 : i32
      %dma_wait3A_255 = tpu.memref_slice %arg7[%dma_wait3A_239, %dma_wait3A_253, %dma_wait3A_254] : memref<2x32x513xf32, #tpu.memory_space<vmem>> -> memref<1x32x512xf32, #tpu.memory_space<vmem>>
      %dma_wait3A_256 = tpu.memref_squeeze %dma_wait3A_255 : memref<1x32x512xf32, #tpu.memory_space<vmem>> -> memref<32x512xf32, #tpu.memory_space<vmem>>
      tpu.wait_dma2 semaphore(%arg10 : memref<!tpu.dma_semaphore, #tpu.memory_space<semaphore_mem>>) src(%dma_wait3A_256 : memref<32x512xf32, #tpu.memory_space<vmem>>) dst(%dma_wait3A_252 : memref<32x512xf32, #tpu.memory_space<hbm>>)
      %mul3A_257 = arith.constant 2 : i32
      %mul3A_258 = arith.muli %mul3A_257, %scan3A_207 : i32
      %add3A_259 = arith.constant 1 : i32
      %add3A_260 = arith.addi %mul3A_258, %add3A_259 : i32
      %mul3A_261 = arith.constant 512 : i32
      %mul3A_262 = arith.muli %add3A_260, %mul3A_261 : i32
      %dma_start3A_263 = arith.constant 1 : i32
      %dma_start3A_264 = arith.constant 0 : i32
      %dma_start3A_265 = arith.constant 0 : i32
      %dma_start3A_266 = tpu.memref_slice %arg6[%dma_start3A_263, %dma_start3A_264, %dma_start3A_265] : memref<2x512x32xf32, #tpu.memory_space<vmem>> -> memref<1x512x32xf32, #tpu.memory_space<vmem>>
      %dma_start3A_267 = tpu.memref_squeeze %dma_start3A_266 : memref<1x512x32xf32, #tpu.memory_space<vmem>> -> memref<512x32xf32, #tpu.memory_space<vmem>>
      %dma_start3A_268 = tpu.memref_slice %arg5[%mul3A_262] : memref<25600xi32, #tpu.memory_space<vmem>> -> memref<512xi32, #tpu.memory_space<vmem>>
      %dma_start3A_269 = arith.constant 0 : i32
      %dma_start3A_270 = arith.constant 0 : i32
      %dma_start3A_271 = tpu.memref_slice %arg2[%dma_start3A_269, %dma_start3A_270] : memref<1000000x32xf32, #tpu.memory_space<hbm>> -> memref<1000000x32xf32, #tpu.memory_space<hbm>>
      tpu.enqueue_indirect_dma source(%dma_start3A_271 : memref<1000000x32xf32, #tpu.memory_space<hbm>>) target(%dma_start3A_267 : memref<512x32xf32, #tpu.memory_space<vmem>>) offsets(%dma_start3A_268 : memref<512xi32, #tpu.memory_space<vmem>>) semaphore(%arg8 : memref<!tpu.dma_semaphore, #tpu.memory_space<semaphore_mem>>)
      %dma_wait3A_272 = arith.constant 0 : i32
      %dma_wait3A_273 = arith.constant 0 : i32
      %dma_wait3A_274 = arith.constant 0 : i32
      %dma_wait3A_275 = tpu.memref_slice %arg6[%dma_wait3A_272, %dma_wait3A_273, %dma_wait3A_274] : memref<2x512x32xf32, #tpu.memory_space<vmem>> -> memref<1x512x32xf32, #tpu.memory_space<vmem>>
      %dma_wait3A_276 = tpu.memref_squeeze %dma_wait3A_275 : memref<1x512x32xf32, #tpu.memory_space<vmem>> -> memref<512x32xf32, #tpu.memory_space<vmem>>
      %dma_wait3A_277 = tpu.memref_slice %arg5[%mul3A_229] : memref<25600xi32, #tpu.memory_space<vmem>> -> memref<512xi32, #tpu.memory_space<vmem>>
      %dma_wait3A_278 = arith.constant 0 : i32
      %dma_wait3A_279 = arith.constant 0 : i32
      %dma_wait3A_280 = tpu.memref_slice %arg2[%dma_wait3A_278, %dma_wait3A_279] : memref<1000000x32xf32, #tpu.memory_space<hbm>> -> memref<1000000x32xf32, #tpu.memory_space<hbm>>
      tpu.wait_indirect_dma semaphore(%arg8 : memref<!tpu.dma_semaphore, #tpu.memory_space<semaphore_mem>>) src(%dma_wait3A_280 : memref<1000000x32xf32, #tpu.memory_space<hbm>>) dst(%dma_wait3A_276 : memref<512x32xf32, #tpu.memory_space<vmem>>)
      %mul3A_281 = arith.constant 2 : i32
      %mul3A_282 = arith.muli %mul3A_281, %scan3A_207 : i32
      %scan3A_283 = arith.constant 0 : i32
      %scan3A_284 = arith.constant 0 : i32
      %scan3A_285 = arith.constant 32 : i32
      %scan3A_286 = arith.addi %scan3A_284, %scan3A_285 : i32
      %scan3A_287 = arith.constant 1 : i32
      scf.for %scan3A_424 = %scan3A_284 to %scan3A_286 step %scan3A_287  : i32 {
        %mul3A_425 = arith.constant 16 : i32
        %mul3A_426 = arith.muli %scan3A_424, %mul3A_425 : i32
        %add3A_427 = arith.constant 0 : i32
        %add3A_428 = arith.addi %mul3A_426, %add3A_427 : i32
        %get3A = arith.constant 0 : i32
        %get3A_429 = arith.index_cast %get3A : i32 to index
        %get3A_430 = arith.index_cast %add3A_428 : i32 to index
        %get3A_431 = arith.constant 0 : index
        %get3A_432 = tpu.vector_load %arg6[%get3A_429, %get3A_430, %get3A_431] {strides = array<i32>} : memref<2x512x32xf32, #tpu.memory_space<vmem>>, vector<16xf32>,
        %get3A_433 = arith.constant 0 : i32
        %get3A_434 = arith.index_cast %get3A_433 : i32 to index
        %get3A_435 = arith.index_cast %add3A_428 : i32 to index
        %get3A_436 = arith.constant 16 : index
        %get3A_437 = tpu.vector_load %arg6[%get3A_434, %get3A_435, %get3A_436] {strides = array<i32>} : memref<2x512x32xf32, #tpu.memory_space<vmem>>, vector<16xf32>,
        %broadcast_in_dim3A = vector.broadcast %add3A_428 : i32 to vector<16xi32>
        %scatter3A = arith.constant 0 : i32
        %scatter3A_438 = arith.constant 0 : i32
        %scatter3A_439 = arith.constant 0 : i32
        %scatter3A_440 = tpu.memref_slice %arg7[%scatter3A, %scatter3A_438, %scatter3A_439] : memref<2x32x513xf32, #tpu.memory_space<vmem>> -> memref<1x32x513xf32, #tpu.memory_space<vmem>>
        %scatter3A_441 = tpu.memref_squeeze %scatter3A_440 : memref<1x32x513xf32, #tpu.memory_space<vmem>> -> memref<32x513xf32, #tpu.memory_space<vmem>>
        tpu.vector_store_idx %scatter3A_441[%iota3A, %broadcast_in_dim3A], %get3A_432 : memref<32x513xf32, #tpu.memory_space<vmem>>[vector<16xi32>, vector<16xi32>], vector<16xf32>,
        %scatter3A_442 = arith.constant 0 : i32
        %scatter3A_443 = arith.constant 0 : i32
        %scatter3A_444 = arith.constant 0 : i32
        %scatter3A_445 = tpu.memref_slice %arg7[%scatter3A_442, %scatter3A_443, %scatter3A_444] : memref<2x32x513xf32, #tpu.memory_space<vmem>> -> memref<1x32x513xf32, #tpu.memory_space<vmem>>
        %scatter3A_446 = tpu.memref_squeeze %scatter3A_445 : memref<1x32x513xf32, #tpu.memory_space<vmem>> -> memref<32x513xf32, #tpu.memory_space<vmem>>
        tpu.vector_store_idx %scatter3A_446[%add3A_7, %broadcast_in_dim3A], %get3A_437 : memref<32x513xf32, #tpu.memory_space<vmem>>[vector<16xi32>, vector<16xi32>], vector<16xf32>,
        %mul3A_447 = arith.constant 16 : i32
        %mul3A_448 = arith.muli %scan3A_424, %mul3A_447 : i32
        %add3A_449 = arith.constant 1 : i32
        %add3A_450 = arith.addi %mul3A_448, %add3A_449 : i32
        %get3A_451 = arith.constant 0 : i32
        %get3A_452 = arith.index_cast %get3A_451 : i32 to index
        %get3A_453 = arith.index_cast %add3A_450 : i32 to index
        %get3A_454 = arith.constant 0 : index
        %get3A_455 = tpu.vector_load %arg6[%get3A_452, %get3A_453, %get3A_454] {strides = array<i32>} : memref<2x512x32xf32, #tpu.memory_space<vmem>>, vector<16xf32>,
        %get3A_456 = arith.constant 0 : i32
        %get3A_457 = arith.index_cast %get3A_456 : i32 to index
        %get3A_458 = arith.index_cast %add3A_450 : i32 to index
        %get3A_459 = arith.constant 16 : index
        %get3A_460 = tpu.vector_load %arg6[%get3A_457, %get3A_458, %get3A_459] {strides = array<i32>} : memref<2x512x32xf32, #tpu.memory_space<vmem>>, vector<16xf32>,
        %broadcast_in_dim3A_461 = vector.broadcast %add3A_450 : i32 to vector<16xi32>
        %scatter3A_462 = arith.constant 0 : i32
        %scatter3A_463 = arith.constant 0 : i32
        %scatter3A_464 = arith.constant 0 : i32
        %scatter3A_465 = tpu.memref_slice %arg7[%scatter3A_462, %scatter3A_463, %scatter3A_464] : memref<2x32x513xf32, #tpu.memory_space<vmem>> -> memref<1x32x513xf32, #tpu.memory_space<vmem>>
        %scatter3A_466 = tpu.memref_squeeze %scatter3A_465 : memref<1x32x513xf32, #tpu.memory_space<vmem>> -> memref<32x513xf32, #tpu.memory_space<vmem>>
        tpu.vector_store_idx %scatter3A_466[%iota3A, %broadcast_in_dim3A_461], %get3A_455 : memref<32x513xf32, #tpu.memory_space<vmem>>[vector<16xi32>, vector<16xi32>], vector<16xf32>,
        %scatter3A_467 = arith.constant 0 : i32
        %scatter3A_468 = arith.constant 0 : i32
        %scatter3A_469 = arith.constant 0 : i32
        %scatter3A_470 = tpu.memref_slice %arg7[%scatter3A_467, %scatter3A_468, %scatter3A_469] : memref<2x32x513xf32, #tpu.memory_space<vmem>> -> memref<1x32x513xf32, #tpu.memory_space<vmem>>
        %scatter3A_471 = tpu.memref_squeeze %scatter3A_470 : memref<1x32x513xf32, #tpu.memory_space<vmem>> -> memref<32x513xf32, #tpu.memory_space<vmem>>
        tpu.vector_store_idx %scatter3A_471[%add3A_7, %broadcast_in_dim3A_461], %get3A_460 : memref<32x513xf32, #tpu.memory_space<vmem>>[vector<16xi32>, vector<16xi32>], vector<16xf32>,
        %mul3A_472 = arith.constant 16 : i32
        %mul3A_473 = arith.muli %scan3A_424, %mul3A_472 : i32
        %add3A_474 = arith.constant 2 : i32
        %add3A_475 = arith.addi %mul3A_473, %add3A_474 : i32
        %get3A_476 = arith.constant 0 : i32
        %get3A_477 = arith.index_cast %get3A_476 : i32 to index
        %get3A_478 = arith.index_cast %add3A_475 : i32 to index
        %get3A_479 = arith.constant 0 : index
        %get3A_480 = tpu.vector_load %arg6[%get3A_477, %get3A_478, %get3A_479] {strides = array<i32>} : memref<2x512x32xf32, #tpu.memory_space<vmem>>, vector<16xf32>,
        %get3A_481 = arith.constant 0 : i32
        %get3A_482 = arith.index_cast %get3A_481 : i32 to index
        %get3A_483 = arith.index_cast %add3A_475 : i32 to index
        %get3A_484 = arith.constant 16 : index
        %get3A_485 = tpu.vector_load %arg6[%get3A_482, %get3A_483, %get3A_484] {strides = array<i32>} : memref<2x512x32xf32, #tpu.memory_space<vmem>>, vector<16xf32>,
        %broadcast_in_dim3A_486 = vector.broadcast %add3A_475 : i32 to vector<16xi32>
        %scatter3A_487 = arith.constant 0 : i32
        %scatter3A_488 = arith.constant 0 : i32
        %scatter3A_489 = arith.constant 0 : i32
        %scatter3A_490 = tpu.memref_slice %arg7[%scatter3A_487, %scatter3A_488, %scatter3A_489] : memref<2x32x513xf32, #tpu.memory_space<vmem>> -> memref<1x32x513xf32, #tpu.memory_space<vmem>>
        %scatter3A_491 = tpu.memref_squeeze %scatter3A_490 : memref<1x32x513xf32, #tpu.memory_space<vmem>> -> memref<32x513xf32, #tpu.memory_space<vmem>>
        tpu.vector_store_idx %scatter3A_491[%iota3A, %broadcast_in_dim3A_486], %get3A_480 : memref<32x513xf32, #tpu.memory_space<vmem>>[vector<16xi32>, vector<16xi32>], vector<16xf32>,
        %scatter3A_492 = arith.constant 0 : i32
        %scatter3A_493 = arith.constant 0 : i32
        %scatter3A_494 = arith.constant 0 : i32
        %scatter3A_495 = tpu.memref_slice %arg7[%scatter3A_492, %scatter3A_493, %scatter3A_494] : memref<2x32x513xf32, #tpu.memory_space<vmem>> -> memref<1x32x513xf32, #tpu.memory_space<vmem>>
        %scatter3A_496 = tpu.memref_squeeze %scatter3A_495 : memref<1x32x513xf32, #tpu.memory_space<vmem>> -> memref<32x513xf32, #tpu.memory_space<vmem>>
        tpu.vector_store_idx %scatter3A_496[%add3A_7, %broadcast_in_dim3A_486], %get3A_485 : memref<32x513xf32, #tpu.memory_space<vmem>>[vector<16xi32>, vector<16xi32>], vector<16xf32>,
        %mul3A_497 = arith.constant 16 : i32
        %mul3A_498 = arith.muli %scan3A_424, %mul3A_497 : i32
        %add3A_499 = arith.constant 3 : i32
        %add3A_500 = arith.addi %mul3A_498, %add3A_499 : i32
        %get3A_501 = arith.constant 0 : i32
        %get3A_502 = arith.index_cast %get3A_501 : i32 to index
        %get3A_503 = arith.index_cast %add3A_500 : i32 to index
        %get3A_504 = arith.constant 0 : index
        %get3A_505 = tpu.vector_load %arg6[%get3A_502, %get3A_503, %get3A_504] {strides = array<i32>} : memref<2x512x32xf32, #tpu.memory_space<vmem>>, vector<16xf32>,
        %get3A_506 = arith.constant 0 : i32
        %get3A_507 = arith.index_cast %get3A_506 : i32 to index
        %get3A_508 = arith.index_cast %add3A_500 : i32 to index
        %get3A_509 = arith.constant 16 : index
        %get3A_510 = tpu.vector_load %arg6[%get3A_507, %get3A_508, %get3A_509] {strides = array<i32>} : memref<2x512x32xf32, #tpu.memory_space<vmem>>, vector<16xf32>,
        %broadcast_in_dim3A_511 = vector.broadcast %add3A_500 : i32 to vector<16xi32>
        %scatter3A_512 = arith.constant 0 : i32
        %scatter3A_513 = arith.constant 0 : i32
        %scatter3A_514 = arith.constant 0 : i32
        %scatter3A_515 = tpu.memref_slice %arg7[%scatter3A_512, %scatter3A_513, %scatter3A_514] : memref<2x32x513xf32, #tpu.memory_space<vmem>> -> memref<1x32x513xf32, #tpu.memory_space<vmem>>
        %scatter3A_516 = tpu.memref_squeeze %scatter3A_515 : memref<1x32x513xf32, #tpu.memory_space<vmem>> -> memref<32x513xf32, #tpu.memory_space<vmem>>
        tpu.vector_store_idx %scatter3A_516[%iota3A, %broadcast_in_dim3A_511], %get3A_505 : memref<32x513xf32, #tpu.memory_space<vmem>>[vector<16xi32>, vector<16xi32>], vector<16xf32>,
        %scatter3A_517 = arith.constant 0 : i32
        %scatter3A_518 = arith.constant 0 : i32
        %scatter3A_519 = arith.constant 0 : i32
        %scatter3A_520 = tpu.memref_slice %arg7[%scatter3A_517, %scatter3A_518, %scatter3A_519] : memref<2x32x513xf32, #tpu.memory_space<vmem>> -> memref<1x32x513xf32, #tpu.memory_space<vmem>>
        %scatter3A_521 = tpu.memref_squeeze %scatter3A_520 : memref<1x32x513xf32, #tpu.memory_space<vmem>> -> memref<32x513xf32, #tpu.memory_space<vmem>>
        tpu.vector_store_idx %scatter3A_521[%add3A_7, %broadcast_in_dim3A_511], %get3A_510 : memref<32x513xf32, #tpu.memory_space<vmem>>[vector<16xi32>, vector<16xi32>], vector<16xf32>,
        %mul3A_522 = arith.constant 16 : i32
        %mul3A_523 = arith.muli %scan3A_424, %mul3A_522 : i32
        %add3A_524 = arith.constant 4 : i32
        %add3A_525 = arith.addi %mul3A_523, %add3A_524 : i32
        %get3A_526 = arith.constant 0 : i32
        %get3A_527 = arith.index_cast %get3A_526 : i32 to index
        %get3A_528 = arith.index_cast %add3A_525 : i32 to index
        %get3A_529 = arith.constant 0 : index
        %get3A_530 = tpu.vector_load %arg6[%get3A_527, %get3A_528, %get3A_529] {strides = array<i32>} : memref<2x512x32xf32, #tpu.memory_space<vmem>>, vector<16xf32>,
        %get3A_531 = arith.constant 0 : i32
        %get3A_532 = arith.index_cast %get3A_531 : i32 to index
        %get3A_533 = arith.index_cast %add3A_525 : i32 to index
        %get3A_534 = arith.constant 16 : index
        %get3A_535 = tpu.vector_load %arg6[%get3A_532, %get3A_533, %get3A_534] {strides = array<i32>} : memref<2x512x32xf32, #tpu.memory_space<vmem>>, vector<16xf32>,
        %broadcast_in_dim3A_536 = vector.broadcast %add3A_525 : i32 to vector<16xi32>
        %scatter3A_537 = arith.constant 0 : i32
        %scatter3A_538 = arith.constant 0 : i32
        %scatter3A_539 = arith.constant 0 : i32
        %scatter3A_540 = tpu.memref_slice %arg7[%scatter3A_537, %scatter3A_538, %scatter3A_539] : memref<2x32x513xf32, #tpu.memory_space<vmem>> -> memref<1x32x513xf32, #tpu.memory_space<vmem>>
        %scatter3A_541 = tpu.memref_squeeze %scatter3A_540 : memref<1x32x513xf32, #tpu.memory_space<vmem>> -> memref<32x513xf32, #tpu.memory_space<vmem>>
        tpu.vector_store_idx %scatter3A_541[%iota3A, %broadcast_in_dim3A_536], %get3A_530 : memref<32x513xf32, #tpu.memory_space<vmem>>[vector<16xi32>, vector<16xi32>], vector<16xf32>,
        %scatter3A_542 = arith.constant 0 : i32
        %scatter3A_543 = arith.constant 0 : i32
        %scatter3A_544 = arith.constant 0 : i32
        %scatter3A_545 = tpu.memref_slice %arg7[%scatter3A_542, %scatter3A_543, %scatter3A_544] : memref<2x32x513xf32, #tpu.memory_space<vmem>> -> memref<1x32x513xf32, #tpu.memory_space<vmem>>
        %scatter3A_546 = tpu.memref_squeeze %scatter3A_545 : memref<1x32x513xf32, #tpu.memory_space<vmem>> -> memref<32x513xf32, #tpu.memory_space<vmem>>
        tpu.vector_store_idx %scatter3A_546[%add3A_7, %broadcast_in_dim3A_536], %get3A_535 : memref<32x513xf32, #tpu.memory_space<vmem>>[vector<16xi32>, vector<16xi32>], vector<16xf32>,
        %mul3A_547 = arith.constant 16 : i32
        %mul3A_548 = arith.muli %scan3A_424, %mul3A_547 : i32
        %add3A_549 = arith.constant 5 : i32
        %add3A_550 = arith.addi %mul3A_548, %add3A_549 : i32
        %get3A_551 = arith.constant 0 : i32
        %get3A_552 = arith.index_cast %get3A_551 : i32 to index
        %get3A_553 = arith.index_cast %add3A_550 : i32 to index
        %get3A_554 = arith.constant 0 : index
        %get3A_555 = tpu.vector_load %arg6[%get3A_552, %get3A_553, %get3A_554] {strides = array<i32>} : memref<2x512x32xf32, #tpu.memory_space<vmem>>, vector<16xf32>,
        %get3A_556 = arith.constant 0 : i32
        %get3A_557 = arith.index_cast %get3A_556 : i32 to index
        %get3A_558 = arith.index_cast %add3A_550 : i32 to index
        %get3A_559 = arith.constant 16 : index
        %get3A_560 = tpu.vector_load %arg6[%get3A_557, %get3A_558, %get3A_559] {strides = array<i32>} : memref<2x512x32xf32, #tpu.memory_space<vmem>>, vector<16xf32>,
        %broadcast_in_dim3A_561 = vector.broadcast %add3A_550 : i32 to vector<16xi32>
        %scatter3A_562 = arith.constant 0 : i32
        %scatter3A_563 = arith.constant 0 : i32
        %scatter3A_564 = arith.constant 0 : i32
        %scatter3A_565 = tpu.memref_slice %arg7[%scatter3A_562, %scatter3A_563, %scatter3A_564] : memref<2x32x513xf32, #tpu.memory_space<vmem>> -> memref<1x32x513xf32, #tpu.memory_space<vmem>>
        %scatter3A_566 = tpu.memref_squeeze %scatter3A_565 : memref<1x32x513xf32, #tpu.memory_space<vmem>> -> memref<32x513xf32, #tpu.memory_space<vmem>>
        tpu.vector_store_idx %scatter3A_566[%iota3A, %broadcast_in_dim3A_561], %get3A_555 : memref<32x513xf32, #tpu.memory_space<vmem>>[vector<16xi32>, vector<16xi32>], vector<16xf32>,
        %scatter3A_567 = arith.constant 0 : i32
        %scatter3A_568 = arith.constant 0 : i32
        %scatter3A_569 = arith.constant 0 : i32
        %scatter3A_570 = tpu.memref_slice %arg7[%scatter3A_567, %scatter3A_568, %scatter3A_569] : memref<2x32x513xf32, #tpu.memory_space<vmem>> -> memref<1x32x513xf32, #tpu.memory_space<vmem>>
        %scatter3A_571 = tpu.memref_squeeze %scatter3A_570 : memref<1x32x513xf32, #tpu.memory_space<vmem>> -> memref<32x513xf32, #tpu.memory_space<vmem>>
        tpu.vector_store_idx %scatter3A_571[%add3A_7, %broadcast_in_dim3A_561], %get3A_560 : memref<32x513xf32, #tpu.memory_space<vmem>>[vector<16xi32>, vector<16xi32>], vector<16xf32>,
        %mul3A_572 = arith.constant 16 : i32
        %mul3A_573 = arith.muli %scan3A_424, %mul3A_572 : i32
        %add3A_574 = arith.constant 6 : i32
        %add3A_575 = arith.addi %mul3A_573, %add3A_574 : i32
        %get3A_576 = arith.constant 0 : i32
        %get3A_577 = arith.index_cast %get3A_576 : i32 to index
        %get3A_578 = arith.index_cast %add3A_575 : i32 to index
        %get3A_579 = arith.constant 0 : index
        %get3A_580 = tpu.vector_load %arg6[%get3A_577, %get3A_578, %get3A_579] {strides = array<i32>} : memref<2x512x32xf32, #tpu.memory_space<vmem>>, vector<16xf32>,
        %get3A_581 = arith.constant 0 : i32
        %get3A_582 = arith.index_cast %get3A_581 : i32 to index
        %get3A_583 = arith.index_cast %add3A_575 : i32 to index
        %get3A_584 = arith.constant 16 : index
        %get3A_585 = tpu.vector_load %arg6[%get3A_582, %get3A_583, %get3A_584] {strides = array<i32>} : memref<2x512x32xf32, #tpu.memory_space<vmem>>, vector<16xf32>,
        %broadcast_in_dim3A_586 = vector.broadcast %add3A_575 : i32 to vector<16xi32>
        %scatter3A_587 = arith.constant 0 : i32
        %scatter3A_588 = arith.constant 0 : i32
        %scatter3A_589 = arith.constant 0 : i32
        %scatter3A_590 = tpu.memref_slice %arg7[%scatter3A_587, %scatter3A_588, %scatter3A_589] : memref<2x32x513xf32, #tpu.memory_space<vmem>> -> memref<1x32x513xf32, #tpu.memory_space<vmem>>
        %scatter3A_591 = tpu.memref_squeeze %scatter3A_590 : memref<1x32x513xf32, #tpu.memory_space<vmem>> -> memref<32x513xf32, #tpu.memory_space<vmem>>
        tpu.vector_store_idx %scatter3A_591[%iota3A, %broadcast_in_dim3A_586], %get3A_580 : memref<32x513xf32, #tpu.memory_space<vmem>>[vector<16xi32>, vector<16xi32>], vector<16xf32>,
        %scatter3A_592 = arith.constant 0 : i32
        %scatter3A_593 = arith.constant 0 : i32
        %scatter3A_594 = arith.constant 0 : i32
        %scatter3A_595 = tpu.memref_slice %arg7[%scatter3A_592, %scatter3A_593, %scatter3A_594] : memref<2x32x513xf32, #tpu.memory_space<vmem>> -> memref<1x32x513xf32, #tpu.memory_space<vmem>>
        %scatter3A_596 = tpu.memref_squeeze %scatter3A_595 : memref<1x32x513xf32, #tpu.memory_space<vmem>> -> memref<32x513xf32, #tpu.memory_space<vmem>>
        tpu.vector_store_idx %scatter3A_596[%add3A_7, %broadcast_in_dim3A_586], %get3A_585 : memref<32x513xf32, #tpu.memory_space<vmem>>[vector<16xi32>, vector<16xi32>], vector<16xf32>,
        %mul3A_597 = arith.constant 16 : i32
        %mul3A_598 = arith.muli %scan3A_424, %mul3A_597 : i32
        %add3A_599 = arith.constant 7 : i32
        %add3A_600 = arith.addi %mul3A_598, %add3A_599 : i32
        %get3A_601 = arith.constant 0 : i32
        %get3A_602 = arith.index_cast %get3A_601 : i32 to index
        %get3A_603 = arith.index_cast %add3A_600 : i32 to index
        %get3A_604 = arith.constant 0 : index
        %get3A_605 = tpu.vector_load %arg6[%get3A_602, %get3A_603, %get3A_604] {strides = array<i32>} : memref<2x512x32xf32, #tpu.memory_space<vmem>>, vector<16xf32>,
        %get3A_606 = arith.constant 0 : i32
        %get3A_607 = arith.index_cast %get3A_606 : i32 to index
        %get3A_608 = arith.index_cast %add3A_600 : i32 to index
        %get3A_609 = arith.constant 16 : index
        %get3A_610 = tpu.vector_load %arg6[%get3A_607, %get3A_608, %get3A_609] {strides = array<i32>} : memref<2x512x32xf32, #tpu.memory_space<vmem>>, vector<16xf32>,
        %broadcast_in_dim3A_611 = vector.broadcast %add3A_600 : i32 to vector<16xi32>
        %scatter3A_612 = arith.constant 0 : i32
        %scatter3A_613 = arith.constant 0 : i32
        %scatter3A_614 = arith.constant 0 : i32
        %scatter3A_615 = tpu.memref_slice %arg7[%scatter3A_612, %scatter3A_613, %scatter3A_614] : memref<2x32x513xf32, #tpu.memory_space<vmem>> -> memref<1x32x513xf32, #tpu.memory_space<vmem>>
        %scatter3A_616 = tpu.memref_squeeze %scatter3A_615 : memref<1x32x513xf32, #tpu.memory_space<vmem>> -> memref<32x513xf32, #tpu.memory_space<vmem>>
        tpu.vector_store_idx %scatter3A_616[%iota3A, %broadcast_in_dim3A_611], %get3A_605 : memref<32x513xf32, #tpu.memory_space<vmem>>[vector<16xi32>, vector<16xi32>], vector<16xf32>,
        %scatter3A_617 = arith.constant 0 : i32
        %scatter3A_618 = arith.constant 0 : i32
        %scatter3A_619 = arith.constant 0 : i32
        %scatter3A_620 = tpu.memref_slice %arg7[%scatter3A_617, %scatter3A_618, %scatter3A_619] : memref<2x32x513xf32, #tpu.memory_space<vmem>> -> memref<1x32x513xf32, #tpu.memory_space<vmem>>
        %scatter3A_621 = tpu.memref_squeeze %scatter3A_620 : memref<1x32x513xf32, #tpu.memory_space<vmem>> -> memref<32x513xf32, #tpu.memory_space<vmem>>
        tpu.vector_store_idx %scatter3A_621[%add3A_7, %broadcast_in_dim3A_611], %get3A_610 : memref<32x513xf32, #tpu.memory_space<vmem>>[vector<16xi32>, vector<16xi32>], vector<16xf32>,
        %mul3A_622 = arith.constant 16 : i32
        %mul3A_623 = arith.muli %scan3A_424, %mul3A_622 : i32
        %add3A_624 = arith.constant 8 : i32
        %add3A_625 = arith.addi %mul3A_623, %add3A_624 : i32
        %get3A_626 = arith.constant 0 : i32
        %get3A_627 = arith.index_cast %get3A_626 : i32 to index
        %get3A_628 = arith.index_cast %add3A_625 : i32 to index
        %get3A_629 = arith.constant 0 : index
        %get3A_630 = tpu.vector_load %arg6[%get3A_627, %get3A_628, %get3A_629] {strides = array<i32>} : memref<2x512x32xf32, #tpu.memory_space<vmem>>, vector<16xf32>,
        %get3A_631 = arith.constant 0 : i32
        %get3A_632 = arith.index_cast %get3A_631 : i32 to index
        %get3A_633 = arith.index_cast %add3A_625 : i32 to index
        %get3A_634 = arith.constant 16 : index
        %get3A_635 = tpu.vector_load %arg6[%get3A_632, %get3A_633, %get3A_634] {strides = array<i32>} : memref<2x512x32xf32, #tpu.memory_space<vmem>>, vector<16xf32>,
        %broadcast_in_dim3A_636 = vector.broadcast %add3A_625 : i32 to vector<16xi32>
        %scatter3A_637 = arith.constant 0 : i32
        %scatter3A_638 = arith.constant 0 : i32
        %scatter3A_639 = arith.constant 0 : i32
        %scatter3A_640 = tpu.memref_slice %arg7[%scatter3A_637, %scatter3A_638, %scatter3A_639] : memref<2x32x513xf32, #tpu.memory_space<vmem>> -> memref<1x32x513xf32, #tpu.memory_space<vmem>>
        %scatter3A_641 = tpu.memref_squeeze %scatter3A_640 : memref<1x32x513xf32, #tpu.memory_space<vmem>> -> memref<32x513xf32, #tpu.memory_space<vmem>>
        tpu.vector_store_idx %scatter3A_641[%iota3A, %broadcast_in_dim3A_636], %get3A_630 : memref<32x513xf32, #tpu.memory_space<vmem>>[vector<16xi32>, vector<16xi32>], vector<16xf32>,
        %scatter3A_642 = arith.constant 0 : i32
        %scatter3A_643 = arith.constant 0 : i32
        %scatter3A_644 = arith.constant 0 : i32
        %scatter3A_645 = tpu.memref_slice %arg7[%scatter3A_642, %scatter3A_643, %scatter3A_644] : memref<2x32x513xf32, #tpu.memory_space<vmem>> -> memref<1x32x513xf32, #tpu.memory_space<vmem>>
        %scatter3A_646 = tpu.memref_squeeze %scatter3A_645 : memref<1x32x513xf32, #tpu.memory_space<vmem>> -> memref<32x513xf32, #tpu.memory_space<vmem>>
        tpu.vector_store_idx %scatter3A_646[%add3A_7, %broadcast_in_dim3A_636], %get3A_635 : memref<32x513xf32, #tpu.memory_space<vmem>>[vector<16xi32>, vector<16xi32>], vector<16xf32>,
        %mul3A_647 = arith.constant 16 : i32
        %mul3A_648 = arith.muli %scan3A_424, %mul3A_647 : i32
        %add3A_649 = arith.constant 9 : i32
        %add3A_650 = arith.addi %mul3A_648, %add3A_649 : i32
        %get3A_651 = arith.constant 0 : i32
        %get3A_652 = arith.index_cast %get3A_651 : i32 to index
        %get3A_653 = arith.index_cast %add3A_650 : i32 to index
        %get3A_654 = arith.constant 0 : index
        %get3A_655 = tpu.vector_load %arg6[%get3A_652, %get3A_653, %get3A_654] {strides = array<i32>} : memref<2x512x32xf32, #tpu.memory_space<vmem>>, vector<16xf32>,
        %get3A_656 = arith.constant 0 : i32
        %get3A_657 = arith.index_cast %get3A_656 : i32 to index
        %get3A_658 = arith.index_cast %add3A_650 : i32 to index
        %get3A_659 = arith.constant 16 : index
        %get3A_660 = tpu.vector_load %arg6[%get3A_657, %get3A_658, %get3A_659] {strides = array<i32>} : memref<2x512x32xf32, #tpu.memory_space<vmem>>, vector<16xf32>,
        %broadcast_in_dim3A_661 = vector.broadcast %add3A_650 : i32 to vector<16xi32>
        %scatter3A_662 = arith.constant 0 : i32
        %scatter3A_663 = arith.constant 0 : i32
        %scatter3A_664 = arith.constant 0 : i32
        %scatter3A_665 = tpu.memref_slice %arg7[%scatter3A_662, %scatter3A_663, %scatter3A_664] : memref<2x32x513xf32, #tpu.memory_space<vmem>> -> memref<1x32x513xf32, #tpu.memory_space<vmem>>
        %scatter3A_666 = tpu.memref_squeeze %scatter3A_665 : memref<1x32x513xf32, #tpu.memory_space<vmem>> -> memref<32x513xf32, #tpu.memory_space<vmem>>
        tpu.vector_store_idx %scatter3A_666[%iota3A, %broadcast_in_dim3A_661], %get3A_655 : memref<32x513xf32, #tpu.memory_space<vmem>>[vector<16xi32>, vector<16xi32>], vector<16xf32>,
        %scatter3A_667 = arith.constant 0 : i32
        %scatter3A_668 = arith.constant 0 : i32
        %scatter3A_669 = arith.constant 0 : i32
        %scatter3A_670 = tpu.memref_slice %arg7[%scatter3A_667, %scatter3A_668, %scatter3A_669] : memref<2x32x513xf32, #tpu.memory_space<vmem>> -> memref<1x32x513xf32, #tpu.memory_space<vmem>>
        %scatter3A_671 = tpu.memref_squeeze %scatter3A_670 : memref<1x32x513xf32, #tpu.memory_space<vmem>> -> memref<32x513xf32, #tpu.memory_space<vmem>>
        tpu.vector_store_idx %scatter3A_671[%add3A_7, %broadcast_in_dim3A_661], %get3A_660 : memref<32x513xf32, #tpu.memory_space<vmem>>[vector<16xi32>, vector<16xi32>], vector<16xf32>,
        %mul3A_672 = arith.constant 16 : i32
        %mul3A_673 = arith.muli %scan3A_424, %mul3A_672 : i32
        %add3A_674 = arith.constant 10 : i32
        %add3A_675 = arith.addi %mul3A_673, %add3A_674 : i32
        %get3A_676 = arith.constant 0 : i32
        %get3A_677 = arith.index_cast %get3A_676 : i32 to index
        %get3A_678 = arith.index_cast %add3A_675 : i32 to index
        %get3A_679 = arith.constant 0 : index
        %get3A_680 = tpu.vector_load %arg6[%get3A_677, %get3A_678, %get3A_679] {strides = array<i32>} : memref<2x512x32xf32, #tpu.memory_space<vmem>>, vector<16xf32>,
        %get3A_681 = arith.constant 0 : i32
        %get3A_682 = arith.index_cast %get3A_681 : i32 to index
        %get3A_683 = arith.index_cast %add3A_675 : i32 to index
        %get3A_684 = arith.constant 16 : index
        %get3A_685 = tpu.vector_load %arg6[%get3A_682, %get3A_683, %get3A_684] {strides = array<i32>} : memref<2x512x32xf32, #tpu.memory_space<vmem>>, vector<16xf32>,
        %broadcast_in_dim3A_686 = vector.broadcast %add3A_675 : i32 to vector<16xi32>
        %scatter3A_687 = arith.constant 0 : i32
        %scatter3A_688 = arith.constant 0 : i32
        %scatter3A_689 = arith.constant 0 : i32
        %scatter3A_690 = tpu.memref_slice %arg7[%scatter3A_687, %scatter3A_688, %scatter3A_689] : memref<2x32x513xf32, #tpu.memory_space<vmem>> -> memref<1x32x513xf32, #tpu.memory_space<vmem>>
        %scatter3A_691 = tpu.memref_squeeze %scatter3A_690 : memref<1x32x513xf32, #tpu.memory_space<vmem>> -> memref<32x513xf32, #tpu.memory_space<vmem>>
        tpu.vector_store_idx %scatter3A_691[%iota3A, %broadcast_in_dim3A_686], %get3A_680 : memref<32x513xf32, #tpu.memory_space<vmem>>[vector<16xi32>, vector<16xi32>], vector<16xf32>,
        %scatter3A_692 = arith.constant 0 : i32
        %scatter3A_693 = arith.constant 0 : i32
        %scatter3A_694 = arith.constant 0 : i32
        %scatter3A_695 = tpu.memref_slice %arg7[%scatter3A_692, %scatter3A_693, %scatter3A_694] : memref<2x32x513xf32, #tpu.memory_space<vmem>> -> memref<1x32x513xf32, #tpu.memory_space<vmem>>
        %scatter3A_696 = tpu.memref_squeeze %scatter3A_695 : memref<1x32x513xf32, #tpu.memory_space<vmem>> -> memref<32x513xf32, #tpu.memory_space<vmem>>
        tpu.vector_store_idx %scatter3A_696[%add3A_7, %broadcast_in_dim3A_686], %get3A_685 : memref<32x513xf32, #tpu.memory_space<vmem>>[vector<16xi32>, vector<16xi32>], vector<16xf32>,
        %mul3A_697 = arith.constant 16 : i32
        %mul3A_698 = arith.muli %scan3A_424, %mul3A_697 : i32
        %add3A_699 = arith.constant 11 : i32
        %add3A_700 = arith.addi %mul3A_698, %add3A_699 : i32
        %get3A_701 = arith.constant 0 : i32
        %get3A_702 = arith.index_cast %get3A_701 : i32 to index
        %get3A_703 = arith.index_cast %add3A_700 : i32 to index
        %get3A_704 = arith.constant 0 : index
        %get3A_705 = tpu.vector_load %arg6[%get3A_702, %get3A_703, %get3A_704] {strides = array<i32>} : memref<2x512x32xf32, #tpu.memory_space<vmem>>, vector<16xf32>,
        %get3A_706 = arith.constant 0 : i32
        %get3A_707 = arith.index_cast %get3A_706 : i32 to index
        %get3A_708 = arith.index_cast %add3A_700 : i32 to index
        %get3A_709 = arith.constant 16 : index
        %get3A_710 = tpu.vector_load %arg6[%get3A_707, %get3A_708, %get3A_709] {strides = array<i32>} : memref<2x512x32xf32, #tpu.memory_space<vmem>>, vector<16xf32>,
        %broadcast_in_dim3A_711 = vector.broadcast %add3A_700 : i32 to vector<16xi32>
        %scatter3A_712 = arith.constant 0 : i32
        %scatter3A_713 = arith.constant 0 : i32
        %scatter3A_714 = arith.constant 0 : i32
        %scatter3A_715 = tpu.memref_slice %arg7[%scatter3A_712, %scatter3A_713, %scatter3A_714] : memref<2x32x513xf32, #tpu.memory_space<vmem>> -> memref<1x32x513xf32, #tpu.memory_space<vmem>>
        %scatter3A_716 = tpu.memref_squeeze %scatter3A_715 : memref<1x32x513xf32, #tpu.memory_space<vmem>> -> memref<32x513xf32, #tpu.memory_space<vmem>>
        tpu.vector_store_idx %scatter3A_716[%iota3A, %broadcast_in_dim3A_711], %get3A_705 : memref<32x513xf32, #tpu.memory_space<vmem>>[vector<16xi32>, vector<16xi32>], vector<16xf32>,
        %scatter3A_717 = arith.constant 0 : i32
        %scatter3A_718 = arith.constant 0 : i32
        %scatter3A_719 = arith.constant 0 : i32
        %scatter3A_720 = tpu.memref_slice %arg7[%scatter3A_717, %scatter3A_718, %scatter3A_719] : memref<2x32x513xf32, #tpu.memory_space<vmem>> -> memref<1x32x513xf32, #tpu.memory_space<vmem>>
        %scatter3A_721 = tpu.memref_squeeze %scatter3A_720 : memref<1x32x513xf32, #tpu.memory_space<vmem>> -> memref<32x513xf32, #tpu.memory_space<vmem>>
        tpu.vector_store_idx %scatter3A_721[%add3A_7, %broadcast_in_dim3A_711], %get3A_710 : memref<32x513xf32, #tpu.memory_space<vmem>>[vector<16xi32>, vector<16xi32>], vector<16xf32>,
        %mul3A_722 = arith.constant 16 : i32
        %mul3A_723 = arith.muli %scan3A_424, %mul3A_722 : i32
        %add3A_724 = arith.constant 12 : i32
        %add3A_725 = arith.addi %mul3A_723, %add3A_724 : i32
        %get3A_726 = arith.constant 0 : i32
        %get3A_727 = arith.index_cast %get3A_726 : i32 to index
        %get3A_728 = arith.index_cast %add3A_725 : i32 to index
        %get3A_729 = arith.constant 0 : index
        %get3A_730 = tpu.vector_load %arg6[%get3A_727, %get3A_728, %get3A_729] {strides = array<i32>} : memref<2x512x32xf32, #tpu.memory_space<vmem>>, vector<16xf32>,
        %get3A_731 = arith.constant 0 : i32
        %get3A_732 = arith.index_cast %get3A_731 : i32 to index
        %get3A_733 = arith.index_cast %add3A_725 : i32 to index
        %get3A_734 = arith.constant 16 : index
        %get3A_735 = tpu.vector_load %arg6[%get3A_732, %get3A_733, %get3A_734] {strides = array<i32>} : memref<2x512x32xf32, #tpu.memory_space<vmem>>, vector<16xf32>,
        %broadcast_in_dim3A_736 = vector.broadcast %add3A_725 : i32 to vector<16xi32>
        %scatter3A_737 = arith.constant 0 : i32
        %scatter3A_738 = arith.constant 0 : i32
        %scatter3A_739 = arith.constant 0 : i32
        %scatter3A_740 = tpu.memref_slice %arg7[%scatter3A_737, %scatter3A_738, %scatter3A_739] : memref<2x32x513xf32, #tpu.memory_space<vmem>> -> memref<1x32x513xf32, #tpu.memory_space<vmem>>
        %scatter3A_741 = tpu.memref_squeeze %scatter3A_740 : memref<1x32x513xf32, #tpu.memory_space<vmem>> -> memref<32x513xf32, #tpu.memory_space<vmem>>
        tpu.vector_store_idx %scatter3A_741[%iota3A, %broadcast_in_dim3A_736], %get3A_730 : memref<32x513xf32, #tpu.memory_space<vmem>>[vector<16xi32>, vector<16xi32>], vector<16xf32>,
        %scatter3A_742 = arith.constant 0 : i32
        %scatter3A_743 = arith.constant 0 : i32
        %scatter3A_744 = arith.constant 0 : i32
        %scatter3A_745 = tpu.memref_slice %arg7[%scatter3A_742, %scatter3A_743, %scatter3A_744] : memref<2x32x513xf32, #tpu.memory_space<vmem>> -> memref<1x32x513xf32, #tpu.memory_space<vmem>>
        %scatter3A_746 = tpu.memref_squeeze %scatter3A_745 : memref<1x32x513xf32, #tpu.memory_space<vmem>> -> memref<32x513xf32, #tpu.memory_space<vmem>>
        tpu.vector_store_idx %scatter3A_746[%add3A_7, %broadcast_in_dim3A_736], %get3A_735 : memref<32x513xf32, #tpu.memory_space<vmem>>[vector<16xi32>, vector<16xi32>], vector<16xf32>,
        %mul3A_747 = arith.constant 16 : i32
        %mul3A_748 = arith.muli %scan3A_424, %mul3A_747 : i32
        %add3A_749 = arith.constant 13 : i32
        %add3A_750 = arith.addi %mul3A_748, %add3A_749 : i32
        %get3A_751 = arith.constant 0 : i32
        %get3A_752 = arith.index_cast %get3A_751 : i32 to index
        %get3A_753 = arith.index_cast %add3A_750 : i32 to index
        %get3A_754 = arith.constant 0 : index
        %get3A_755 = tpu.vector_load %arg6[%get3A_752, %get3A_753, %get3A_754] {strides = array<i32>} : memref<2x512x32xf32, #tpu.memory_space<vmem>>, vector<16xf32>,
        %get3A_756 = arith.constant 0 : i32
        %get3A_757 = arith.index_cast %get3A_756 : i32 to index
        %get3A_758 = arith.index_cast %add3A_750 : i32 to index
        %get3A_759 = arith.constant 16 : index
        %get3A_760 = tpu.vector_load %arg6[%get3A_757, %get3A_758, %get3A_759] {strides = array<i32>} : memref<2x512x32xf32, #tpu.memory_space<vmem>>, vector<16xf32>,
        %broadcast_in_dim3A_761 = vector.broadcast %add3A_750 : i32 to vector<16xi32>
        %scatter3A_762 = arith.constant 0 : i32
        %scatter3A_763 = arith.constant 0 : i32
        %scatter3A_764 = arith.constant 0 : i32
        %scatter3A_765 = tpu.memref_slice %arg7[%scatter3A_762, %scatter3A_763, %scatter3A_764] : memref<2x32x513xf32, #tpu.memory_space<vmem>> -> memref<1x32x513xf32, #tpu.memory_space<vmem>>
        %scatter3A_766 = tpu.memref_squeeze %scatter3A_765 : memref<1x32x513xf32, #tpu.memory_space<vmem>> -> memref<32x513xf32, #tpu.memory_space<vmem>>
        tpu.vector_store_idx %scatter3A_766[%iota3A, %broadcast_in_dim3A_761], %get3A_755 : memref<32x513xf32, #tpu.memory_space<vmem>>[vector<16xi32>, vector<16xi32>], vector<16xf32>,
        %scatter3A_767 = arith.constant 0 : i32
        %scatter3A_768 = arith.constant 0 : i32
        %scatter3A_769 = arith.constant 0 : i32
        %scatter3A_770 = tpu.memref_slice %arg7[%scatter3A_767, %scatter3A_768, %scatter3A_769] : memref<2x32x513xf32, #tpu.memory_space<vmem>> -> memref<1x32x513xf32, #tpu.memory_space<vmem>>
        %scatter3A_771 = tpu.memref_squeeze %scatter3A_770 : memref<1x32x513xf32, #tpu.memory_space<vmem>> -> memref<32x513xf32, #tpu.memory_space<vmem>>
        tpu.vector_store_idx %scatter3A_771[%add3A_7, %broadcast_in_dim3A_761], %get3A_760 : memref<32x513xf32, #tpu.memory_space<vmem>>[vector<16xi32>, vector<16xi32>], vector<16xf32>,
        %mul3A_772 = arith.constant 16 : i32
        %mul3A_773 = arith.muli %scan3A_424, %mul3A_772 : i32
        %add3A_774 = arith.constant 14 : i32
        %add3A_775 = arith.addi %mul3A_773, %add3A_774 : i32
        %get3A_776 = arith.constant 0 : i32
        %get3A_777 = arith.index_cast %get3A_776 : i32 to index
        %get3A_778 = arith.index_cast %add3A_775 : i32 to index
        %get3A_779 = arith.constant 0 : index
        %get3A_780 = tpu.vector_load %arg6[%get3A_777, %get3A_778, %get3A_779] {strides = array<i32>} : memref<2x512x32xf32, #tpu.memory_space<vmem>>, vector<16xf32>,
        %get3A_781 = arith.constant 0 : i32
        %get3A_782 = arith.index_cast %get3A_781 : i32 to index
        %get3A_783 = arith.index_cast %add3A_775 : i32 to index
        %get3A_784 = arith.constant 16 : index
        %get3A_785 = tpu.vector_load %arg6[%get3A_782, %get3A_783, %get3A_784] {strides = array<i32>} : memref<2x512x32xf32, #tpu.memory_space<vmem>>, vector<16xf32>,
        %broadcast_in_dim3A_786 = vector.broadcast %add3A_775 : i32 to vector<16xi32>
        %scatter3A_787 = arith.constant 0 : i32
        %scatter3A_788 = arith.constant 0 : i32
        %scatter3A_789 = arith.constant 0 : i32
        %scatter3A_790 = tpu.memref_slice %arg7[%scatter3A_787, %scatter3A_788, %scatter3A_789] : memref<2x32x513xf32, #tpu.memory_space<vmem>> -> memref<1x32x513xf32, #tpu.memory_space<vmem>>
        %scatter3A_791 = tpu.memref_squeeze %scatter3A_790 : memref<1x32x513xf32, #tpu.memory_space<vmem>> -> memref<32x513xf32, #tpu.memory_space<vmem>>
        tpu.vector_store_idx %scatter3A_791[%iota3A, %broadcast_in_dim3A_786], %get3A_780 : memref<32x513xf32, #tpu.memory_space<vmem>>[vector<16xi32>, vector<16xi32>], vector<16xf32>,
        %scatter3A_792 = arith.constant 0 : i32
        %scatter3A_793 = arith.constant 0 : i32
        %scatter3A_794 = arith.constant 0 : i32
        %scatter3A_795 = tpu.memref_slice %arg7[%scatter3A_792, %scatter3A_793, %scatter3A_794] : memref<2x32x513xf32, #tpu.memory_space<vmem>> -> memref<1x32x513xf32, #tpu.memory_space<vmem>>
        %scatter3A_796 = tpu.memref_squeeze %scatter3A_795 : memref<1x32x513xf32, #tpu.memory_space<vmem>> -> memref<32x513xf32, #tpu.memory_space<vmem>>
        tpu.vector_store_idx %scatter3A_796[%add3A_7, %broadcast_in_dim3A_786], %get3A_785 : memref<32x513xf32, #tpu.memory_space<vmem>>[vector<16xi32>, vector<16xi32>], vector<16xf32>,
        %mul3A_797 = arith.constant 16 : i32
        %mul3A_798 = arith.muli %scan3A_424, %mul3A_797 : i32
        %add3A_799 = arith.constant 15 : i32
        %add3A_800 = arith.addi %mul3A_798, %add3A_799 : i32
        %get3A_801 = arith.constant 0 : i32
        %get3A_802 = arith.index_cast %get3A_801 : i32 to index
        %get3A_803 = arith.index_cast %add3A_800 : i32 to index
        %get3A_804 = arith.constant 0 : index
        %get3A_805 = tpu.vector_load %arg6[%get3A_802, %get3A_803, %get3A_804] {strides = array<i32>} : memref<2x512x32xf32, #tpu.memory_space<vmem>>, vector<16xf32>,
        %get3A_806 = arith.constant 0 : i32
        %get3A_807 = arith.index_cast %get3A_806 : i32 to index
        %get3A_808 = arith.index_cast %add3A_800 : i32 to index
        %get3A_809 = arith.constant 16 : index
        %get3A_810 = tpu.vector_load %arg6[%get3A_807, %get3A_808, %get3A_809] {strides = array<i32>} : memref<2x512x32xf32, #tpu.memory_space<vmem>>, vector<16xf32>,
        %broadcast_in_dim3A_811 = vector.broadcast %add3A_800 : i32 to vector<16xi32>
        %scatter3A_812 = arith.constant 0 : i32
        %scatter3A_813 = arith.constant 0 : i32
        %scatter3A_814 = arith.constant 0 : i32
        %scatter3A_815 = tpu.memref_slice %arg7[%scatter3A_812, %scatter3A_813, %scatter3A_814] : memref<2x32x513xf32, #tpu.memory_space<vmem>> -> memref<1x32x513xf32, #tpu.memory_space<vmem>>
        %scatter3A_816 = tpu.memref_squeeze %scatter3A_815 : memref<1x32x513xf32, #tpu.memory_space<vmem>> -> memref<32x513xf32, #tpu.memory_space<vmem>>
        tpu.vector_store_idx %scatter3A_816[%iota3A, %broadcast_in_dim3A_811], %get3A_805 : memref<32x513xf32, #tpu.memory_space<vmem>>[vector<16xi32>, vector<16xi32>], vector<16xf32>,
        %scatter3A_817 = arith.constant 0 : i32
        %scatter3A_818 = arith.constant 0 : i32
        %scatter3A_819 = arith.constant 0 : i32
        %scatter3A_820 = tpu.memref_slice %arg7[%scatter3A_817, %scatter3A_818, %scatter3A_819] : memref<2x32x513xf32, #tpu.memory_space<vmem>> -> memref<1x32x513xf32, #tpu.memory_space<vmem>>
        %scatter3A_821 = tpu.memref_squeeze %scatter3A_820 : memref<1x32x513xf32, #tpu.memory_space<vmem>> -> memref<32x513xf32, #tpu.memory_space<vmem>>
        tpu.vector_store_idx %scatter3A_821[%add3A_7, %broadcast_in_dim3A_811], %get3A_810 : memref<32x513xf32, #tpu.memory_space<vmem>>[vector<16xi32>, vector<16xi32>], vector<16xf32>,
      }
      %scan3A_288 = arith.constant 32 : i32
      %add3A_289 = arith.addi %mul3A_4, %mul3A_282 : i32
      %jit3A_290 = arith.constant 32 : i32
      %div3A_291 = arith.divsi %add3A_289, %jit3A_290 : i32
      %sign3A_292 = arith.constant 0 : i32
      %sign3A_293 = arith.cmpi sgt, %add3A_289, %sign3A_292 : i32
      %sign3A_294 = arith.extui %sign3A_293 : i1 to i32
      %sign3A_295 = arith.constant 0 : i32
      %sign3A_296 = arith.cmpi slt, %add3A_289, %sign3A_295 : i32
      %sign3A_297 = arith.extui %sign3A_296 : i1 to i32
      %sign3A_298 = arith.subi %sign3A_294, %sign3A_297 : i32
      %sign3A_299 = arith.constant 0 : i32
      %sign3A_300 = arith.cmpi sgt, %jit3A_290, %sign3A_299 : i32
      %sign3A_301 = arith.extui %sign3A_300 : i1 to i32
      %sign3A_302 = arith.constant 0 : i32
      %sign3A_303 = arith.cmpi slt, %jit3A_290, %sign3A_302 : i32
      %sign3A_304 = arith.extui %sign3A_303 : i1 to i32
      %sign3A_305 = arith.subi %sign3A_301, %sign3A_304 : i32
      %ne3A_306 = arith.cmpi ne, %sign3A_298, %sign3A_305 : i32
      %rem3A_307 = arith.remsi %add3A_289, %jit3A_290 : i32
      %ne3A_308 = arith.constant 0 : i32
      %ne3A_309 = arith.cmpi ne, %rem3A_307, %ne3A_308 : i32
      %and3A_310 = arith.andi %ne3A_306, %ne3A_309 : i1
      %sub3A_311 = arith.constant 1 : i32
      %sub3A_312 = arith.subi %div3A_291, %sub3A_311 : i32
      %select_n3A_313 = arith.select %and3A_310, %sub3A_312, %div3A_291 : i32
      %jit3A_314 = arith.constant 32 : i32
      %eq3A_315 = arith.constant 0 : i32
      %eq3A_316 = arith.cmpi eq, %jit3A_314, %eq3A_315 : i32
      %jit3A_317 = arith.constant 1 : i32
      %select_n3A_318 = arith.select %eq3A_316, %jit3A_317, %jit3A_314 : i32
      %rem3A_319 = arith.remsi %add3A_289, %select_n3A_318 : i32
      %ne3A_320 = arith.constant 0 : i32
      %ne3A_321 = arith.cmpi ne, %rem3A_319, %ne3A_320 : i32
      %lt3A_322 = arith.constant 0 : i32
      %lt3A_323 = arith.cmpi slt, %rem3A_319, %lt3A_322 : i32
      %lt3A_324 = arith.constant 0 : i32
      %lt3A_325 = arith.cmpi slt, %select_n3A_318, %lt3A_324 : i32
      %ne3A_326 = arith.xori %lt3A_323, %lt3A_325 : i1
      %and3A_327 = arith.andi %ne3A_326, %ne3A_321 : i1
      %add3A_328 = arith.addi %rem3A_319, %select_n3A_318 : i32
      %select_n3A_329 = arith.select %and3A_327, %add3A_328, %rem3A_319 : i32
      %mul3A_330 = arith.constant 512 : i32
      %mul3A_331 = arith.muli %select_n3A_329, %mul3A_330 : i32
      %dma_start3A_332 = arith.constant 0 : i32
      %dma_start3A_333 = arith.constant 0 : i32
      %dma_start3A_334 = arith.constant 0 : i32
      %dma_start3A_335 = tpu.memref_slice %arg7[%dma_start3A_332, %dma_start3A_333, %dma_start3A_334] : memref<2x32x513xf32, #tpu.memory_space<vmem>> -> memref<1x32x512xf32, #tpu.memory_space<vmem>>
      %dma_start3A_336 = tpu.memref_squeeze %dma_start3A_335 : memref<1x32x512xf32, #tpu.memory_space<vmem>> -> memref<32x512xf32, #tpu.memory_space<vmem>>
      %dma_start3A_337 = arith.constant 0 : i32
      %dma_start3A_338 = tpu.memref_slice %arg4[%select_n3A_313, %dma_start3A_337, %mul3A_331] : memref<50x32x16384xf32, #tpu.memory_space<hbm>> -> memref<1x32x512xf32, #tpu.memory_space<hbm>>
      %dma_start3A_339 = tpu.memref_squeeze %dma_start3A_338 : memref<1x32x512xf32, #tpu.memory_space<hbm>> -> memref<32x512xf32, #tpu.memory_space<hbm>>
      %dma_start3A_340 = arith.constant 0 : i32
      %dma_start3A_341 = tpu.memref_slice %arg4[%select_n3A_313, %dma_start3A_340, %mul3A_331] : memref<50x32x16384xf32, #tpu.memory_space<hbm>> -> memref<1x32x512xf32, #tpu.memory_space<hbm>>
      %dma_start3A_342 = tpu.memref_squeeze %dma_start3A_341 : memref<1x32x512xf32, #tpu.memory_space<hbm>> -> memref<32x512xf32, #tpu.memory_space<hbm>>
      %dma_start3A_343 = arith.constant 0 : i32
      %dma_start3A_344 = arith.constant 0 : i32
      %dma_start3A_345 = tpu.memref_slice %arg7[%dma_start3A_332, %dma_start3A_343, %dma_start3A_344] : memref<2x32x513xf32, #tpu.memory_space<vmem>> -> memref<1x32x512xf32, #tpu.memory_space<vmem>>
      %dma_start3A_346 = tpu.memref_squeeze %dma_start3A_345 : memref<1x32x512xf32, #tpu.memory_space<vmem>> -> memref<32x512xf32, #tpu.memory_space<vmem>>
      tpu.enqueue_dma source(%dma_start3A_346 : memref<32x512xf32, #tpu.memory_space<vmem>>) target(%dma_start3A_342 : memref<32x512xf32, #tpu.memory_space<hbm>>) target_semaphore(%arg9 : memref<!tpu.dma_semaphore, #tpu.memory_space<semaphore_mem>>)
      %dma_wait3A_347 = arith.constant 1 : i32
      %dma_wait3A_348 = arith.constant 0 : i32
      %dma_wait3A_349 = arith.constant 0 : i32
      %dma_wait3A_350 = tpu.memref_slice %arg6[%dma_wait3A_347, %dma_wait3A_348, %dma_wait3A_349] : memref<2x512x32xf32, #tpu.memory_space<vmem>> -> memref<1x512x32xf32, #tpu.memory_space<vmem>>
      %dma_wait3A_351 = tpu.memref_squeeze %dma_wait3A_350 : memref<1x512x32xf32, #tpu.memory_space<vmem>> -> memref<512x32xf32, #tpu.memory_space<vmem>>
      %dma_wait3A_352 = tpu.memref_slice %arg5[%mul3A_262] : memref<25600xi32, #tpu.memory_space<vmem>> -> memref<512xi32, #tpu.memory_space<vmem>>
      %dma_wait3A_353 = arith.constant 0 : i32
      %dma_wait3A_354 = arith.constant 0 : i32
      %dma_wait3A_355 = tpu.memref_slice %arg2[%dma_wait3A_353, %dma_wait3A_354] : memref<1000000x32xf32, #tpu.memory_space<hbm>> -> memref<1000000x32xf32, #tpu.memory_space<hbm>>
      tpu.wait_indirect_dma semaphore(%arg8 : memref<!tpu.dma_semaphore, #tpu.memory_space<semaphore_mem>>) src(%dma_wait3A_355 : memref<1000000x32xf32, #tpu.memory_space<hbm>>) dst(%dma_wait3A_351 : memref<512x32xf32, #tpu.memory_space<vmem>>)
      %mul3A_356 = arith.constant 2 : i32
      %mul3A_357 = arith.muli %mul3A_356, %scan3A_207 : i32
      %add3A_358 = arith.constant 1 : i32
      %add3A_359 = arith.addi %mul3A_357, %add3A_358 : i32
      %scan3A_360 = arith.constant 0 : i32
      %scan3A_361 = arith.constant 0 : i32
      %scan3A_362 = arith.constant 32 : i32
      %scan3A_363 = arith.addi %scan3A_361, %scan3A_362 : i32
      %scan3A_364 = arith.constant 1 : i32
      scf.for %scan3A_424 = %scan3A_361 to %scan3A_363 step %scan3A_364  : i32 {
        %mul3A_425 = arith.constant 16 : i32
        %mul3A_426 = arith.muli %scan3A_424, %mul3A_425 : i32
        %add3A_427 = arith.constant 0 : i32
        %add3A_428 = arith.addi %mul3A_426, %add3A_427 : i32
        %get3A = arith.constant 1 : i32
        %get3A_429 = arith.index_cast %get3A : i32 to index
        %get3A_430 = arith.index_cast %add3A_428 : i32 to index
        %get3A_431 = arith.constant 0 : index
        %get3A_432 = tpu.vector_load %arg6[%get3A_429, %get3A_430, %get3A_431] {strides = array<i32>} : memref<2x512x32xf32, #tpu.memory_space<vmem>>, vector<16xf32>,
        %get3A_433 = arith.constant 1 : i32
        %get3A_434 = arith.index_cast %get3A_433 : i32 to index
        %get3A_435 = arith.index_cast %add3A_428 : i32 to index
        %get3A_436 = arith.constant 16 : index
        %get3A_437 = tpu.vector_load %arg6[%get3A_434, %get3A_435, %get3A_436] {strides = array<i32>} : memref<2x512x32xf32, #tpu.memory_space<vmem>>, vector<16xf32>,
        %broadcast_in_dim3A = vector.broadcast %add3A_428 : i32 to vector<16xi32>
        %scatter3A = arith.constant 1 : i32
        %scatter3A_438 = arith.constant 0 : i32
        %scatter3A_439 = arith.constant 0 : i32
        %scatter3A_440 = tpu.memref_slice %arg7[%scatter3A, %scatter3A_438, %scatter3A_439] : memref<2x32x513xf32, #tpu.memory_space<vmem>> -> memref<1x32x513xf32, #tpu.memory_space<vmem>>
        %scatter3A_441 = tpu.memref_squeeze %scatter3A_440 : memref<1x32x513xf32, #tpu.memory_space<vmem>> -> memref<32x513xf32, #tpu.memory_space<vmem>>
        tpu.vector_store_idx %scatter3A_441[%iota3A, %broadcast_in_dim3A], %get3A_432 : memref<32x513xf32, #tpu.memory_space<vmem>>[vector<16xi32>, vector<16xi32>], vector<16xf32>,
        %scatter3A_442 = arith.constant 1 : i32
        %scatter3A_443 = arith.constant 0 : i32
        %scatter3A_444 = arith.constant 0 : i32
        %scatter3A_445 = tpu.memref_slice %arg7[%scatter3A_442, %scatter3A_443, %scatter3A_444] : memref<2x32x513xf32, #tpu.memory_space<vmem>> -> memref<1x32x513xf32, #tpu.memory_space<vmem>>
        %scatter3A_446 = tpu.memref_squeeze %scatter3A_445 : memref<1x32x513xf32, #tpu.memory_space<vmem>> -> memref<32x513xf32, #tpu.memory_space<vmem>>
        tpu.vector_store_idx %scatter3A_446[%add3A_7, %broadcast_in_dim3A], %get3A_437 : memref<32x513xf32, #tpu.memory_space<vmem>>[vector<16xi32>, vector<16xi32>], vector<16xf32>,
        %mul3A_447 = arith.constant 16 : i32
        %mul3A_448 = arith.muli %scan3A_424, %mul3A_447 : i32
        %add3A_449 = arith.constant 1 : i32
        %add3A_450 = arith.addi %mul3A_448, %add3A_449 : i32
        %get3A_451 = arith.constant 1 : i32
        %get3A_452 = arith.index_cast %get3A_451 : i32 to index
        %get3A_453 = arith.index_cast %add3A_450 : i32 to index
        %get3A_454 = arith.constant 0 : index
        %get3A_455 = tpu.vector_load %arg6[%get3A_452, %get3A_453, %get3A_454] {strides = array<i32>} : memref<2x512x32xf32, #tpu.memory_space<vmem>>, vector<16xf32>,
        %get3A_456 = arith.constant 1 : i32
        %get3A_457 = arith.index_cast %get3A_456 : i32 to index
        %get3A_458 = arith.index_cast %add3A_450 : i32 to index
        %get3A_459 = arith.constant 16 : index
        %get3A_460 = tpu.vector_load %arg6[%get3A_457, %get3A_458, %get3A_459] {strides = array<i32>} : memref<2x512x32xf32, #tpu.memory_space<vmem>>, vector<16xf32>,
        %broadcast_in_dim3A_461 = vector.broadcast %add3A_450 : i32 to vector<16xi32>
        %scatter3A_462 = arith.constant 1 : i32
        %scatter3A_463 = arith.constant 0 : i32
        %scatter3A_464 = arith.constant 0 : i32
        %scatter3A_465 = tpu.memref_slice %arg7[%scatter3A_462, %scatter3A_463, %scatter3A_464] : memref<2x32x513xf32, #tpu.memory_space<vmem>> -> memref<1x32x513xf32, #tpu.memory_space<vmem>>
        %scatter3A_466 = tpu.memref_squeeze %scatter3A_465 : memref<1x32x513xf32, #tpu.memory_space<vmem>> -> memref<32x513xf32, #tpu.memory_space<vmem>>
        tpu.vector_store_idx %scatter3A_466[%iota3A, %broadcast_in_dim3A_461], %get3A_455 : memref<32x513xf32, #tpu.memory_space<vmem>>[vector<16xi32>, vector<16xi32>], vector<16xf32>,
        %scatter3A_467 = arith.constant 1 : i32
        %scatter3A_468 = arith.constant 0 : i32
        %scatter3A_469 = arith.constant 0 : i32
        %scatter3A_470 = tpu.memref_slice %arg7[%scatter3A_467, %scatter3A_468, %scatter3A_469] : memref<2x32x513xf32, #tpu.memory_space<vmem>> -> memref<1x32x513xf32, #tpu.memory_space<vmem>>
        %scatter3A_471 = tpu.memref_squeeze %scatter3A_470 : memref<1x32x513xf32, #tpu.memory_space<vmem>> -> memref<32x513xf32, #tpu.memory_space<vmem>>
        tpu.vector_store_idx %scatter3A_471[%add3A_7, %broadcast_in_dim3A_461], %get3A_460 : memref<32x513xf32, #tpu.memory_space<vmem>>[vector<16xi32>, vector<16xi32>], vector<16xf32>,
        %mul3A_472 = arith.constant 16 : i32
        %mul3A_473 = arith.muli %scan3A_424, %mul3A_472 : i32
        %add3A_474 = arith.constant 2 : i32
        %add3A_475 = arith.addi %mul3A_473, %add3A_474 : i32
        %get3A_476 = arith.constant 1 : i32
        %get3A_477 = arith.index_cast %get3A_476 : i32 to index
        %get3A_478 = arith.index_cast %add3A_475 : i32 to index
        %get3A_479 = arith.constant 0 : index
        %get3A_480 = tpu.vector_load %arg6[%get3A_477, %get3A_478, %get3A_479] {strides = array<i32>} : memref<2x512x32xf32, #tpu.memory_space<vmem>>, vector<16xf32>,
        %get3A_481 = arith.constant 1 : i32
        %get3A_482 = arith.index_cast %get3A_481 : i32 to index
        %get3A_483 = arith.index_cast %add3A_475 : i32 to index
        %get3A_484 = arith.constant 16 : index
        %get3A_485 = tpu.vector_load %arg6[%get3A_482, %get3A_483, %get3A_484] {strides = array<i32>} : memref<2x512x32xf32, #tpu.memory_space<vmem>>, vector<16xf32>,
        %broadcast_in_dim3A_486 = vector.broadcast %add3A_475 : i32 to vector<16xi32>
        %scatter3A_487 = arith.constant 1 : i32
        %scatter3A_488 = arith.constant 0 : i32
        %scatter3A_489 = arith.constant 0 : i32
        %scatter3A_490 = tpu.memref_slice %arg7[%scatter3A_487, %scatter3A_488, %scatter3A_489] : memref<2x32x513xf32, #tpu.memory_space<vmem>> -> memref<1x32x513xf32, #tpu.memory_space<vmem>>
        %scatter3A_491 = tpu.memref_squeeze %scatter3A_490 : memref<1x32x513xf32, #tpu.memory_space<vmem>> -> memref<32x513xf32, #tpu.memory_space<vmem>>
        tpu.vector_store_idx %scatter3A_491[%iota3A, %broadcast_in_dim3A_486], %get3A_480 : memref<32x513xf32, #tpu.memory_space<vmem>>[vector<16xi32>, vector<16xi32>], vector<16xf32>,
        %scatter3A_492 = arith.constant 1 : i32
        %scatter3A_493 = arith.constant 0 : i32
        %scatter3A_494 = arith.constant 0 : i32
        %scatter3A_495 = tpu.memref_slice %arg7[%scatter3A_492, %scatter3A_493, %scatter3A_494] : memref<2x32x513xf32, #tpu.memory_space<vmem>> -> memref<1x32x513xf32, #tpu.memory_space<vmem>>
        %scatter3A_496 = tpu.memref_squeeze %scatter3A_495 : memref<1x32x513xf32, #tpu.memory_space<vmem>> -> memref<32x513xf32, #tpu.memory_space<vmem>>
        tpu.vector_store_idx %scatter3A_496[%add3A_7, %broadcast_in_dim3A_486], %get3A_485 : memref<32x513xf32, #tpu.memory_space<vmem>>[vector<16xi32>, vector<16xi32>], vector<16xf32>,
        %mul3A_497 = arith.constant 16 : i32
        %mul3A_498 = arith.muli %scan3A_424, %mul3A_497 : i32
        %add3A_499 = arith.constant 3 : i32
        %add3A_500 = arith.addi %mul3A_498, %add3A_499 : i32
        %get3A_501 = arith.constant 1 : i32
        %get3A_502 = arith.index_cast %get3A_501 : i32 to index
        %get3A_503 = arith.index_cast %add3A_500 : i32 to index
        %get3A_504 = arith.constant 0 : index
        %get3A_505 = tpu.vector_load %arg6[%get3A_502, %get3A_503, %get3A_504] {strides = array<i32>} : memref<2x512x32xf32, #tpu.memory_space<vmem>>, vector<16xf32>,
        %get3A_506 = arith.constant 1 : i32
        %get3A_507 = arith.index_cast %get3A_506 : i32 to index
        %get3A_508 = arith.index_cast %add3A_500 : i32 to index
        %get3A_509 = arith.constant 16 : index
        %get3A_510 = tpu.vector_load %arg6[%get3A_507, %get3A_508, %get3A_509] {strides = array<i32>} : memref<2x512x32xf32, #tpu.memory_space<vmem>>, vector<16xf32>,
        %broadcast_in_dim3A_511 = vector.broadcast %add3A_500 : i32 to vector<16xi32>
        %scatter3A_512 = arith.constant 1 : i32
        %scatter3A_513 = arith.constant 0 : i32
        %scatter3A_514 = arith.constant 0 : i32
        %scatter3A_515 = tpu.memref_slice %arg7[%scatter3A_512, %scatter3A_513, %scatter3A_514] : memref<2x32x513xf32, #tpu.memory_space<vmem>> -> memref<1x32x513xf32, #tpu.memory_space<vmem>>
        %scatter3A_516 = tpu.memref_squeeze %scatter3A_515 : memref<1x32x513xf32, #tpu.memory_space<vmem>> -> memref<32x513xf32, #tpu.memory_space<vmem>>
        tpu.vector_store_idx %scatter3A_516[%iota3A, %broadcast_in_dim3A_511], %get3A_505 : memref<32x513xf32, #tpu.memory_space<vmem>>[vector<16xi32>, vector<16xi32>], vector<16xf32>,
        %scatter3A_517 = arith.constant 1 : i32
        %scatter3A_518 = arith.constant 0 : i32
        %scatter3A_519 = arith.constant 0 : i32
        %scatter3A_520 = tpu.memref_slice %arg7[%scatter3A_517, %scatter3A_518, %scatter3A_519] : memref<2x32x513xf32, #tpu.memory_space<vmem>> -> memref<1x32x513xf32, #tpu.memory_space<vmem>>
        %scatter3A_521 = tpu.memref_squeeze %scatter3A_520 : memref<1x32x513xf32, #tpu.memory_space<vmem>> -> memref<32x513xf32, #tpu.memory_space<vmem>>
        tpu.vector_store_idx %scatter3A_521[%add3A_7, %broadcast_in_dim3A_511], %get3A_510 : memref<32x513xf32, #tpu.memory_space<vmem>>[vector<16xi32>, vector<16xi32>], vector<16xf32>,
        %mul3A_522 = arith.constant 16 : i32
        %mul3A_523 = arith.muli %scan3A_424, %mul3A_522 : i32
        %add3A_524 = arith.constant 4 : i32
        %add3A_525 = arith.addi %mul3A_523, %add3A_524 : i32
        %get3A_526 = arith.constant 1 : i32
        %get3A_527 = arith.index_cast %get3A_526 : i32 to index
        %get3A_528 = arith.index_cast %add3A_525 : i32 to index
        %get3A_529 = arith.constant 0 : index
        %get3A_530 = tpu.vector_load %arg6[%get3A_527, %get3A_528, %get3A_529] {strides = array<i32>} : memref<2x512x32xf32, #tpu.memory_space<vmem>>, vector<16xf32>,
        %get3A_531 = arith.constant 1 : i32
        %get3A_532 = arith.index_cast %get3A_531 : i32 to index
        %get3A_533 = arith.index_cast %add3A_525 : i32 to index
        %get3A_534 = arith.constant 16 : index
        %get3A_535 = tpu.vector_load %arg6[%get3A_532, %get3A_533, %get3A_534] {strides = array<i32>} : memref<2x512x32xf32, #tpu.memory_space<vmem>>, vector<16xf32>,
        %broadcast_in_dim3A_536 = vector.broadcast %add3A_525 : i32 to vector<16xi32>
        %scatter3A_537 = arith.constant 1 : i32
        %scatter3A_538 = arith.constant 0 : i32
        %scatter3A_539 = arith.constant 0 : i32
        %scatter3A_540 = tpu.memref_slice %arg7[%scatter3A_537, %scatter3A_538, %scatter3A_539] : memref<2x32x513xf32, #tpu.memory_space<vmem>> -> memref<1x32x513xf32, #tpu.memory_space<vmem>>
        %scatter3A_541 = tpu.memref_squeeze %scatter3A_540 : memref<1x32x513xf32, #tpu.memory_space<vmem>> -> memref<32x513xf32, #tpu.memory_space<vmem>>
        tpu.vector_store_idx %scatter3A_541[%iota3A, %broadcast_in_dim3A_536], %get3A_530 : memref<32x513xf32, #tpu.memory_space<vmem>>[vector<16xi32>, vector<16xi32>], vector<16xf32>,
        %scatter3A_542 = arith.constant 1 : i32
        %scatter3A_543 = arith.constant 0 : i32
        %scatter3A_544 = arith.constant 0 : i32
        %scatter3A_545 = tpu.memref_slice %arg7[%scatter3A_542, %scatter3A_543, %scatter3A_544] : memref<2x32x513xf32, #tpu.memory_space<vmem>> -> memref<1x32x513xf32, #tpu.memory_space<vmem>>
        %scatter3A_546 = tpu.memref_squeeze %scatter3A_545 : memref<1x32x513xf32, #tpu.memory_space<vmem>> -> memref<32x513xf32, #tpu.memory_space<vmem>>
        tpu.vector_store_idx %scatter3A_546[%add3A_7, %broadcast_in_dim3A_536], %get3A_535 : memref<32x513xf32, #tpu.memory_space<vmem>>[vector<16xi32>, vector<16xi32>], vector<16xf32>,
        %mul3A_547 = arith.constant 16 : i32
        %mul3A_548 = arith.muli %scan3A_424, %mul3A_547 : i32
        %add3A_549 = arith.constant 5 : i32
        %add3A_550 = arith.addi %mul3A_548, %add3A_549 : i32
        %get3A_551 = arith.constant 1 : i32
        %get3A_552 = arith.index_cast %get3A_551 : i32 to index
        %get3A_553 = arith.index_cast %add3A_550 : i32 to index
        %get3A_554 = arith.constant 0 : index
        %get3A_555 = tpu.vector_load %arg6[%get3A_552, %get3A_553, %get3A_554] {strides = array<i32>} : memref<2x512x32xf32, #tpu.memory_space<vmem>>, vector<16xf32>,
        %get3A_556 = arith.constant 1 : i32
        %get3A_557 = arith.index_cast %get3A_556 : i32 to index
        %get3A_558 = arith.index_cast %add3A_550 : i32 to index
        %get3A_559 = arith.constant 16 : index
        %get3A_560 = tpu.vector_load %arg6[%get3A_557, %get3A_558, %get3A_559] {strides = array<i32>} : memref<2x512x32xf32, #tpu.memory_space<vmem>>, vector<16xf32>,
        %broadcast_in_dim3A_561 = vector.broadcast %add3A_550 : i32 to vector<16xi32>
        %scatter3A_562 = arith.constant 1 : i32
        %scatter3A_563 = arith.constant 0 : i32
        %scatter3A_564 = arith.constant 0 : i32
        %scatter3A_565 = tpu.memref_slice %arg7[%scatter3A_562, %scatter3A_563, %scatter3A_564] : memref<2x32x513xf32, #tpu.memory_space<vmem>> -> memref<1x32x513xf32, #tpu.memory_space<vmem>>
        %scatter3A_566 = tpu.memref_squeeze %scatter3A_565 : memref<1x32x513xf32, #tpu.memory_space<vmem>> -> memref<32x513xf32, #tpu.memory_space<vmem>>
        tpu.vector_store_idx %scatter3A_566[%iota3A, %broadcast_in_dim3A_561], %get3A_555 : memref<32x513xf32, #tpu.memory_space<vmem>>[vector<16xi32>, vector<16xi32>], vector<16xf32>,
        %scatter3A_567 = arith.constant 1 : i32
        %scatter3A_568 = arith.constant 0 : i32
        %scatter3A_569 = arith.constant 0 : i32
        %scatter3A_570 = tpu.memref_slice %arg7[%scatter3A_567, %scatter3A_568, %scatter3A_569] : memref<2x32x513xf32, #tpu.memory_space<vmem>> -> memref<1x32x513xf32, #tpu.memory_space<vmem>>
        %scatter3A_571 = tpu.memref_squeeze %scatter3A_570 : memref<1x32x513xf32, #tpu.memory_space<vmem>> -> memref<32x513xf32, #tpu.memory_space<vmem>>
        tpu.vector_store_idx %scatter3A_571[%add3A_7, %broadcast_in_dim3A_561], %get3A_560 : memref<32x513xf32, #tpu.memory_space<vmem>>[vector<16xi32>, vector<16xi32>], vector<16xf32>,
        %mul3A_572 = arith.constant 16 : i32
        %mul3A_573 = arith.muli %scan3A_424, %mul3A_572 : i32
        %add3A_574 = arith.constant 6 : i32
        %add3A_575 = arith.addi %mul3A_573, %add3A_574 : i32
        %get3A_576 = arith.constant 1 : i32
        %get3A_577 = arith.index_cast %get3A_576 : i32 to index
        %get3A_578 = arith.index_cast %add3A_575 : i32 to index
        %get3A_579 = arith.constant 0 : index
        %get3A_580 = tpu.vector_load %arg6[%get3A_577, %get3A_578, %get3A_579] {strides = array<i32>} : memref<2x512x32xf32, #tpu.memory_space<vmem>>, vector<16xf32>,
        %get3A_581 = arith.constant 1 : i32
        %get3A_582 = arith.index_cast %get3A_581 : i32 to index
        %get3A_583 = arith.index_cast %add3A_575 : i32 to index
        %get3A_584 = arith.constant 16 : index
        %get3A_585 = tpu.vector_load %arg6[%get3A_582, %get3A_583, %get3A_584] {strides = array<i32>} : memref<2x512x32xf32, #tpu.memory_space<vmem>>, vector<16xf32>,
        %broadcast_in_dim3A_586 = vector.broadcast %add3A_575 : i32 to vector<16xi32>
        %scatter3A_587 = arith.constant 1 : i32
        %scatter3A_588 = arith.constant 0 : i32
        %scatter3A_589 = arith.constant 0 : i32
        %scatter3A_590 = tpu.memref_slice %arg7[%scatter3A_587, %scatter3A_588, %scatter3A_589] : memref<2x32x513xf32, #tpu.memory_space<vmem>> -> memref<1x32x513xf32, #tpu.memory_space<vmem>>
        %scatter3A_591 = tpu.memref_squeeze %scatter3A_590 : memref<1x32x513xf32, #tpu.memory_space<vmem>> -> memref<32x513xf32, #tpu.memory_space<vmem>>
        tpu.vector_store_idx %scatter3A_591[%iota3A, %broadcast_in_dim3A_586], %get3A_580 : memref<32x513xf32, #tpu.memory_space<vmem>>[vector<16xi32>, vector<16xi32>], vector<16xf32>,
        %scatter3A_592 = arith.constant 1 : i32
        %scatter3A_593 = arith.constant 0 : i32
        %scatter3A_594 = arith.constant 0 : i32
        %scatter3A_595 = tpu.memref_slice %arg7[%scatter3A_592, %scatter3A_593, %scatter3A_594] : memref<2x32x513xf32, #tpu.memory_space<vmem>> -> memref<1x32x513xf32, #tpu.memory_space<vmem>>
        %scatter3A_596 = tpu.memref_squeeze %scatter3A_595 : memref<1x32x513xf32, #tpu.memory_space<vmem>> -> memref<32x513xf32, #tpu.memory_space<vmem>>
        tpu.vector_store_idx %scatter3A_596[%add3A_7, %broadcast_in_dim3A_586], %get3A_585 : memref<32x513xf32, #tpu.memory_space<vmem>>[vector<16xi32>, vector<16xi32>], vector<16xf32>,
        %mul3A_597 = arith.constant 16 : i32
        %mul3A_598 = arith.muli %scan3A_424, %mul3A_597 : i32
        %add3A_599 = arith.constant 7 : i32
        %add3A_600 = arith.addi %mul3A_598, %add3A_599 : i32
        %get3A_601 = arith.constant 1 : i32
        %get3A_602 = arith.index_cast %get3A_601 : i32 to index
        %get3A_603 = arith.index_cast %add3A_600 : i32 to index
        %get3A_604 = arith.constant 0 : index
        %get3A_605 = tpu.vector_load %arg6[%get3A_602, %get3A_603, %get3A_604] {strides = array<i32>} : memref<2x512x32xf32, #tpu.memory_space<vmem>>, vector<16xf32>,
        %get3A_606 = arith.constant 1 : i32
        %get3A_607 = arith.index_cast %get3A_606 : i32 to index
        %get3A_608 = arith.index_cast %add3A_600 : i32 to index
        %get3A_609 = arith.constant 16 : index
        %get3A_610 = tpu.vector_load %arg6[%get3A_607, %get3A_608, %get3A_609] {strides = array<i32>} : memref<2x512x32xf32, #tpu.memory_space<vmem>>, vector<16xf32>,
        %broadcast_in_dim3A_611 = vector.broadcast %add3A_600 : i32 to vector<16xi32>
        %scatter3A_612 = arith.constant 1 : i32
        %scatter3A_613 = arith.constant 0 : i32
        %scatter3A_614 = arith.constant 0 : i32
        %scatter3A_615 = tpu.memref_slice %arg7[%scatter3A_612, %scatter3A_613, %scatter3A_614] : memref<2x32x513xf32, #tpu.memory_space<vmem>> -> memref<1x32x513xf32, #tpu.memory_space<vmem>>
        %scatter3A_616 = tpu.memref_squeeze %scatter3A_615 : memref<1x32x513xf32, #tpu.memory_space<vmem>> -> memref<32x513xf32, #tpu.memory_space<vmem>>
        tpu.vector_store_idx %scatter3A_616[%iota3A, %broadcast_in_dim3A_611], %get3A_605 : memref<32x513xf32, #tpu.memory_space<vmem>>[vector<16xi32>, vector<16xi32>], vector<16xf32>,
        %scatter3A_617 = arith.constant 1 : i32
        %scatter3A_618 = arith.constant 0 : i32
        %scatter3A_619 = arith.constant 0 : i32
        %scatter3A_620 = tpu.memref_slice %arg7[%scatter3A_617, %scatter3A_618, %scatter3A_619] : memref<2x32x513xf32, #tpu.memory_space<vmem>> -> memref<1x32x513xf32, #tpu.memory_space<vmem>>
        %scatter3A_621 = tpu.memref_squeeze %scatter3A_620 : memref<1x32x513xf32, #tpu.memory_space<vmem>> -> memref<32x513xf32, #tpu.memory_space<vmem>>
        tpu.vector_store_idx %scatter3A_621[%add3A_7, %broadcast_in_dim3A_611], %get3A_610 : memref<32x513xf32, #tpu.memory_space<vmem>>[vector<16xi32>, vector<16xi32>], vector<16xf32>,
        %mul3A_622 = arith.constant 16 : i32
        %mul3A_623 = arith.muli %scan3A_424, %mul3A_622 : i32
        %add3A_624 = arith.constant 8 : i32
        %add3A_625 = arith.addi %mul3A_623, %add3A_624 : i32
        %get3A_626 = arith.constant 1 : i32
        %get3A_627 = arith.index_cast %get3A_626 : i32 to index
        %get3A_628 = arith.index_cast %add3A_625 : i32 to index
        %get3A_629 = arith.constant 0 : index
        %get3A_630 = tpu.vector_load %arg6[%get3A_627, %get3A_628, %get3A_629] {strides = array<i32>} : memref<2x512x32xf32, #tpu.memory_space<vmem>>, vector<16xf32>,
        %get3A_631 = arith.constant 1 : i32
        %get3A_632 = arith.index_cast %get3A_631 : i32 to index
        %get3A_633 = arith.index_cast %add3A_625 : i32 to index
        %get3A_634 = arith.constant 16 : index
        %get3A_635 = tpu.vector_load %arg6[%get3A_632, %get3A_633, %get3A_634] {strides = array<i32>} : memref<2x512x32xf32, #tpu.memory_space<vmem>>, vector<16xf32>,
        %broadcast_in_dim3A_636 = vector.broadcast %add3A_625 : i32 to vector<16xi32>
        %scatter3A_637 = arith.constant 1 : i32
        %scatter3A_638 = arith.constant 0 : i32
        %scatter3A_639 = arith.constant 0 : i32
        %scatter3A_640 = tpu.memref_slice %arg7[%scatter3A_637, %scatter3A_638, %scatter3A_639] : memref<2x32x513xf32, #tpu.memory_space<vmem>> -> memref<1x32x513xf32, #tpu.memory_space<vmem>>
        %scatter3A_641 = tpu.memref_squeeze %scatter3A_640 : memref<1x32x513xf32, #tpu.memory_space<vmem>> -> memref<32x513xf32, #tpu.memory_space<vmem>>
        tpu.vector_store_idx %scatter3A_641[%iota3A, %broadcast_in_dim3A_636], %get3A_630 : memref<32x513xf32, #tpu.memory_space<vmem>>[vector<16xi32>, vector<16xi32>], vector<16xf32>,
        %scatter3A_642 = arith.constant 1 : i32
        %scatter3A_643 = arith.constant 0 : i32
        %scatter3A_644 = arith.constant 0 : i32
        %scatter3A_645 = tpu.memref_slice %arg7[%scatter3A_642, %scatter3A_643, %scatter3A_644] : memref<2x32x513xf32, #tpu.memory_space<vmem>> -> memref<1x32x513xf32, #tpu.memory_space<vmem>>
        %scatter3A_646 = tpu.memref_squeeze %scatter3A_645 : memref<1x32x513xf32, #tpu.memory_space<vmem>> -> memref<32x513xf32, #tpu.memory_space<vmem>>
        tpu.vector_store_idx %scatter3A_646[%add3A_7, %broadcast_in_dim3A_636], %get3A_635 : memref<32x513xf32, #tpu.memory_space<vmem>>[vector<16xi32>, vector<16xi32>], vector<16xf32>,
        %mul3A_647 = arith.constant 16 : i32
        %mul3A_648 = arith.muli %scan3A_424, %mul3A_647 : i32
        %add3A_649 = arith.constant 9 : i32
        %add3A_650 = arith.addi %mul3A_648, %add3A_649 : i32
        %get3A_651 = arith.constant 1 : i32
        %get3A_652 = arith.index_cast %get3A_651 : i32 to index
        %get3A_653 = arith.index_cast %add3A_650 : i32 to index
        %get3A_654 = arith.constant 0 : index
        %get3A_655 = tpu.vector_load %arg6[%get3A_652, %get3A_653, %get3A_654] {strides = array<i32>} : memref<2x512x32xf32, #tpu.memory_space<vmem>>, vector<16xf32>,
        %get3A_656 = arith.constant 1 : i32
        %get3A_657 = arith.index_cast %get3A_656 : i32 to index
        %get3A_658 = arith.index_cast %add3A_650 : i32 to index
        %get3A_659 = arith.constant 16 : index
        %get3A_660 = tpu.vector_load %arg6[%get3A_657, %get3A_658, %get3A_659] {strides = array<i32>} : memref<2x512x32xf32, #tpu.memory_space<vmem>>, vector<16xf32>,
        %broadcast_in_dim3A_661 = vector.broadcast %add3A_650 : i32 to vector<16xi32>
        %scatter3A_662 = arith.constant 1 : i32
        %scatter3A_663 = arith.constant 0 : i32
        %scatter3A_664 = arith.constant 0 : i32
        %scatter3A_665 = tpu.memref_slice %arg7[%scatter3A_662, %scatter3A_663, %scatter3A_664] : memref<2x32x513xf32, #tpu.memory_space<vmem>> -> memref<1x32x513xf32, #tpu.memory_space<vmem>>
        %scatter3A_666 = tpu.memref_squeeze %scatter3A_665 : memref<1x32x513xf32, #tpu.memory_space<vmem>> -> memref<32x513xf32, #tpu.memory_space<vmem>>
        tpu.vector_store_idx %scatter3A_666[%iota3A, %broadcast_in_dim3A_661], %get3A_655 : memref<32x513xf32, #tpu.memory_space<vmem>>[vector<16xi32>, vector<16xi32>], vector<16xf32>,
        %scatter3A_667 = arith.constant 1 : i32
        %scatter3A_668 = arith.constant 0 : i32
        %scatter3A_669 = arith.constant 0 : i32
        %scatter3A_670 = tpu.memref_slice %arg7[%scatter3A_667, %scatter3A_668, %scatter3A_669] : memref<2x32x513xf32, #tpu.memory_space<vmem>> -> memref<1x32x513xf32, #tpu.memory_space<vmem>>
        %scatter3A_671 = tpu.memref_squeeze %scatter3A_670 : memref<1x32x513xf32, #tpu.memory_space<vmem>> -> memref<32x513xf32, #tpu.memory_space<vmem>>
        tpu.vector_store_idx %scatter3A_671[%add3A_7, %broadcast_in_dim3A_661], %get3A_660 : memref<32x513xf32, #tpu.memory_space<vmem>>[vector<16xi32>, vector<16xi32>], vector<16xf32>,
        %mul3A_672 = arith.constant 16 : i32
        %mul3A_673 = arith.muli %scan3A_424, %mul3A_672 : i32
        %add3A_674 = arith.constant 10 : i32
        %add3A_675 = arith.addi %mul3A_673, %add3A_674 : i32
        %get3A_676 = arith.constant 1 : i32
        %get3A_677 = arith.index_cast %get3A_676 : i32 to index
        %get3A_678 = arith.index_cast %add3A_675 : i32 to index
        %get3A_679 = arith.constant 0 : index
        %get3A_680 = tpu.vector_load %arg6[%get3A_677, %get3A_678, %get3A_679] {strides = array<i32>} : memref<2x512x32xf32, #tpu.memory_space<vmem>>, vector<16xf32>,
        %get3A_681 = arith.constant 1 : i32
        %get3A_682 = arith.index_cast %get3A_681 : i32 to index
        %get3A_683 = arith.index_cast %add3A_675 : i32 to index
        %get3A_684 = arith.constant 16 : index
        %get3A_685 = tpu.vector_load %arg6[%get3A_682, %get3A_683, %get3A_684] {strides = array<i32>} : memref<2x512x32xf32, #tpu.memory_space<vmem>>, vector<16xf32>,
        %broadcast_in_dim3A_686 = vector.broadcast %add3A_675 : i32 to vector<16xi32>
        %scatter3A_687 = arith.constant 1 : i32
        %scatter3A_688 = arith.constant 0 : i32
        %scatter3A_689 = arith.constant 0 : i32
        %scatter3A_690 = tpu.memref_slice %arg7[%scatter3A_687, %scatter3A_688, %scatter3A_689] : memref<2x32x513xf32, #tpu.memory_space<vmem>> -> memref<1x32x513xf32, #tpu.memory_space<vmem>>
        %scatter3A_691 = tpu.memref_squeeze %scatter3A_690 : memref<1x32x513xf32, #tpu.memory_space<vmem>> -> memref<32x513xf32, #tpu.memory_space<vmem>>
        tpu.vector_store_idx %scatter3A_691[%iota3A, %broadcast_in_dim3A_686], %get3A_680 : memref<32x513xf32, #tpu.memory_space<vmem>>[vector<16xi32>, vector<16xi32>], vector<16xf32>,
        %scatter3A_692 = arith.constant 1 : i32
        %scatter3A_693 = arith.constant 0 : i32
        %scatter3A_694 = arith.constant 0 : i32
        %scatter3A_695 = tpu.memref_slice %arg7[%scatter3A_692, %scatter3A_693, %scatter3A_694] : memref<2x32x513xf32, #tpu.memory_space<vmem>> -> memref<1x32x513xf32, #tpu.memory_space<vmem>>
        %scatter3A_696 = tpu.memref_squeeze %scatter3A_695 : memref<1x32x513xf32, #tpu.memory_space<vmem>> -> memref<32x513xf32, #tpu.memory_space<vmem>>
        tpu.vector_store_idx %scatter3A_696[%add3A_7, %broadcast_in_dim3A_686], %get3A_685 : memref<32x513xf32, #tpu.memory_space<vmem>>[vector<16xi32>, vector<16xi32>], vector<16xf32>,
        %mul3A_697 = arith.constant 16 : i32
        %mul3A_698 = arith.muli %scan3A_424, %mul3A_697 : i32
        %add3A_699 = arith.constant 11 : i32
        %add3A_700 = arith.addi %mul3A_698, %add3A_699 : i32
        %get3A_701 = arith.constant 1 : i32
        %get3A_702 = arith.index_cast %get3A_701 : i32 to index
        %get3A_703 = arith.index_cast %add3A_700 : i32 to index
        %get3A_704 = arith.constant 0 : index
        %get3A_705 = tpu.vector_load %arg6[%get3A_702, %get3A_703, %get3A_704] {strides = array<i32>} : memref<2x512x32xf32, #tpu.memory_space<vmem>>, vector<16xf32>,
        %get3A_706 = arith.constant 1 : i32
        %get3A_707 = arith.index_cast %get3A_706 : i32 to index
        %get3A_708 = arith.index_cast %add3A_700 : i32 to index
        %get3A_709 = arith.constant 16 : index
        %get3A_710 = tpu.vector_load %arg6[%get3A_707, %get3A_708, %get3A_709] {strides = array<i32>} : memref<2x512x32xf32, #tpu.memory_space<vmem>>, vector<16xf32>,
        %broadcast_in_dim3A_711 = vector.broadcast %add3A_700 : i32 to vector<16xi32>
        %scatter3A_712 = arith.constant 1 : i32
        %scatter3A_713 = arith.constant 0 : i32
        %scatter3A_714 = arith.constant 0 : i32
        %scatter3A_715 = tpu.memref_slice %arg7[%scatter3A_712, %scatter3A_713, %scatter3A_714] : memref<2x32x513xf32, #tpu.memory_space<vmem>> -> memref<1x32x513xf32, #tpu.memory_space<vmem>>
        %scatter3A_716 = tpu.memref_squeeze %scatter3A_715 : memref<1x32x513xf32, #tpu.memory_space<vmem>> -> memref<32x513xf32, #tpu.memory_space<vmem>>
        tpu.vector_store_idx %scatter3A_716[%iota3A, %broadcast_in_dim3A_711], %get3A_705 : memref<32x513xf32, #tpu.memory_space<vmem>>[vector<16xi32>, vector<16xi32>], vector<16xf32>,
        %scatter3A_717 = arith.constant 1 : i32
        %scatter3A_718 = arith.constant 0 : i32
        %scatter3A_719 = arith.constant 0 : i32
        %scatter3A_720 = tpu.memref_slice %arg7[%scatter3A_717, %scatter3A_718, %scatter3A_719] : memref<2x32x513xf32, #tpu.memory_space<vmem>> -> memref<1x32x513xf32, #tpu.memory_space<vmem>>
        %scatter3A_721 = tpu.memref_squeeze %scatter3A_720 : memref<1x32x513xf32, #tpu.memory_space<vmem>> -> memref<32x513xf32, #tpu.memory_space<vmem>>
        tpu.vector_store_idx %scatter3A_721[%add3A_7, %broadcast_in_dim3A_711], %get3A_710 : memref<32x513xf32, #tpu.memory_space<vmem>>[vector<16xi32>, vector<16xi32>], vector<16xf32>,
        %mul3A_722 = arith.constant 16 : i32
        %mul3A_723 = arith.muli %scan3A_424, %mul3A_722 : i32
        %add3A_724 = arith.constant 12 : i32
        %add3A_725 = arith.addi %mul3A_723, %add3A_724 : i32
        %get3A_726 = arith.constant 1 : i32
        %get3A_727 = arith.index_cast %get3A_726 : i32 to index
        %get3A_728 = arith.index_cast %add3A_725 : i32 to index
        %get3A_729 = arith.constant 0 : index
        %get3A_730 = tpu.vector_load %arg6[%get3A_727, %get3A_728, %get3A_729] {strides = array<i32>} : memref<2x512x32xf32, #tpu.memory_space<vmem>>, vector<16xf32>,
        %get3A_731 = arith.constant 1 : i32
        %get3A_732 = arith.index_cast %get3A_731 : i32 to index
        %get3A_733 = arith.index_cast %add3A_725 : i32 to index
        %get3A_734 = arith.constant 16 : index
        %get3A_735 = tpu.vector_load %arg6[%get3A_732, %get3A_733, %get3A_734] {strides = array<i32>} : memref<2x512x32xf32, #tpu.memory_space<vmem>>, vector<16xf32>,
        %broadcast_in_dim3A_736 = vector.broadcast %add3A_725 : i32 to vector<16xi32>
        %scatter3A_737 = arith.constant 1 : i32
        %scatter3A_738 = arith.constant 0 : i32
        %scatter3A_739 = arith.constant 0 : i32
        %scatter3A_740 = tpu.memref_slice %arg7[%scatter3A_737, %scatter3A_738, %scatter3A_739] : memref<2x32x513xf32, #tpu.memory_space<vmem>> -> memref<1x32x513xf32, #tpu.memory_space<vmem>>
        %scatter3A_741 = tpu.memref_squeeze %scatter3A_740 : memref<1x32x513xf32, #tpu.memory_space<vmem>> -> memref<32x513xf32, #tpu.memory_space<vmem>>
        tpu.vector_store_idx %scatter3A_741[%iota3A, %broadcast_in_dim3A_736], %get3A_730 : memref<32x513xf32, #tpu.memory_space<vmem>>[vector<16xi32>, vector<16xi32>], vector<16xf32>,
        %scatter3A_742 = arith.constant 1 : i32
        %scatter3A_743 = arith.constant 0 : i32
        %scatter3A_744 = arith.constant 0 : i32
        %scatter3A_745 = tpu.memref_slice %arg7[%scatter3A_742, %scatter3A_743, %scatter3A_744] : memref<2x32x513xf32, #tpu.memory_space<vmem>> -> memref<1x32x513xf32, #tpu.memory_space<vmem>>
        %scatter3A_746 = tpu.memref_squeeze %scatter3A_745 : memref<1x32x513xf32, #tpu.memory_space<vmem>> -> memref<32x513xf32, #tpu.memory_space<vmem>>
        tpu.vector_store_idx %scatter3A_746[%add3A_7, %broadcast_in_dim3A_736], %get3A_735 : memref<32x513xf32, #tpu.memory_space<vmem>>[vector<16xi32>, vector<16xi32>], vector<16xf32>,
        %mul3A_747 = arith.constant 16 : i32
        %mul3A_748 = arith.muli %scan3A_424, %mul3A_747 : i32
        %add3A_749 = arith.constant 13 : i32
        %add3A_750 = arith.addi %mul3A_748, %add3A_749 : i32
        %get3A_751 = arith.constant 1 : i32
        %get3A_752 = arith.index_cast %get3A_751 : i32 to index
        %get3A_753 = arith.index_cast %add3A_750 : i32 to index
        %get3A_754 = arith.constant 0 : index
        %get3A_755 = tpu.vector_load %arg6[%get3A_752, %get3A_753, %get3A_754] {strides = array<i32>} : memref<2x512x32xf32, #tpu.memory_space<vmem>>, vector<16xf32>,
        %get3A_756 = arith.constant 1 : i32
        %get3A_757 = arith.index_cast %get3A_756 : i32 to index
        %get3A_758 = arith.index_cast %add3A_750 : i32 to index
        %get3A_759 = arith.constant 16 : index
        %get3A_760 = tpu.vector_load %arg6[%get3A_757, %get3A_758, %get3A_759] {strides = array<i32>} : memref<2x512x32xf32, #tpu.memory_space<vmem>>, vector<16xf32>,
        %broadcast_in_dim3A_761 = vector.broadcast %add3A_750 : i32 to vector<16xi32>
        %scatter3A_762 = arith.constant 1 : i32
        %scatter3A_763 = arith.constant 0 : i32
        %scatter3A_764 = arith.constant 0 : i32
        %scatter3A_765 = tpu.memref_slice %arg7[%scatter3A_762, %scatter3A_763, %scatter3A_764] : memref<2x32x513xf32, #tpu.memory_space<vmem>> -> memref<1x32x513xf32, #tpu.memory_space<vmem>>
        %scatter3A_766 = tpu.memref_squeeze %scatter3A_765 : memref<1x32x513xf32, #tpu.memory_space<vmem>> -> memref<32x513xf32, #tpu.memory_space<vmem>>
        tpu.vector_store_idx %scatter3A_766[%iota3A, %broadcast_in_dim3A_761], %get3A_755 : memref<32x513xf32, #tpu.memory_space<vmem>>[vector<16xi32>, vector<16xi32>], vector<16xf32>,
        %scatter3A_767 = arith.constant 1 : i32
        %scatter3A_768 = arith.constant 0 : i32
        %scatter3A_769 = arith.constant 0 : i32
        %scatter3A_770 = tpu.memref_slice %arg7[%scatter3A_767, %scatter3A_768, %scatter3A_769] : memref<2x32x513xf32, #tpu.memory_space<vmem>> -> memref<1x32x513xf32, #tpu.memory_space<vmem>>
        %scatter3A_771 = tpu.memref_squeeze %scatter3A_770 : memref<1x32x513xf32, #tpu.memory_space<vmem>> -> memref<32x513xf32, #tpu.memory_space<vmem>>
        tpu.vector_store_idx %scatter3A_771[%add3A_7, %broadcast_in_dim3A_761], %get3A_760 : memref<32x513xf32, #tpu.memory_space<vmem>>[vector<16xi32>, vector<16xi32>], vector<16xf32>,
        %mul3A_772 = arith.constant 16 : i32
        %mul3A_773 = arith.muli %scan3A_424, %mul3A_772 : i32
        %add3A_774 = arith.constant 14 : i32
        %add3A_775 = arith.addi %mul3A_773, %add3A_774 : i32
        %get3A_776 = arith.constant 1 : i32
        %get3A_777 = arith.index_cast %get3A_776 : i32 to index
        %get3A_778 = arith.index_cast %add3A_775 : i32 to index
        %get3A_779 = arith.constant 0 : index
        %get3A_780 = tpu.vector_load %arg6[%get3A_777, %get3A_778, %get3A_779] {strides = array<i32>} : memref<2x512x32xf32, #tpu.memory_space<vmem>>, vector<16xf32>,
        %get3A_781 = arith.constant 1 : i32
        %get3A_782 = arith.index_cast %get3A_781 : i32 to index
        %get3A_783 = arith.index_cast %add3A_775 : i32 to index
        %get3A_784 = arith.constant 16 : index
        %get3A_785 = tpu.vector_load %arg6[%get3A_782, %get3A_783, %get3A_784] {strides = array<i32>} : memref<2x512x32xf32, #tpu.memory_space<vmem>>, vector<16xf32>,
        %broadcast_in_dim3A_786 = vector.broadcast %add3A_775 : i32 to vector<16xi32>
        %scatter3A_787 = arith.constant 1 : i32
        %scatter3A_788 = arith.constant 0 : i32
        %scatter3A_789 = arith.constant 0 : i32
        %scatter3A_790 = tpu.memref_slice %arg7[%scatter3A_787, %scatter3A_788, %scatter3A_789] : memref<2x32x513xf32, #tpu.memory_space<vmem>> -> memref<1x32x513xf32, #tpu.memory_space<vmem>>
        %scatter3A_791 = tpu.memref_squeeze %scatter3A_790 : memref<1x32x513xf32, #tpu.memory_space<vmem>> -> memref<32x513xf32, #tpu.memory_space<vmem>>
        tpu.vector_store_idx %scatter3A_791[%iota3A, %broadcast_in_dim3A_786], %get3A_780 : memref<32x513xf32, #tpu.memory_space<vmem>>[vector<16xi32>, vector<16xi32>], vector<16xf32>,
        %scatter3A_792 = arith.constant 1 : i32
        %scatter3A_793 = arith.constant 0 : i32
        %scatter3A_794 = arith.constant 0 : i32
        %scatter3A_795 = tpu.memref_slice %arg7[%scatter3A_792, %scatter3A_793, %scatter3A_794] : memref<2x32x513xf32, #tpu.memory_space<vmem>> -> memref<1x32x513xf32, #tpu.memory_space<vmem>>
        %scatter3A_796 = tpu.memref_squeeze %scatter3A_795 : memref<1x32x513xf32, #tpu.memory_space<vmem>> -> memref<32x513xf32, #tpu.memory_space<vmem>>
        tpu.vector_store_idx %scatter3A_796[%add3A_7, %broadcast_in_dim3A_786], %get3A_785 : memref<32x513xf32, #tpu.memory_space<vmem>>[vector<16xi32>, vector<16xi32>], vector<16xf32>,
        %mul3A_797 = arith.constant 16 : i32
        %mul3A_798 = arith.muli %scan3A_424, %mul3A_797 : i32
        %add3A_799 = arith.constant 15 : i32
        %add3A_800 = arith.addi %mul3A_798, %add3A_799 : i32
        %get3A_801 = arith.constant 1 : i32
        %get3A_802 = arith.index_cast %get3A_801 : i32 to index
        %get3A_803 = arith.index_cast %add3A_800 : i32 to index
        %get3A_804 = arith.constant 0 : index
        %get3A_805 = tpu.vector_load %arg6[%get3A_802, %get3A_803, %get3A_804] {strides = array<i32>} : memref<2x512x32xf32, #tpu.memory_space<vmem>>, vector<16xf32>,
        %get3A_806 = arith.constant 1 : i32
        %get3A_807 = arith.index_cast %get3A_806 : i32 to index
        %get3A_808 = arith.index_cast %add3A_800 : i32 to index
        %get3A_809 = arith.constant 16 : index
        %get3A_810 = tpu.vector_load %arg6[%get3A_807, %get3A_808, %get3A_809] {strides = array<i32>} : memref<2x512x32xf32, #tpu.memory_space<vmem>>, vector<16xf32>,
        %broadcast_in_dim3A_811 = vector.broadcast %add3A_800 : i32 to vector<16xi32>
        %scatter3A_812 = arith.constant 1 : i32
        %scatter3A_813 = arith.constant 0 : i32
        %scatter3A_814 = arith.constant 0 : i32
        %scatter3A_815 = tpu.memref_slice %arg7[%scatter3A_812, %scatter3A_813, %scatter3A_814] : memref<2x32x513xf32, #tpu.memory_space<vmem>> -> memref<1x32x513xf32, #tpu.memory_space<vmem>>
        %scatter3A_816 = tpu.memref_squeeze %scatter3A_815 : memref<1x32x513xf32, #tpu.memory_space<vmem>> -> memref<32x513xf32, #tpu.memory_space<vmem>>
        tpu.vector_store_idx %scatter3A_816[%iota3A, %broadcast_in_dim3A_811], %get3A_805 : memref<32x513xf32, #tpu.memory_space<vmem>>[vector<16xi32>, vector<16xi32>], vector<16xf32>,
        %scatter3A_817 = arith.constant 1 : i32
        %scatter3A_818 = arith.constant 0 : i32
        %scatter3A_819 = arith.constant 0 : i32
        %scatter3A_820 = tpu.memref_slice %arg7[%scatter3A_817, %scatter3A_818, %scatter3A_819] : memref<2x32x513xf32, #tpu.memory_space<vmem>> -> memref<1x32x513xf32, #tpu.memory_space<vmem>>
        %scatter3A_821 = tpu.memref_squeeze %scatter3A_820 : memref<1x32x513xf32, #tpu.memory_space<vmem>> -> memref<32x513xf32, #tpu.memory_space<vmem>>
        tpu.vector_store_idx %scatter3A_821[%add3A_7, %broadcast_in_dim3A_811], %get3A_810 : memref<32x513xf32, #tpu.memory_space<vmem>>[vector<16xi32>, vector<16xi32>], vector<16xf32>,
      }
      %scan3A_365 = arith.constant 32 : i32
      %add3A_366 = arith.addi %mul3A_4, %add3A_359 : i32
      %jit3A_367 = arith.constant 32 : i32
      %div3A_368 = arith.divsi %add3A_366, %jit3A_367 : i32
      %sign3A_369 = arith.constant 0 : i32
      %sign3A_370 = arith.cmpi sgt, %add3A_366, %sign3A_369 : i32
      %sign3A_371 = arith.extui %sign3A_370 : i1 to i32
      %sign3A_372 = arith.constant 0 : i32
      %sign3A_373 = arith.cmpi slt, %add3A_366, %sign3A_372 : i32
      %sign3A_374 = arith.extui %sign3A_373 : i1 to i32
      %sign3A_375 = arith.subi %sign3A_371, %sign3A_374 : i32
      %sign3A_376 = arith.constant 0 : i32
      %sign3A_377 = arith.cmpi sgt, %jit3A_367, %sign3A_376 : i32
      %sign3A_378 = arith.extui %sign3A_377 : i1 to i32
      %sign3A_379 = arith.constant 0 : i32
      %sign3A_380 = arith.cmpi slt, %jit3A_367, %sign3A_379 : i32
      %sign3A_381 = arith.extui %sign3A_380 : i1 to i32
      %sign3A_382 = arith.subi %sign3A_378, %sign3A_381 : i32
      %ne3A_383 = arith.cmpi ne, %sign3A_375, %sign3A_382 : i32
      %rem3A_384 = arith.remsi %add3A_366, %jit3A_367 : i32
      %ne3A_385 = arith.constant 0 : i32
      %ne3A_386 = arith.cmpi ne, %rem3A_384, %ne3A_385 : i32
      %and3A_387 = arith.andi %ne3A_383, %ne3A_386 : i1
      %sub3A_388 = arith.constant 1 : i32
      %sub3A_389 = arith.subi %div3A_368, %sub3A_388 : i32
      %select_n3A_390 = arith.select %and3A_387, %sub3A_389, %div3A_368 : i32
      %jit3A_391 = arith.constant 32 : i32
      %eq3A_392 = arith.constant 0 : i32
      %eq3A_393 = arith.cmpi eq, %jit3A_391, %eq3A_392 : i32
      %jit3A_394 = arith.constant 1 : i32
      %select_n3A_395 = arith.select %eq3A_393, %jit3A_394, %jit3A_391 : i32
      %rem3A_396 = arith.remsi %add3A_366, %select_n3A_395 : i32
      %ne3A_397 = arith.constant 0 : i32
      %ne3A_398 = arith.cmpi ne, %rem3A_396, %ne3A_397 : i32
      %lt3A_399 = arith.constant 0 : i32
      %lt3A_400 = arith.cmpi slt, %rem3A_396, %lt3A_399 : i32
      %lt3A_401 = arith.constant 0 : i32
      %lt3A_402 = arith.cmpi slt, %select_n3A_395, %lt3A_401 : i32
      %ne3A_403 = arith.xori %lt3A_400, %lt3A_402 : i1
      %and3A_404 = arith.andi %ne3A_403, %ne3A_398 : i1
      %add3A_405 = arith.addi %rem3A_396, %select_n3A_395 : i32
      %select_n3A_406 = arith.select %and3A_404, %add3A_405, %rem3A_396 : i32
      %mul3A_407 = arith.constant 512 : i32
      %mul3A_408 = arith.muli %select_n3A_406, %mul3A_407 : i32
      %dma_start3A_409 = arith.constant 1 : i32
      %dma_start3A_410 = arith.constant 0 : i32
      %dma_start3A_411 = arith.constant 0 : i32
      %dma_start3A_412 = tpu.memref_slice %arg7[%dma_start3A_409, %dma_start3A_410, %dma_start3A_411] : memref<2x32x513xf32, #tpu.memory_space<vmem>> -> memref<1x32x512xf32, #tpu.memory_space<vmem>>
      %dma_start3A_413 = tpu.memref_squeeze %dma_start3A_412 : memref<1x32x512xf32, #tpu.memory_space<vmem>> -> memref<32x512xf32, #tpu.memory_space<vmem>>
      %dma_start3A_414 = arith.constant 0 : i32
      %dma_start3A_415 = tpu.memref_slice %arg4[%select_n3A_390, %dma_start3A_414, %mul3A_408] : memref<50x32x16384xf32, #tpu.memory_space<hbm>> -> memref<1x32x512xf32, #tpu.memory_space<hbm>>
      %dma_start3A_416 = tpu.memref_squeeze %dma_start3A_415 : memref<1x32x512xf32, #tpu.memory_space<hbm>> -> memref<32x512xf32, #tpu.memory_space<hbm>>
      %dma_start3A_417 = arith.constant 0 : i32
      %dma_start3A_418 = tpu.memref_slice %arg4[%select_n3A_390, %dma_start3A_417, %mul3A_408] : memref<50x32x16384xf32, #tpu.memory_space<hbm>> -> memref<1x32x512xf32, #tpu.memory_space<hbm>>
      %dma_start3A_419 = tpu.memref_squeeze %dma_start3A_418 : memref<1x32x512xf32, #tpu.memory_space<hbm>> -> memref<32x512xf32, #tpu.memory_space<hbm>>
      %dma_start3A_420 = arith.constant 0 : i32
      %dma_start3A_421 = arith.constant 0 : i32
      %dma_start3A_422 = tpu.memref_slice %arg7[%dma_start3A_409, %dma_start3A_420, %dma_start3A_421] : memref<2x32x513xf32, #tpu.memory_space<vmem>> -> memref<1x32x512xf32, #tpu.memory_space<vmem>>
      %dma_start3A_423 = tpu.memref_squeeze %dma_start3A_422 : memref<1x32x512xf32, #tpu.memory_space<vmem>> -> memref<32x512xf32, #tpu.memory_space<vmem>>
      tpu.enqueue_dma source(%dma_start3A_423 : memref<32x512xf32, #tpu.memory_space<vmem>>) target(%dma_start3A_419 : memref<32x512xf32, #tpu.memory_space<hbm>>) target_semaphore(%arg10 : memref<!tpu.dma_semaphore, #tpu.memory_space<semaphore_mem>>)
    }
    %scan3A_170 = arith.constant 24 : i32
    %dma_wait3A_171 = arith.constant 0 : i32
    %dma_wait3A_172 = arith.constant 0 : i32
    %dma_wait3A_173 = arith.constant 0 : i32
    %dma_wait3A_174 = arith.constant 0 : i32
    %dma_wait3A_175 = tpu.memref_slice %arg7[%dma_wait3A_171, %dma_wait3A_173, %dma_wait3A_174] : memref<2x32x513xf32, #tpu.memory_space<vmem>> -> memref<1x32x512xf32, #tpu.memory_space<vmem>>
    %dma_wait3A_176 = tpu.memref_squeeze %dma_wait3A_175 : memref<1x32x512xf32, #tpu.memory_space<vmem>> -> memref<32x512xf32, #tpu.memory_space<vmem>>
    %dma_wait3A_177 = arith.constant 0 : i32
    %dma_wait3A_178 = arith.constant 0 : i32
    %dma_wait3A_179 = tpu.memref_slice %arg4[%dma_wait3A_172, %dma_wait3A_177, %dma_wait3A_178] : memref<50x32x16384xf32, #tpu.memory_space<hbm>> -> memref<1x32x512xf32, #tpu.memory_space<hbm>>
    %dma_wait3A_180 = tpu.memref_squeeze %dma_wait3A_179 : memref<1x32x512xf32, #tpu.memory_space<hbm>> -> memref<32x512xf32, #tpu.memory_space<hbm>>
    %dma_wait3A_181 = arith.constant 0 : i32
    %dma_wait3A_182 = arith.constant 0 : i32
    %dma_wait3A_183 = tpu.memref_slice %arg4[%dma_wait3A_172, %dma_wait3A_181, %dma_wait3A_182] : memref<50x32x16384xf32, #tpu.memory_space<hbm>> -> memref<1x32x512xf32, #tpu.memory_space<hbm>>
    %dma_wait3A_184 = tpu.memref_squeeze %dma_wait3A_183 : memref<1x32x512xf32, #tpu.memory_space<hbm>> -> memref<32x512xf32, #tpu.memory_space<hbm>>
    %dma_wait3A_185 = arith.constant 0 : i32
    %dma_wait3A_186 = arith.constant 0 : i32
    %dma_wait3A_187 = tpu.memref_slice %arg7[%dma_wait3A_171, %dma_wait3A_185, %dma_wait3A_186] : memref<2x32x513xf32, #tpu.memory_space<vmem>> -> memref<1x32x512xf32, #tpu.memory_space<vmem>>
    %dma_wait3A_188 = tpu.memref_squeeze %dma_wait3A_187 : memref<1x32x512xf32, #tpu.memory_space<vmem>> -> memref<32x512xf32, #tpu.memory_space<vmem>>
    tpu.wait_dma2 semaphore(%arg9 : memref<!tpu.dma_semaphore, #tpu.memory_space<semaphore_mem>>) src(%dma_wait3A_188 : memref<32x512xf32, #tpu.memory_space<vmem>>) dst(%dma_wait3A_184 : memref<32x512xf32, #tpu.memory_space<hbm>>)
    %dma_wait3A_189 = arith.constant 1 : i32
    %dma_wait3A_190 = arith.constant 0 : i32
    %dma_wait3A_191 = arith.constant 0 : i32
    %dma_wait3A_192 = arith.constant 0 : i32
    %dma_wait3A_193 = tpu.memref_slice %arg7[%dma_wait3A_189, %dma_wait3A_191, %dma_wait3A_192] : memref<2x32x513xf32, #tpu.memory_space<vmem>> -> memref<1x32x512xf32, #tpu.memory_space<vmem>>
    %dma_wait3A_194 = tpu.memref_squeeze %dma_wait3A_193 : memref<1x32x512xf32, #tpu.memory_space<vmem>> -> memref<32x512xf32, #tpu.memory_space<vmem>>
    %dma_wait3A_195 = arith.constant 0 : i32
    %dma_wait3A_196 = arith.constant 0 : i32
    %dma_wait3A_197 = tpu.memref_slice %arg4[%dma_wait3A_190, %dma_wait3A_195, %dma_wait3A_196] : memref<50x32x16384xf32, #tpu.memory_space<hbm>> -> memref<1x32x512xf32, #tpu.memory_space<hbm>>
    %dma_wait3A_198 = tpu.memref_squeeze %dma_wait3A_197 : memref<1x32x512xf32, #tpu.memory_space<hbm>> -> memref<32x512xf32, #tpu.memory_space<hbm>>
    %dma_wait3A_199 = arith.constant 0 : i32
    %dma_wait3A_200 = arith.constant 0 : i32
    %dma_wait3A_201 = tpu.memref_slice %arg4[%dma_wait3A_190, %dma_wait3A_199, %dma_wait3A_200] : memref<50x32x16384xf32, #tpu.memory_space<hbm>> -> memref<1x32x512xf32, #tpu.memory_space<hbm>>
    %dma_wait3A_202 = tpu.memref_squeeze %dma_wait3A_201 : memref<1x32x512xf32, #tpu.memory_space<hbm>> -> memref<32x512xf32, #tpu.memory_space<hbm>>
    %dma_wait3A_203 = arith.constant 0 : i32
    %dma_wait3A_204 = arith.constant 0 : i32
    %dma_wait3A_205 = tpu.memref_slice %arg7[%dma_wait3A_189, %dma_wait3A_203, %dma_wait3A_204] : memref<2x32x513xf32, #tpu.memory_space<vmem>> -> memref<1x32x512xf32, #tpu.memory_space<vmem>>
    %dma_wait3A_206 = tpu.memref_squeeze %dma_wait3A_205 : memref<1x32x512xf32, #tpu.memory_space<vmem>> -> memref<32x512xf32, #tpu.memory_space<vmem>>
    tpu.wait_dma2 semaphore(%arg10 : memref<!tpu.dma_semaphore, #tpu.memory_space<semaphore_mem>>) src(%dma_wait3A_206 : memref<32x512xf32, #tpu.memory_space<vmem>>) dst(%dma_wait3A_202 : memref<32x512xf32, #tpu.memory_space<hbm>>)
    return
  }
}

</mosaic_0001>

<sc_bundles>
// kernel: kernel.3.cloned.1.call-start
scs
__scs_entry_jumppad:
0x0: {  	(pc) =	sbr.rel $0x88, $3  }
0x1: {  	(tag) =	ssettag $0x0;
	lr =	simm.s32 $0x1  }
0x2: {  	[smem:$0x3F9F] =	sst lr;
	_ =	strace $0xD0000000  }
0x3: {  	_ = 	snop  }
0x4: {  	_ = 	snop  }
0x5: {  	_ = 	snop  }
0x6: {  	_ = 	snop  }
0x7: {  	_ = 	snop  }
__scs_overlays_trampoline_lowered:
0x8: {  	[smem:$0x3FAE] =	sst s0  }
0x9: {  	[smem:$0x3FAF] =	sst s1  }
0xa: {  	[smem:$0x3FB0] =	sst s2  }
0xb: {  	[smem:$0x3FB1] =	sst s3  }
0xc: {  	[smem:$0x3FB2] =	sst s4  }
0xd: {  	[smem:$0x3FB3] =	sst s5  }
0xe: {  	[smem:$0x3FB4] =	sst s6  }
0xf: {  	[smem:$0x3FB5] =	sst s7  }
0x10: {  	[smem:$0x3FB6] =	sst s8  }
0x11: {  	[smem:$0x3FB7] =	sst s9;
	s0 =	simm.s32 @!p0 $0x0  }
0x12: {  	s1 =	sld [smem:$0x3F9D];
	s0 =	simm.s32 @p0 $0x1  }
0x13: {  	[smem:$0x3FB8] =	sst s0;
	s0 =	simm.s32 @!p1 $0x0  }
0x14: {  	s2 =	sld [smem:$0x3F9C];
	s0 =	simm.s32 @p1 $0x1  }
0x15: {  	[smem:$0x3FB9] =	sst s0;
	s0 =	simm.s32 @!p2 $0x0  }
0x16: {  	s3 =	sld [smem:$0x3FDB];
	s0 =	simm.s32 @p2 $0x1  }
0x17: {  	s4 =	simm.s32 $0x1BF5;
	[smem:$0x3FBB] =	sst s0  }
0x18: {  	s0 =	sld [smem:$0x3F9E];
	_ =	swait.ge [sflag:s4], $0x0  }
0x19: {  	s7 =	sld [smem:$0x3F9F]  }
0x1a: {  	s8 =	sadd.s32 $0xFFFFE003, lr  }
0x1b: {  	s9 =	sadd.s32 $0xFFFFFEF7, lr;
	s5 =	simm.s32 $0xFFFFFFFF;
	p2 =	slt.u32 s8, $0xFFFFF086  }
0x1c: {  	p1 =	slt.u32 s9, $0xF7A;
	s5 =	simm.s32 @!p2 $0x0  }
0x1d: {  	s5 =	simm.s32 @p1 $0x1;
	p0 =	seq.s32 s7, s2  }
0x1e: {  	s7 =	smul.u32 @!p0 $0xF7A, s2;
	p2 =	seq.s32 @!p0 s5, $0x0  }
0x1f: {  	s9 =	smul.u32 $0xF7A, s1;
	s8 =	simm.s32 @!p0 $0x1BF5;
	p2 =	por !p2, p0  }
0x20: {  	[sflag:s8] =	ssyncset.s32 @!p0 $0xFFFFF086;
	s6 =	sadd.s32 @!p0 s3, s7;
	s7 =	simm.s32 @!p0 $0x108  }
0x21: {  	s3 =	sadd.s32 s3, s9;
	s6 =	sadd.s32 @!p0 $0x88, s6;
	s7 =	simm.s32 @p2 $0x1082  }
0x22: {  	[simem:s7], [sflag:s8] =	dma.local @!p0 [hbm:s6], $0xF7A  }
0x23: {  	s9 =	sor.u32 $0xD0000000, s2;
	s6 =	simm.s32 $0x108;
	_ =	swait.ge @!p0 [sflag:s8], $0x0  }
0x24: {  	s3 =	sadd.s32 $0x88, s3;
	s6 =	simm.s32 @!p1 $0x1082;
	[sflag:s4] =	ssyncset.s32 $0xFFFFF086  }
0x25: {  	[simem:s6], [sflag:s4] =	dma.local [hbm:s3], $0xF7A  }
0x26: {  	[smem:$0x3F9F] =	sst s1;
	(tag) =	ssettag s2;
	_ =	strace s9  }
0x27: {  	s1 =	sld [smem:$0x3FAF]  }
0x28: {  	s2 =	sld [smem:$0x3FB0]  }
0x29: {  	s4 =	sld [smem:$0x3FB2]  }
0x2a: {  	p0 =	seq.s32 s5, $0x0;
	s5 =	sld [smem:$0x3FB3]  }
0x2b: {  	s6 =	sld [smem:$0x3FB4]  }
0x2c: {  	s7 =	sld [smem:$0x3FB5]  }
0x2d: {  	s3 =	simm.s32 $0x108;
	s8 =	sld [smem:$0x3FB6]  }
0x2e: {  	s3 =	simm.s32 @!p0 $0x1082;
	s9 =	sld [smem:$0x3FB7]  }
0x2f: {  	lr =	sadd.s32 s0, s3;
	s0 =	sld [smem:$0x3FAE]  }
0x30: {  	s3 =	sld [smem:$0x3FB1]  }
0x31: {  	[smem:$0x3FBA] =	sst s10  }
0x32: {  	s10 =	sld [smem:$0x3FB8];
	_ =	sdelay $0x3  }
0x33: {  	p0 =	seq.s32 s10, $0x1;
	s10 =	sld [smem:$0x3FBA];
	_ =	sdelay $0x3  }
0x34: {  	[smem:$0x3FBA] =	sst s10  }
0x35: {  	s10 =	sld [smem:$0x3FB9];
	_ =	sdelay $0x3  }
0x36: {  	p1 =	seq.s32 s10, $0x1;
	s10 =	sld [smem:$0x3FBA];
	_ =	sdelay $0x3  }
0x37: {  	[smem:$0x3FBA] =	sst s10  }
0x38: {  	s10 =	sld [smem:$0x3FBB]  }
0x39: {  	_ = 	snop;
	(pc) =	sbr.ind lr, $3  }
0x3a: {  	_ = 	snop  }
0x3b: {  	_ = 	snop  }
0x3c: {  	p2 =	seq.s32 s10, $0x1;
	s10 =	sld [smem:$0x3FBA]  }
0x3d: {  	_ =	shalt  }
0x3e: {  	_ =	shalt  }
0x3f: {  	_ =	shalt  }
0x40: {  	_ =	shalt  }
0x41: {  	_ =	shalt  }
0x42: {  	_ =	shalt  }
0x43: {  	_ =	shalt  }
0x44: {  	_ =	shalt  }
0x45: {  	_ =	shalt  }
0x46: {  	_ =	shalt  }
0x47: {  	_ =	shalt  }
0x48: {  	_ =	shalt  }
0x49: {  	_ =	shalt  }
0x4a: {  	_ =	shalt  }
0x4b: {  	_ =	shalt  }
0x4c: {  	_ =	shalt  }
0x4d: {  	_ =	shalt  }
0x4e: {  	_ =	shalt  }
0x4f: {  	_ =	shalt  }
0x50: {  	_ =	shalt  }
0x51: {  	_ =	shalt  }
0x52: {  	_ =	shalt  }
0x53: {  	_ =	shalt  }
0x54: {  	_ =	shalt  }
0x55: {  	_ =	shalt  }
0x56: {  	_ =	shalt  }
0x57: {  	_ =	shalt  }
0x58: {  	_ =	shalt  }
0x59: {  	_ =	shalt  }
0x5a: {  	_ =	shalt  }
0x5b: {  	_ =	shalt  }
0x5c: {  	_ =	shalt  }
0x5d: {  	_ =	shalt  }
0x5e: {  	_ =	shalt  }
0x5f: {  	_ =	shalt  }
0x60: {  	_ =	shalt  }
0x61: {  	_ =	shalt  }
0x62: {  	_ =	shalt  }
0x63: {  	_ =	shalt  }
0x64: {  	_ =	shalt  }
0x65: {  	_ =	shalt  }
0x66: {  	_ =	shalt  }
0x67: {  	_ =	shalt  }
0x68: {  	_ =	shalt  }
0x69: {  	_ =	shalt  }
0x6a: {  	_ =	shalt  }
0x6b: {  	_ =	shalt  }
0x6c: {  	_ =	shalt  }
0x6d: {  	_ =	shalt  }
0x6e: {  	_ =	shalt  }
0x6f: {  	_ =	shalt  }
0x70: {  	_ =	shalt  }
0x71: {  	_ =	shalt  }
0x72: {  	_ =	shalt  }
0x73: {  	_ =	shalt  }
0x74: {  	_ =	shalt  }
0x75: {  	_ =	shalt  }
0x76: {  	_ =	shalt  }
0x77: {  	_ =	shalt  }
0x78: {  	_ =	shalt  }
0x79: {  	_ =	shalt  }
0x7a: {  	_ =	shalt  }
0x7b: {  	_ =	shalt  }
0x7c: {  	_ =	shalt  }
0x7d: {  	_ =	shalt  }
0x7e: {  	_ =	shalt  }
0x7f: {  	_ =	shalt  }
0x80: {  	_ =	shalt  }
0x81: {  	_ =	shalt  }
0x82: {  	_ =	shalt  }
0x83: {  	_ =	shalt  }
0x84: {  	_ =	shalt  }
0x85: {  	_ =	shalt  }
0x86: {  	_ =	shalt  }
0x87: {  	_ =	shalt  }
.Lfunc_end0:
.L_simem_size_0:
called_computation_lowered:
.L_overlay_start_0:
0x88: {  	s2 =	sld [smem:$0x3FD9]  }
0x89: {  	s3 =	sld [smem:$0x3FFE];
	_ =	sdelay $0x1  }
0x8a: {  	s1 =	srdreg.scid  }
0x8b: {  	s0 =	sand.u32 $0x1, s1  }
0x8c: {  	s17 =	sshll.u32 s0, $0xA;
	s2 =	sadd.s32 s3, s2  }
0x8d: {  	s2 =	sadd.s32 s2, s17  }
0x8e: {  	[smem:$0x3FC6] =	sst s2  }
0x8f: {  	_ = 	snop  }
0x90: {  	s2 =	sld [smem:$0x3FD0];
	(tm) =	ssettm $0x1  }
0x91: {  	s18 =	sld [smem:$0x3FFB];
	_ =	sdelay $0x3  }
0x92: {  	_ =	strace s18  }
0x93: {  	s3 =	sld [smem:$0x3FFC];
	_ =	sdelay $0x3  }
0x94: {  	_ =	strace s3  }
0x95: {  	s3 =	sld [smem:$0x3FFD];
	_ =	sdelay $0x3  }
0x96: {  	_ =	strace s3  }
0x97: {  	_ =	strace $0x8FFFFFFF  }
0x98: {  	s19 =	sld [smem:$0x3FDB];
	_ =	sdelay $0x1  }
0x99: {  	s4 =	simm.s32 $_scs_section_size  }
0x9a: {  	s5 =	simm.s32 $_size__tile_overlayer_lowered;
	s6 =	simm.s32 $_tile_overlayer_lowered  }
0x9b: {  	s22 =	simm.s32 $0x1BFF;
	s21 =	sshll.u32 s6, $0x1;
	s3 =	sadd.s32 s4, s19  }
0x9c: {  	s7 =	simm.s32 $0x0;
	s20 =	sshll.u32 s5, $0x1;
	s5 =	sadd.s32 s21, s3  }
0x9d: {  	[timem:s7], [sflag:s22] =	dma.local [hbm:s5], s20  }
0x9e: {  	_ =	swait.ge [sflag:s22], s20  }
0x9f: {  	s4 =	ssub.s32 $0x0, s20;
	[sflag:s22] =	ssyncset.done $0x0  }
0xa0: {  	[sflag:s22] =	ssyncadd.s32 s4;
	_ =	sdelay $0x1  }
0xa1: {  	s23 =	simm.s32 $0x1B8B  }
0xa2: {  	_ =	swait.ge [sflag:s23], $0x1  }
0xa3: {  	[sflag:s23] =	ssyncset.done $0x0  }
0xa4: {  	s25 =	simm.s32 $0x1B8E;
	s24 =	sld [smem:$0x3FFE];
	[sflag:s23] =	ssyncadd.s32 $0xFFFFFFFF  }
0xa5: {  	s26 =	simm.s32 $execute0_lowered;
	[smem:$0x3FD2] =	sst s25  }
0xa6: {  	s5 =	sshll.u32 s26, $0x1;
	_ =	strace $0x80000046;
	[dreg:$0x1] =	wrdreg $0xFFFFFFFF  }
0xa7: {  	s28 =	simm.s32 $_size_execute0_lowered;
	s3 =	sadd.s32 s3, s5;
	[dreg:$0x0] =	wrdreg $0x0  }
0xa8: {  	s5 =	sshll.u32 s28, $0x1;
	[dreg:$0x2] =	wrdreg s3  }
0xa9: {  	[dreg:$0x3] =	wrdreg s5  }
0xaa: {  	[dreg:$0x4] =	wrdreg $0xC0  }
0xab: {  	_ =	task [dreg:s7], $0x5FFFF  }
0xac: {  	[dreg:$0x1] =	wrdreg $0xFFFFFFFF  }
0xad: {  	[dreg:$0x0] =	wrdreg $0x60  }
0xae: {  	[dreg:$0x2] =	wrdreg s24  }
0xaf: {  	[dreg:$0x3] =	wrdreg s2  }
0xb0: {  	[dreg:$0x4] =	wrdreg $0x9  }
0xb1: {  	_ =	task.clear_ibuf [dreg:s7], $0x5FFFF;
	_ =	strace $0x90000046  }
0xb2: {  	s29 =	simm.s32 $0x9;
	_ =	strace $0x80000048  }
0xb3: {  	_ =	swait.ge [sflag:s29], $0x1  }
0xb4: {  	[sflag:s29] =	ssyncadd.s32 $0xFFFFFFFF  }
0xb5: {  	_ =	strace $0x90000048  }
0xb6: {  	_ =	sfence  }
0xb7: {  	s30 =	sld [smem:$0x0];
	_ =	sdelay $0x2  }
0xb8: {  	s31 =	sshll.u32 s1, $0xD;
	s1 =	sshrl.u32 s1, $0x2  }
0xb9: {  	s3 =	sand.u32 $0x4000, s31;
	s1 =	sadd.s32 s1, s30  }
0xba: {  	s0 =	sor.u32 s3, s0;
	s1 =	sshll.u32 s1, $0x11  }
0xbb: {  	s0 =	sor.u32 s1, s0  }
0xbc: {  	s0 =	sadd.s32 $0x8F2B, s0  }
0xbd: {  	[sflag:s0] =	ssyncadd.remote.s32 $0x1  }
0xbe: {  	_ =	sfence.sel $0xFFFF  }
0xbf: {  	[dreg:$0x0] =	wrdreg $0xFFFFFFFF;
	(pc) =	sbr.abs _section_cstart, $3  }
0xc0: {  	[dreg:$0x1] =	wrdreg $0xFFFFFFFF  }
0xc1: {  	_ =	task.clear_ibuf [dreg:s7], $0x2FFFF;
	_ =	strace $0x9FFFFFFF  }
0xc2: {  	(tm) =	ssettm $0x7FFFFFFF  }
0xc3: {  	_ =	shalt  }
tec
execute0_lowered:
.L_overlay_start_1:
0x0: {  	(tag) =	ssettag $0x1  }
0x1: {  	s1 =	srdreg.scid;
	s4 =	rddreg [dreg:$0x0]  }
0x2: {  	s0 =	stileid.u32;
	s6 =	rddreg [dreg:$0x1]  }
0x3: {  	s2 =	simm.s32 $0x0;
	s11 =	simm.s32 $0x200;
	s12 =	simm.s32 $0x6400  }
0x4: {  	s13 =	simm.s32 $0xA400;
	s5 =	sand.u32 $0x1, s1;
	s30 =	sshll.u32 s0, $0x1  }
0x5: {  	s14 =	simm.s32 $0x1;
	s15 =	simm.s32 $0xE400;
	s7 =	sor.u32 s5, s30  }
0x6: {  	v0 =	vlaneseq.u32;
	s16 =	simm.s32 $0x12500;
	s17 =	simm.s32 $0x2;
	s8 =	smul.u32 $0xC8000, s7  }
0x7: {  	v1 =	vimm.s32 $0x0;
	vm0 =	vcmask $0x300;
	s18 =	simm.s32 $0x3;
	s1 =	rddreg [dreg:$0x2];
	v0 =	vmul.u32 $0x208, v0;
	s9 =	smul.u32 $0x2400, s7  }
0x8: {  	s19 =	simm.s32 $0x0;
	[smem:$0x7FF] =	sst s2;
	s3 =	sadd.s32 $0xF42A00, s4;
	v1 =	vsel vm0, $0x3, v1  }
0x9: {  	s4 =	sadd.s32 $0x600, s4;
	s5 =	ssub.s32 $0x2, s5;
	v2 =	vadd.s32 $0x2080, v0;
	v3 =	vor.u32 $0x1, v0;
	v4 =	vadd.s32 $0x2081, v0;
	s8 =	sor.u32 s9, s8  }
0xa: {  	s31 =	sshrl.u32 s5, $0x1;
	s10 =	smul.u32 $0xC80, s7;
	v5 =	vor.u32 $0x2, v0;
	v6 =	vadd.s32 $0x2082, v0;
	v7 =	vor.u32 $0x3, v0;
	s8 =	sand.u32 $0x1F83C00, s8  }
0xb: {  	_ =	strace $0x80000047;
	v8 =	vadd.s32 $0x2083, v0;
	v9 =	vor.u32 $0x4, v0;
	v10 =	vadd.s32 $0x2084, v0;
	s9 =	ssub.s32 s5, s31;
	s8 =	sshrl.u32 s8, $0x3  }
0xc: {  	v11 =	vor.u32 $0x5, v0;
	v12 =	vadd.s32 $0x2085, v0;
	v13 =	vor.u32 $0x6, v0;
	s5 =	sadd.s32 s6, s10;
	s6 =	smul.u32 $0x32, s7;
	s7 =	sadd.s32 s4, s8  }
0xd: {  	v14 =	vadd.s32 $0x2086, v0;
	v15 =	vor.u32 $0x7, v0;
	v16 =	vadd.s32 $0x2087, v0;
	s10 =	simm.s32 $0x4;
	s9 =	smax.u32 s9, $0x1;
	s8 =	sadd.s32 $0x40, s7  }
.LBB2_1:
0xe: {  	[tilespmem:s2], [sflag:$0x4] =	stream.linear.gather [hbm4b:s5+s2], $0x6400, $0x38;
	[tilespmem:$0x16600] =	vst v63  }
0xf: {  	_ =	swait.ge [sflag:s10], $0x6400  }
0x10: {  	[sflag:s10] =	ssyncset.done $0x0  }
0x11: {  	s20 =	simm.s32 $0x0;
	[sflag:s10] =	ssyncadd.s32 $0xFFFF9C00  }
0x12: {  	[tilespmem:s12], [sflag:$0x1] =	stream.indirect.gather [hbm4b:s3+s11], $0x20, s2, s11, $0xb8;
	[tilespmem:$0x16600] =	vst v63  }
0x13: {  	v17 =	vmov s20  }
0x14: {  	v17 =	vshrl.u32 v17, $0x3;
	[tilespmem:s13], [sflag:$0x1] =	stream.indirect.gather [hbm4b:s3+s11], $0x20, s11, s11, $0xb8;
	[tilespmem:$0x16600] =	vst v63  }
0x15: {  	v17 =	vshll.u32 v17, v1;
	_ =	swait.ge [sflag:s14], $0x4000  }
0x16: {  	v17 =	vbroadcast v17, $0x0;
	[sflag:s14] =	ssyncset.done $0x0  }
0x17: {  	s20 =	simm.s32 $0x6500;
	[sflag:s14] =	ssyncadd.s32 $0xFFFFC000  }
0x18: {  	v19 =	vadd.s32 v0, v17;
	v18 =	vld [tilespmem:s20+$0xFFFFFF00]  }
0x19: {  	s21 =	simm.s32 $0x1;
	v17 =	vadd.s32 v2, v17;
	v20 =	vld [tilespmem:s20+$0xFFFFFF10]  }
0x1a: {  	v21 =	vmov s21  }
0x1b: {  	v21 =	vshrl.u32 v21, $0x3  }
0x1c: {  	v21 =	vshll.u32 v21, v1  }
0x1d: {  	[tilespmem:v19+s15+$0x0] =	vst.idx.msk $0xffff, v18;
	v18 =	vbroadcast v21, $0x0  }
0x1e: {  	[tilespmem:v17+s15+$0x0] =	vst.idx.msk $0xffff, v20  }
0x1f: {  	v17 =	vld [tilespmem:s20+$0xFFFFFF20];
	v19 =	vadd.s32 v3, v18  }
0x20: {  	s25 =	simm.s32 $0x2;
	v20 =	vld [tilespmem:s20+$0xFFFFFF30];
	v18 =	vadd.s32 v4, v18  }
0x21: {  	v50 =	vmov s25  }
0x22: {  	v21 =	vshrl.u32 v50, $0x3  }
0x23: {  	v21 =	vshll.u32 v21, v1  }
0x24: {  	[tilespmem:v19+s15+$0x0] =	vst.idx.msk $0xffff, v17;
	v17 =	vbroadcast v21, $0x0  }
0x25: {  	[tilespmem:v18+s15+$0x0] =	vst.idx.msk $0xffff, v20  }
0x26: {  	v18 =	vld [tilespmem:s20+$0xFFFFFF40];
	v19 =	vadd.s32 v5, v17  }
0x27: {  	s26 =	simm.s32 $0x3;
	v20 =	vld [tilespmem:s20+$0xFFFFFF50];
	v17 =	vadd.s32 v6, v17  }
0x28: {  	v51 =	vmov s26  }
0x29: {  	v21 =	vshrl.u32 v51, $0x3  }
0x2a: {  	v21 =	vshll.u32 v21, v1  }
0x2b: {  	[tilespmem:v19+s15+$0x0] =	vst.idx.msk $0xffff, v18;
	v18 =	vbroadcast v21, $0x0  }
0x2c: {  	[tilespmem:v17+s15+$0x0] =	vst.idx.msk $0xffff, v20  }
0x2d: {  	v17 =	vld [tilespmem:s20+$0xFFFFFF60];
	v19 =	vadd.s32 v7, v18  }
0x2e: {  	s28 =	simm.s32 $0x4;
	v20 =	vld [tilespmem:s20+$0xFFFFFF70];
	v18 =	vadd.s32 v8, v18  }
0x2f: {  	v52 =	vmov s28  }
0x30: {  	v21 =	vshrl.u32 v52, $0x3  }
0x31: {  	v21 =	vshll.u32 v21, v1  }
0x32: {  	[tilespmem:v19+s15+$0x0] =	vst.idx.msk $0xffff, v17;
	v17 =	vbroadcast v21, $0x0  }
0x33: {  	[tilespmem:v18+s15+$0x0] =	vst.idx.msk $0xffff, v20  }
0x34: {  	v18 =	vld [tilespmem:s20+$0xFFFFFF80];
	v19 =	vadd.s32 v9, v17  }
0x35: {  	s29 =	simm.s32 $0x5;
	v20 =	vld [tilespmem:s20+$0xFFFFFF90];
	v17 =	vadd.s32 v10, v17  }
0x36: {  	v53 =	vmov s29  }
0x37: {  	v21 =	vshrl.u32 v53, $0x3  }
0x38: {  	v21 =	vshll.u32 v21, v1  }
0x39: {  	[tilespmem:v19+s15+$0x0] =	vst.idx.msk $0xffff, v18;
	v18 =	vbroadcast v21, $0x0  }
0x3a: {  	[tilespmem:v17+s15+$0x0] =	vst.idx.msk $0xffff, v20  }
0x3b: {  	v17 =	vld [tilespmem:s20+$0xFFFFFFA0];
	v19 =	vadd.s32 v11, v18  }
0x3c: {  	s30 =	simm.s32 $0x6;
	v20 =	vld [tilespmem:s20+$0xFFFFFFB0];
	v18 =	vadd.s32 v12, v18  }
0x3d: {  	v54 =	vmov s30  }
0x3e: {  	v21 =	vshrl.u32 v54, $0x3  }
0x3f: {  	v21 =	vshll.u32 v21, v1  }
0x40: {  	[tilespmem:v19+s15+$0x0] =	vst.idx.msk $0xffff, v17;
	v17 =	vbroadcast v21, $0x0  }
0x41: {  	[tilespmem:v18+s15+$0x0] =	vst.idx.msk $0xffff, v20  }
0x42: {  	v18 =	vld [tilespmem:s20+$0xFFFFFFC0];
	v19 =	vadd.s32 v13, v17  }
0x43: {  	s31 =	simm.s32 $0x7;
	v20 =	vld [tilespmem:s20+$0xFFFFFFD0];
	v17 =	vadd.s32 v14, v17  }
0x44: {  	v55 =	vmov s31  }
0x45: {  	v21 =	vshrl.u32 v55, $0x3  }
0x46: {  	v21 =	vshll.u32 v21, v1  }
0x47: {  	[tilespmem:v19+s15+$0x0] =	vst.idx.msk $0xffff, v18;
	v18 =	vbroadcast v21, $0x0  }
0x48: {  	[tilespmem:v17+s15+$0x0] =	vst.idx.msk $0xffff, v20  }
0x49: {  	v17 =	vld [tilespmem:s20+$0xFFFFFFE0];
	v19 =	vadd.s32 v15, v18  }
0x4a: {  	s22 =	simm.s32 $0x8;
	v20 =	vld [tilespmem:s20+$0xFFFFFFF0];
	v18 =	vadd.s32 v16, v18  }
0x4b: {  	v56 =	vmov s22  }
0x4c: {  	v21 =	vshrl.u32 v56, $0x3  }
0x4d: {  	v21 =	vshll.u32 v21, v1  }
0x4e: {  	[tilespmem:v19+s15+$0x0] =	vst.idx.msk $0xffff, v17;
	v17 =	vbroadcast v21, $0x0  }
0x4f: {  	[tilespmem:v18+s15+$0x0] =	vst.idx.msk $0xffff, v20  }
0x50: {  	v18 =	vld [tilespmem:s20+$0x0];
	v19 =	vadd.s32 v0, v17  }
0x51: {  	s23 =	simm.s32 $0x9;
	v20 =	vld [tilespmem:s20+$0x10];
	v17 =	vadd.s32 v2, v17  }
0x52: {  	v57 =	vmov s23  }
0x53: {  	v21 =	vshrl.u32 v57, $0x3  }
0x54: {  	v21 =	vshll.u32 v21, v1  }
0x55: {  	[tilespmem:v19+s15+$0x0] =	vst.idx.msk $0xffff, v18;
	v18 =	vbroadcast v21, $0x0  }
0x56: {  	[tilespmem:v17+s15+$0x0] =	vst.idx.msk $0xffff, v20  }
0x57: {  	v17 =	vld [tilespmem:s20+$0x20];
	v19 =	vadd.s32 v3, v18  }
0x58: {  	s24 =	simm.s32 $0xA;
	v20 =	vld [tilespmem:s20+$0x30];
	v18 =	vadd.s32 v4, v18  }
0x59: {  	v58 =	vmov s24  }
0x5a: {  	v21 =	vshrl.u32 v58, $0x3  }
0x5b: {  	v21 =	vshll.u32 v21, v1  }
0x5c: {  	[tilespmem:v19+s15+$0x0] =	vst.idx.msk $0xffff, v17;
	v17 =	vbroadcast v21, $0x0  }
0x5d: {  	[tilespmem:v18+s15+$0x0] =	vst.idx.msk $0xffff, v20  }
0x5e: {  	v18 =	vld [tilespmem:s20+$0x40];
	v19 =	vadd.s32 v5, v17  }
0x5f: {  	s25 =	simm.s32 $0xB;
	v20 =	vld [tilespmem:s20+$0x50];
	v17 =	vadd.s32 v6, v17  }
0x60: {  	v59 =	vmov s25  }
0x61: {  	v21 =	vshrl.u32 v59, $0x3  }
0x62: {  	v21 =	vshll.u32 v21, v1  }
0x63: {  	[tilespmem:v19+s15+$0x0] =	vst.idx.msk $0xffff, v18;
	v18 =	vbroadcast v21, $0x0  }
0x64: {  	[tilespmem:v17+s15+$0x0] =	vst.idx.msk $0xffff, v20  }
0x65: {  	v17 =	vld [tilespmem:s20+$0x60];
	v19 =	vadd.s32 v7, v18  }
0x66: {  	s26 =	simm.s32 $0xC;
	v20 =	vld [tilespmem:s20+$0x70];
	v18 =	vadd.s32 v8, v18  }
0x67: {  	v60 =	vmov s26  }
0x68: {  	v21 =	vshrl.u32 v60, $0x3  }
0x69: {  	v21 =	vshll.u32 v21, v1  }
0x6a: {  	[tilespmem:v19+s15+$0x0] =	vst.idx.msk $0xffff, v17;
	v17 =	vbroadcast v21, $0x0  }
0x6b: {  	[tilespmem:v18+s15+$0x0] =	vst.idx.msk $0xffff, v20  }
0x6c: {  	v18 =	vld [tilespmem:s20+$0x80];
	v19 =	vadd.s32 v9, v17  }
0x6d: {  	s28 =	simm.s32 $0xD;
	v20 =	vld [tilespmem:s20+$0x90];
	v17 =	vadd.s32 v10, v17  }
0x6e: {  	v61 =	vmov s28  }
0x6f: {  	v21 =	vshrl.u32 v61, $0x3  }
0x70: {  	v21 =	vshll.u32 v21, v1  }
0x71: {  	[tilespmem:v19+s15+$0x0] =	vst.idx.msk $0xffff, v18;
	v18 =	vbroadcast v21, $0x0  }
0x72: {  	[tilespmem:v17+s15+$0x0] =	vst.idx.msk $0xffff, v20  }
0x73: {  	v17 =	vld [tilespmem:s20+$0xA0];
	v19 =	vadd.s32 v11, v18  }
0x74: {  	s29 =	simm.s32 $0xE;
	v20 =	vld [tilespmem:s20+$0xB0];
	v18 =	vadd.s32 v12, v18  }
0x75: {  	v62 =	vmov s29  }
0x76: {  	v21 =	vshrl.u32 v62, $0x3  }
0x77: {  	v21 =	vshll.u32 v21, v1  }
0x78: {  	[tilespmem:v19+s15+$0x0] =	vst.idx.msk $0xffff, v17;
	v17 =	vbroadcast v21, $0x0  }
0x79: {  	[tilespmem:v18+s15+$0x0] =	vst.idx.msk $0xffff, v20  }
0x7a: {  	v18 =	vld [tilespmem:s20+$0xC0];
	v19 =	vadd.s32 v13, v17  }
0x7b: {  	s30 =	simm.s32 $0xF;
	v20 =	vld [tilespmem:s20+$0xD0];
	v17 =	vadd.s32 v14, v17  }
0x7c: {  	v63 =	vmov s30  }
0x7d: {  	v21 =	vshrl.u32 v63, $0x3  }
0x7e: {  	v21 =	vshll.u32 v21, v1  }
0x7f: {  	[tilespmem:v19+s15+$0x0] =	vst.idx.msk $0xffff, v18;
	v18 =	vbroadcast v21, $0x0  }
0x80: {  	s31 =	simm.s32 $0x10;
	[tilespmem:v17+s15+$0x0] =	vst.idx.msk $0xffff, v20  }
0x81: {  	v17 =	vmov s31;
	v20 =	vld [tilespmem:s20+$0xE0];
	v21 =	vadd.s32 v15, v18  }
0x82: {  	v19 =	vshrl.u32 v17, $0x3  }
0x83: {  	v17 =	vld [tilespmem:s20+$0xF0];
	v22 =	vshll.u32 v19, v1;
	v19 =	vadd.s32 v16, v18;
	_ =	sdelay $0x2  }
0x84: {  	s21 =	simm.s32 $0x1F;
	s22 =	simm.s32 $0x2F;
	v18 =	vbroadcast v22, $0x0;
	[tilespmem:v21+s15+$0x0] =	vst.idx.msk $0xffff, v20  }
.LBB2_2:
0x85: {  	p0 =	sne.s32 s22, $0x1FF  }
0x86: {  	[tilespmem:v19+s15+$0x0] =	vst.idx.msk $0xffff, v17;
	s20 =	sadd.s32 $0x200, s20;
	s23 =	smov.u32 s22;
	s22 =	sadd.s32 $0x10, s22  }
0x87: {  	v17 =	vld [tilespmem:s20+$0xFFFFFF00];
	v19 =	vadd.s32 v0, v18  }
0x88: {  	s24 =	sadd.s32 $0xFFFFFFF2, s21;
	v18 =	vadd.s32 v2, v18;
	v20 =	vld [tilespmem:s20+$0xFFFFFF10]  }
0x89: {  	v21 =	vmov s24  }
0x8a: {  	v21 =	vshrl.u32 v21, $0x3  }
0x8b: {  	v21 =	vshll.u32 v21, v1  }
0x8c: {  	[tilespmem:v19+s15+$0x0] =	vst.idx.msk $0xffff, v17;
	v17 =	vbroadcast v21, $0x0  }
0x8d: {  	[tilespmem:v18+s15+$0x0] =	vst.idx.msk $0xffff, v20  }
0x8e: {  	v18 =	vld [tilespmem:s20+$0xFFFFFF20];
	v19 =	vadd.s32 v3, v17  }
0x8f: {  	s24 =	sadd.s32 $0xFFFFFFF3, s21;
	v17 =	vadd.s32 v4, v17;
	v20 =	vld [tilespmem:s20+$0xFFFFFF30]  }
0x90: {  	v21 =	vmov s24  }
0x91: {  	v21 =	vshrl.u32 v21, $0x3  }
0x92: {  	v21 =	vshll.u32 v21, v1  }
0x93: {  	[tilespmem:v19+s15+$0x0] =	vst.idx.msk $0xffff, v18;
	v18 =	vbroadcast v21, $0x0  }
0x94: {  	[tilespmem:v17+s15+$0x0] =	vst.idx.msk $0xffff, v20  }
0x95: {  	v17 =	vld [tilespmem:s20+$0xFFFFFF40];
	v19 =	vadd.s32 v5, v18  }
0x96: {  	s24 =	sadd.s32 $0xFFFFFFF4, s21;
	v18 =	vadd.s32 v6, v18;
	v20 =	vld [tilespmem:s20+$0xFFFFFF50]  }
0x97: {  	v21 =	vmov s24  }
0x98: {  	v21 =	vshrl.u32 v21, $0x3  }
0x99: {  	v21 =	vshll.u32 v21, v1  }
0x9a: {  	[tilespmem:v19+s15+$0x0] =	vst.idx.msk $0xffff, v17;
	v17 =	vbroadcast v21, $0x0  }
0x9b: {  	[tilespmem:v18+s15+$0x0] =	vst.idx.msk $0xffff, v20  }
0x9c: {  	v18 =	vld [tilespmem:s20+$0xFFFFFF60];
	v19 =	vadd.s32 v7, v17  }
0x9d: {  	s24 =	sadd.s32 $0xFFFFFFF5, s21;
	v17 =	vadd.s32 v8, v17;
	v20 =	vld [tilespmem:s20+$0xFFFFFF70]  }
0x9e: {  	v21 =	vmov s24  }
0x9f: {  	v21 =	vshrl.u32 v21, $0x3  }
0xa0: {  	v21 =	vshll.u32 v21, v1  }
0xa1: {  	[tilespmem:v19+s15+$0x0] =	vst.idx.msk $0xffff, v18;
	v18 =	vbroadcast v21, $0x0  }
0xa2: {  	[tilespmem:v17+s15+$0x0] =	vst.idx.msk $0xffff, v20  }
0xa3: {  	v17 =	vld [tilespmem:s20+$0xFFFFFF80];
	v19 =	vadd.s32 v9, v18  }
0xa4: {  	s24 =	sadd.s32 $0xFFFFFFF6, s21;
	v18 =	vadd.s32 v10, v18;
	v20 =	vld [tilespmem:s20+$0xFFFFFF90]  }
0xa5: {  	v21 =	vmov s24  }
0xa6: {  	v21 =	vshrl.u32 v21, $0x3  }
0xa7: {  	v21 =	vshll.u32 v21, v1  }
0xa8: {  	[tilespmem:v19+s15+$0x0] =	vst.idx.msk $0xffff, v17;
	v17 =	vbroadcast v21, $0x0  }
0xa9: {  	[tilespmem:v18+s15+$0x0] =	vst.idx.msk $0xffff, v20  }
0xaa: {  	v18 =	vld [tilespmem:s20+$0xFFFFFFA0];
	v19 =	vadd.s32 v11, v17  }
0xab: {  	s24 =	sadd.s32 $0xFFFFFFF7, s21;
	v17 =	vadd.s32 v12, v17;
	v20 =	vld [tilespmem:s20+$0xFFFFFFB0]  }
0xac: {  	v21 =	vmov s24  }
0xad: {  	v21 =	vshrl.u32 v21, $0x3  }
0xae: {  	v21 =	vshll.u32 v21, v1  }
0xaf: {  	[tilespmem:v19+s15+$0x0] =	vst.idx.msk $0xffff, v18;
	v18 =	vbroadcast v21, $0x0  }
0xb0: {  	[tilespmem:v17+s15+$0x0] =	vst.idx.msk $0xffff, v20  }
0xb1: {  	v17 =	vld [tilespmem:s20+$0xFFFFFFC0];
	v19 =	vadd.s32 v13, v18  }
0xb2: {  	s24 =	sadd.s32 $0xFFFFFFF8, s21;
	v18 =	vadd.s32 v14, v18;
	v20 =	vld [tilespmem:s20+$0xFFFFFFD0]  }
0xb3: {  	v21 =	vmov s24  }
0xb4: {  	v21 =	vshrl.u32 v21, $0x3  }
0xb5: {  	v21 =	vshll.u32 v21, v1  }
0xb6: {  	[tilespmem:v19+s15+$0x0] =	vst.idx.msk $0xffff, v17;
	v17 =	vbroadcast v21, $0x0  }
0xb7: {  	[tilespmem:v18+s15+$0x0] =	vst.idx.msk $0xffff, v20  }
0xb8: {  	v18 =	vld [tilespmem:s20+$0xFFFFFFE0];
	v19 =	vadd.s32 v15, v17  }
0xb9: {  	s24 =	sadd.s32 $0xFFFFFFF9, s21;
	v17 =	vadd.s32 v16, v17;
	v20 =	vld [tilespmem:s20+$0xFFFFFFF0]  }
0xba: {  	v21 =	vmov s24  }
0xbb: {  	v21 =	vshrl.u32 v21, $0x3  }
0xbc: {  	v21 =	vshll.u32 v21, v1  }
0xbd: {  	[tilespmem:v19+s15+$0x0] =	vst.idx.msk $0xffff, v18;
	v18 =	vbroadcast v21, $0x0  }
0xbe: {  	[tilespmem:v17+s15+$0x0] =	vst.idx.msk $0xffff, v20  }
0xbf: {  	v17 =	vld [tilespmem:s20+$0x0];
	v19 =	vadd.s32 v0, v18  }
0xc0: {  	s24 =	sadd.s32 $0xFFFFFFFA, s21;
	v18 =	vadd.s32 v2, v18;
	v20 =	vld [tilespmem:s20+$0x10]  }
0xc1: {  	v21 =	vmov s24  }
0xc2: {  	v21 =	vshrl.u32 v21, $0x3  }
0xc3: {  	v21 =	vshll.u32 v21, v1  }
0xc4: {  	[tilespmem:v19+s15+$0x0] =	vst.idx.msk $0xffff, v17;
	v17 =	vbroadcast v21, $0x0  }
0xc5: {  	[tilespmem:v18+s15+$0x0] =	vst.idx.msk $0xffff, v20  }
0xc6: {  	v18 =	vld [tilespmem:s20+$0x20];
	v19 =	vadd.s32 v3, v17  }
0xc7: {  	s24 =	sadd.s32 $0xFFFFFFFB, s21;
	v17 =	vadd.s32 v4, v17;
	v20 =	vld [tilespmem:s20+$0x30]  }
0xc8: {  	v21 =	vmov s24  }
0xc9: {  	v21 =	vshrl.u32 v21, $0x3  }
0xca: {  	v21 =	vshll.u32 v21, v1  }
0xcb: {  	[tilespmem:v19+s15+$0x0] =	vst.idx.msk $0xffff, v18;
	v18 =	vbroadcast v21, $0x0  }
0xcc: {  	[tilespmem:v17+s15+$0x0] =	vst.idx.msk $0xffff, v20  }
0xcd: {  	v17 =	vld [tilespmem:s20+$0x40];
	v19 =	vadd.s32 v5, v18  }
0xce: {  	s24 =	sadd.s32 $0xFFFFFFFC, s21;
	v18 =	vadd.s32 v6, v18;
	v20 =	vld [tilespmem:s20+$0x50]  }
0xcf: {  	v21 =	vmov s24  }
0xd0: {  	v21 =	vshrl.u32 v21, $0x3  }
0xd1: {  	v21 =	vshll.u32 v21, v1  }
0xd2: {  	[tilespmem:v19+s15+$0x0] =	vst.idx.msk $0xffff, v17;
	v17 =	vbroadcast v21, $0x0  }
0xd3: {  	[tilespmem:v18+s15+$0x0] =	vst.idx.msk $0xffff, v20  }
0xd4: {  	v18 =	vld [tilespmem:s20+$0x60];
	v19 =	vadd.s32 v7, v17  }
0xd5: {  	s24 =	sadd.s32 $0xFFFFFFFD, s21;
	v17 =	vadd.s32 v8, v17;
	v20 =	vld [tilespmem:s20+$0x70]  }
0xd6: {  	v21 =	vmov s24  }
0xd7: {  	v21 =	vshrl.u32 v21, $0x3  }
0xd8: {  	v21 =	vshll.u32 v21, v1  }
0xd9: {  	[tilespmem:v19+s15+$0x0] =	vst.idx.msk $0xffff, v18;
	v18 =	vbroadcast v21, $0x0  }
0xda: {  	[tilespmem:v17+s15+$0x0] =	vst.idx.msk $0xffff, v20  }
0xdb: {  	v17 =	vld [tilespmem:s20+$0x80];
	v19 =	vadd.s32 v9, v18  }
0xdc: {  	s24 =	sadd.s32 $0xFFFFFFFE, s21;
	v18 =	vadd.s32 v10, v18;
	v20 =	vld [tilespmem:s20+$0x90]  }
0xdd: {  	v21 =	vmov s24  }
0xde: {  	v21 =	vshrl.u32 v21, $0x3  }
0xdf: {  	v21 =	vshll.u32 v21, v1  }
0xe0: {  	[tilespmem:v19+s15+$0x0] =	vst.idx.msk $0xffff, v17;
	v17 =	vbroadcast v21, $0x0  }
0xe1: {  	[tilespmem:v18+s15+$0x0] =	vst.idx.msk $0xffff, v20  }
0xe2: {  	v18 =	vld [tilespmem:s20+$0xA0];
	v19 =	vadd.s32 v11, v17  }
0xe3: {  	s24 =	sadd.s32 $0xFFFFFFFF, s21;
	v17 =	vadd.s32 v12, v17;
	v20 =	vld [tilespmem:s20+$0xB0]  }
0xe4: {  	v21 =	vmov s24  }
0xe5: {  	v21 =	vshrl.u32 v21, $0x3  }
0xe6: {  	v21 =	vshll.u32 v21, v1  }
0xe7: {  	[tilespmem:v19+s15+$0x0] =	vst.idx.msk $0xffff, v18;
	v18 =	vbroadcast v21, $0x0  }
0xe8: {  	[tilespmem:v17+s15+$0x0] =	vst.idx.msk $0xffff, v20  }
0xe9: {  	v17 =	vld [tilespmem:s20+$0xC0];
	v19 =	vadd.s32 v13, v18  }
0xea: {  	v18 =	vadd.s32 v14, v18;
	v20 =	vld [tilespmem:s20+$0xD0]  }
0xeb: {  	v21 =	vmov s21;
	s21 =	smov.u32 s23  }
0xec: {  	v21 =	vshrl.u32 v21, $0x3  }
0xed: {  	v21 =	vshll.u32 v21, v1  }
0xee: {  	[tilespmem:v19+s15+$0x0] =	vst.idx.msk $0xffff, v17;
	v19 =	vbroadcast v21, $0x0  }
0xef: {  	[tilespmem:v18+s15+$0x0] =	vst.idx.msk $0xffff, v20  }
0xf0: {  	v20 =	vld [tilespmem:s20+$0xE0];
	v21 =	vadd.s32 v15, v19  }
.Ltmp0:
0xf1: {  	s23 =	sadd.s32 $0xFFFFFFF1, s21;
	v19 =	vadd.s32 v16, v19;
	v17 =	vld [tilespmem:s20+$0xF0];
	(pc) =	sbr.rel @p0 .LBB2_2-.Ltmp0, $4  }
0xf2: {  	v18 =	vmov s23  }
0xf3: {  	v18 =	vshrl.u32 v18, $0x3  }
0xf4: {  	v18 =	vshll.u32 v18, v1  }
0xf5: {  	v18 =	vbroadcast v18, $0x0;
	[tilespmem:v21+s15+$0x0] =	vst.idx.msk $0xffff, v20  }
0xf6: {  	_ =	sdelay $0x3  }
0xf7: {  	[tilespmem:v19+s15+$0x0] =	vst.idx.msk $0xffff, v17;
	s20 =	sadd.s32 $0x200, s20  }
0xf8: {  	v17 =	vld [tilespmem:s20+$0xFFFFFF00];
	v19 =	vadd.s32 v0, v18  }
0xf9: {  	s22 =	sadd.s32 $0xFFFFFFF2, s21;
	v20 =	vld [tilespmem:s20+$0xFFFFFF10];
	v18 =	vadd.s32 v2, v18  }
0xfa: {  	v21 =	vmov s22  }
0xfb: {  	v21 =	vshrl.u32 v21, $0x3  }
0xfc: {  	v21 =	vshll.u32 v21, v1  }
0xfd: {  	[tilespmem:v19+s15+$0x0] =	vst.idx.msk $0xffff, v17;
	v17 =	vbroadcast v21, $0x0  }
0xfe: {  	[tilespmem:v18+s15+$0x0] =	vst.idx.msk $0xffff, v20  }
0xff: {  	v18 =	vld [tilespmem:s20+$0xFFFFFF20];
	v19 =	vadd.s32 v3, v17  }
0x100: {  	s26 =	sadd.s32 $0xFFFFFFF3, s21;
	v20 =	vld [tilespmem:s20+$0xFFFFFF30];
	v17 =	vadd.s32 v4, v17  }
0x101: {  	v50 =	vmov s26  }
0x102: {  	v21 =	vshrl.u32 v50, $0x3  }
0x103: {  	v21 =	vshll.u32 v21, v1  }
0x104: {  	[tilespmem:v19+s15+$0x0] =	vst.idx.msk $0xffff, v18;
	v18 =	vbroadcast v21, $0x0  }
0x105: {  	[tilespmem:v17+s15+$0x0] =	vst.idx.msk $0xffff, v20  }
0x106: {  	v17 =	vld [tilespmem:s20+$0xFFFFFF40];
	v19 =	vadd.s32 v5, v18  }
0x107: {  	s28 =	sadd.s32 $0xFFFFFFF4, s21;
	v20 =	vld [tilespmem:s20+$0xFFFFFF50];
	v18 =	vadd.s32 v6, v18  }
0x108: {  	v51 =	vmov s28  }
0x109: {  	v21 =	vshrl.u32 v51, $0x3  }
0x10a: {  	v21 =	vshll.u32 v21, v1  }
0x10b: {  	[tilespmem:v19+s15+$0x0] =	vst.idx.msk $0xffff, v17;
	v17 =	vbroadcast v21, $0x0  }
0x10c: {  	[tilespmem:v18+s15+$0x0] =	vst.idx.msk $0xffff, v20  }
0x10d: {  	v18 =	vld [tilespmem:s20+$0xFFFFFF60];
	v19 =	vadd.s32 v7, v17  }
0x10e: {  	s29 =	sadd.s32 $0xFFFFFFF5, s21;
	v20 =	vld [tilespmem:s20+$0xFFFFFF70];
	v17 =	vadd.s32 v8, v17  }
0x10f: {  	v52 =	vmov s29  }
0x110: {  	v21 =	vshrl.u32 v52, $0x3  }
0x111: {  	v21 =	vshll.u32 v21, v1  }
0x112: {  	[tilespmem:v19+s15+$0x0] =	vst.idx.msk $0xffff, v18;
	v18 =	vbroadcast v21, $0x0  }
0x113: {  	[tilespmem:v17+s15+$0x0] =	vst.idx.msk $0xffff, v20  }
0x114: {  	v17 =	vld [tilespmem:s20+$0xFFFFFF80];
	v19 =	vadd.s32 v9, v18  }
0x115: {  	s30 =	sadd.s32 $0xFFFFFFF6, s21;
	v20 =	vld [tilespmem:s20+$0xFFFFFF90];
	v18 =	vadd.s32 v10, v18  }
0x116: {  	v53 =	vmov s30  }
0x117: {  	v21 =	vshrl.u32 v53, $0x3  }
0x118: {  	v21 =	vshll.u32 v21, v1  }
0x119: {  	[tilespmem:v19+s15+$0x0] =	vst.idx.msk $0xffff, v17;
	v17 =	vbroadcast v21, $0x0  }
0x11a: {  	[tilespmem:v18+s15+$0x0] =	vst.idx.msk $0xffff, v20  }
0x11b: {  	v18 =	vld [tilespmem:s20+$0xFFFFFFA0];
	v19 =	vadd.s32 v11, v17  }
0x11c: {  	s31 =	sadd.s32 $0xFFFFFFF7, s21;
	v20 =	vld [tilespmem:s20+$0xFFFFFFB0];
	v17 =	vadd.s32 v12, v17  }
0x11d: {  	v54 =	vmov s31  }
0x11e: {  	v21 =	vshrl.u32 v54, $0x3  }
0x11f: {  	v21 =	vshll.u32 v21, v1  }
0x120: {  	[tilespmem:v19+s15+$0x0] =	vst.idx.msk $0xffff, v18;
	v18 =	vbroadcast v21, $0x0  }
0x121: {  	[tilespmem:v17+s15+$0x0] =	vst.idx.msk $0xffff, v20  }
0x122: {  	v17 =	vld [tilespmem:s20+$0xFFFFFFC0];
	v19 =	vadd.s32 v13, v18  }
0x123: {  	s23 =	sadd.s32 $0xFFFFFFF8, s21;
	v20 =	vld [tilespmem:s20+$0xFFFFFFD0];
	v18 =	vadd.s32 v14, v18  }
0x124: {  	v55 =	vmov s23  }
0x125: {  	v21 =	vshrl.u32 v55, $0x3  }
0x126: {  	v21 =	vshll.u32 v21, v1  }
0x127: {  	[tilespmem:v19+s15+$0x0] =	vst.idx.msk $0xffff, v17;
	v17 =	vbroadcast v21, $0x0  }
0x128: {  	[tilespmem:v18+s15+$0x0] =	vst.idx.msk $0xffff, v20  }
0x129: {  	v18 =	vld [tilespmem:s20+$0xFFFFFFE0];
	v19 =	vadd.s32 v15, v17  }
0x12a: {  	s24 =	sadd.s32 $0xFFFFFFF9, s21;
	v20 =	vld [tilespmem:s20+$0xFFFFFFF0];
	v17 =	vadd.s32 v16, v17  }
0x12b: {  	v56 =	vmov s24  }
0x12c: {  	v21 =	vshrl.u32 v56, $0x3  }
0x12d: {  	v21 =	vshll.u32 v21, v1  }
0x12e: {  	[tilespmem:v19+s15+$0x0] =	vst.idx.msk $0xffff, v18;
	v18 =	vbroadcast v21, $0x0  }
0x12f: {  	[tilespmem:v17+s15+$0x0] =	vst.idx.msk $0xffff, v20  }
0x130: {  	v17 =	vld [tilespmem:s20+$0x0];
	v19 =	vadd.s32 v0, v18  }
0x131: {  	s25 =	sadd.s32 $0xFFFFFFFA, s21;
	v20 =	vld [tilespmem:s20+$0x10];
	v18 =	vadd.s32 v2, v18  }
0x132: {  	v57 =	vmov s25  }
0x133: {  	v21 =	vshrl.u32 v57, $0x3  }
0x134: {  	v21 =	vshll.u32 v21, v1  }
0x135: {  	[tilespmem:v19+s15+$0x0] =	vst.idx.msk $0xffff, v17;
	v17 =	vbroadcast v21, $0x0  }
0x136: {  	[tilespmem:v18+s15+$0x0] =	vst.idx.msk $0xffff, v20  }
0x137: {  	v18 =	vld [tilespmem:s20+$0x20];
	v19 =	vadd.s32 v3, v17  }
0x138: {  	s26 =	sadd.s32 $0xFFFFFFFB, s21;
	v20 =	vld [tilespmem:s20+$0x30];
	v17 =	vadd.s32 v4, v17  }
0x139: {  	v58 =	vmov s26  }
0x13a: {  	v21 =	vshrl.u32 v58, $0x3  }
0x13b: {  	v21 =	vshll.u32 v21, v1  }
0x13c: {  	[tilespmem:v19+s15+$0x0] =	vst.idx.msk $0xffff, v18;
	v18 =	vbroadcast v21, $0x0  }
0x13d: {  	[tilespmem:v17+s15+$0x0] =	vst.idx.msk $0xffff, v20  }
0x13e: {  	v17 =	vld [tilespmem:s20+$0x40];
	v19 =	vadd.s32 v5, v18  }
0x13f: {  	s28 =	sadd.s32 $0xFFFFFFFC, s21;
	v20 =	vld [tilespmem:s20+$0x50];
	v18 =	vadd.s32 v6, v18  }
0x140: {  	v59 =	vmov s28  }
0x141: {  	v21 =	vshrl.u32 v59, $0x3  }
0x142: {  	v21 =	vshll.u32 v21, v1  }
0x143: {  	[tilespmem:v19+s15+$0x0] =	vst.idx.msk $0xffff, v17;
	v17 =	vbroadcast v21, $0x0  }
0x144: {  	[tilespmem:v18+s15+$0x0] =	vst.idx.msk $0xffff, v20  }
0x145: {  	v18 =	vld [tilespmem:s20+$0x60];
	v19 =	vadd.s32 v7, v17  }
0x146: {  	s29 =	sadd.s32 $0xFFFFFFFD, s21;
	v20 =	vld [tilespmem:s20+$0x70];
	v17 =	vadd.s32 v8, v17  }
0x147: {  	v60 =	vmov s29  }
0x148: {  	v21 =	vshrl.u32 v60, $0x3  }
0x149: {  	v21 =	vshll.u32 v21, v1  }
0x14a: {  	[tilespmem:v19+s15+$0x0] =	vst.idx.msk $0xffff, v18;
	v18 =	vbroadcast v21, $0x0  }
0x14b: {  	[tilespmem:v17+s15+$0x0] =	vst.idx.msk $0xffff, v20  }
0x14c: {  	v17 =	vld [tilespmem:s20+$0x80];
	v19 =	vadd.s32 v9, v18  }
0x14d: {  	s30 =	sadd.s32 $0xFFFFFFFE, s21;
	v20 =	vld [tilespmem:s20+$0x90];
	v18 =	vadd.s32 v10, v18  }
0x14e: {  	v61 =	vmov s30  }
0x14f: {  	v21 =	vshrl.u32 v61, $0x3  }
0x150: {  	v21 =	vshll.u32 v21, v1  }
0x151: {  	[tilespmem:v19+s15+$0x0] =	vst.idx.msk $0xffff, v17;
	v17 =	vbroadcast v21, $0x0  }
0x152: {  	[tilespmem:v18+s15+$0x0] =	vst.idx.msk $0xffff, v20  }
0x153: {  	v18 =	vld [tilespmem:s20+$0xA0];
	v19 =	vadd.s32 v11, v17  }
0x154: {  	s31 =	sadd.s32 $0xFFFFFFFF, s21;
	v20 =	vld [tilespmem:s20+$0xB0];
	v17 =	vadd.s32 v12, v17  }
0x155: {  	v62 =	vmov s31  }
0x156: {  	v21 =	vshrl.u32 v62, $0x3  }
0x157: {  	v21 =	vshll.u32 v21, v1  }
0x158: {  	[tilespmem:v19+s15+$0x0] =	vst.idx.msk $0xffff, v18;
	v18 =	vbroadcast v21, $0x0  }
0x159: {  	[tilespmem:v17+s15+$0x0] =	vst.idx.msk $0xffff, v20  }
0x15a: {  	v17 =	vld [tilespmem:s20+$0xC0];
	v19 =	vadd.s32 v13, v18  }
0x15b: {  	v20 =	vld [tilespmem:s20+$0xD0];
	v18 =	vadd.s32 v14, v18  }
0x15c: {  	v63 =	vmov s21  }
0x15d: {  	v21 =	vshrl.u32 v63, $0x3  }
0x15e: {  	v21 =	vshll.u32 v21, v1  }
0x15f: {  	[tilespmem:v19+s15+$0x0] =	vst.idx.msk $0xffff, v17;
	v17 =	vbroadcast v21, $0x0  }
0x160: {  	[tilespmem:v18+s15+$0x0] =	vst.idx.msk $0xffff, v20  }
0x161: {  	v18 =	vld [tilespmem:s20+$0xE0];
	v19 =	vadd.s32 v15, v17  }
0x162: {  	v20 =	vld [tilespmem:s20+$0xF0];
	v17 =	vadd.s32 v16, v17;
	_ =	sdelay $0x3  }
0x163: {  	s21 =	simm.s32 $0x800;
	[tilespmem:v19+s15+$0x0] =	vst.idx.msk $0xffff, v18  }
0x164: {  	s23 =	sadd.s32 $0x0, s7;
	s22 =	simm.s32 $0xE608;
	s20 =	simm.s32 $0xE400;
	[tilespmem:v17+s15+$0x0] =	vst.idx.msk $0xffff, v20  }
.LBB2_4:
0x165: {  	[hbm4b:s23+s2] =	stream.linear.scatter [tilespmem:s20], [sflag:$0x2], $0x200, $0x38;
	[tilespmem:$0x16600] =	vst v63  }
0x166: {  	s23 =	smov.u32 s21;
	s20 =	smov.u32 s22;
	p0 =	sne.s32 s21, $0xF800  }
.Ltmp1:
0x167: {  	s21 =	sadd.s32 $0x800, s21;
	(pc) =	sbr.rel @p0 .LBB2_4-.Ltmp1, $2  }
0x168: {  	_ =	sdelay $0x2  }
0x169: {  	s22 =	sadd.s32 $0x208, s22;
	s23 =	sadd.s32 s23, s7  }
0x16a: {  	s21 =	simm.s32 $0x0  }
0x16b: {  	v17 =	vmov s21  }
0x16c: {  	[hbm4b:s23+s2] =	stream.linear.scatter [tilespmem:s20], [sflag:$0x2], $0x200, $0x38;
	v17 =	vshrl.u32 v17, $0x3;
	[tilespmem:$0x16600] =	vst v63  }
0x16d: {  	_ =	swait.ge [sflag:s14], $0x4000;
	v17 =	vshll.u32 v17, v1  }
0x16e: {  	[sflag:s14] =	ssyncset.done $0x0;
	v17 =	vbroadcast v17, $0x0  }
0x16f: {  	s20 =	simm.s32 $0x0;
	[sflag:s14] =	ssyncadd.s32 $0xFFFFC000  }
0x170: {  	v18 =	vld [tilespmem:s20+$0xA400];
	v19 =	vadd.s32 v0, v17  }
0x171: {  	s24 =	simm.s32 $0x1;
	v20 =	vld [tilespmem:s20+$0xA410];
	v17 =	vadd.s32 v2, v17  }
0x172: {  	v21 =	vmov s24  }
0x173: {  	v21 =	vshrl.u32 v21, $0x3  }
0x174: {  	v21 =	vshll.u32 v21, v1  }
0x175: {  	[tilespmem:v19+s16+$0x0] =	vst.idx.msk $0xffff, v18;
	v18 =	vbroadcast v21, $0x0  }
0x176: {  	[tilespmem:v17+s16+$0x0] =	vst.idx.msk $0xffff, v20  }
0x177: {  	v17 =	vld [tilespmem:s20+$0xA420];
	v19 =	vadd.s32 v3, v18  }
0x178: {  	s25 =	simm.s32 $0x2;
	v20 =	vld [tilespmem:s20+$0xA430];
	v18 =	vadd.s32 v4, v18  }
0x179: {  	v50 =	vmov s25  }
0x17a: {  	v21 =	vshrl.u32 v50, $0x3  }
0x17b: {  	v21 =	vshll.u32 v21, v1  }
0x17c: {  	[tilespmem:v19+s16+$0x0] =	vst.idx.msk $0xffff, v17;
	v17 =	vbroadcast v21, $0x0  }
0x17d: {  	[tilespmem:v18+s16+$0x0] =	vst.idx.msk $0xffff, v20  }
0x17e: {  	v18 =	vld [tilespmem:s20+$0xA440];
	v19 =	vadd.s32 v5, v17  }
0x17f: {  	s26 =	simm.s32 $0x3;
	v20 =	vld [tilespmem:s20+$0xA450];
	v17 =	vadd.s32 v6, v17  }
0x180: {  	v51 =	vmov s26  }
0x181: {  	v21 =	vshrl.u32 v51, $0x3  }
0x182: {  	v21 =	vshll.u32 v21, v1  }
0x183: {  	[tilespmem:v19+s16+$0x0] =	vst.idx.msk $0xffff, v18;
	v18 =	vbroadcast v21, $0x0  }
0x184: {  	[tilespmem:v17+s16+$0x0] =	vst.idx.msk $0xffff, v20  }
0x185: {  	v17 =	vld [tilespmem:s20+$0xA460];
	v19 =	vadd.s32 v7, v18  }
0x186: {  	s28 =	simm.s32 $0x4;
	v20 =	vld [tilespmem:s20+$0xA470];
	v18 =	vadd.s32 v8, v18  }
0x187: {  	v52 =	vmov s28  }
0x188: {  	v21 =	vshrl.u32 v52, $0x3  }
0x189: {  	v21 =	vshll.u32 v21, v1  }
0x18a: {  	[tilespmem:v19+s16+$0x0] =	vst.idx.msk $0xffff, v17;
	v17 =	vbroadcast v21, $0x0  }
0x18b: {  	[tilespmem:v18+s16+$0x0] =	vst.idx.msk $0xffff, v20  }
0x18c: {  	v18 =	vld [tilespmem:s20+$0xA480];
	v19 =	vadd.s32 v9, v17  }
0x18d: {  	s29 =	simm.s32 $0x5;
	v20 =	vld [tilespmem:s20+$0xA490];
	v17 =	vadd.s32 v10, v17  }
0x18e: {  	v53 =	vmov s29  }
0x18f: {  	v21 =	vshrl.u32 v53, $0x3  }
0x190: {  	v21 =	vshll.u32 v21, v1  }
0x191: {  	[tilespmem:v19+s16+$0x0] =	vst.idx.msk $0xffff, v18;
	v18 =	vbroadcast v21, $0x0  }
0x192: {  	[tilespmem:v17+s16+$0x0] =	vst.idx.msk $0xffff, v20  }
0x193: {  	v17 =	vld [tilespmem:s20+$0xA4A0];
	v19 =	vadd.s32 v11, v18  }
0x194: {  	s30 =	simm.s32 $0x6;
	v20 =	vld [tilespmem:s20+$0xA4B0];
	v18 =	vadd.s32 v12, v18  }
0x195: {  	v54 =	vmov s30  }
0x196: {  	v21 =	vshrl.u32 v54, $0x3  }
0x197: {  	v21 =	vshll.u32 v21, v1  }
0x198: {  	[tilespmem:v19+s16+$0x0] =	vst.idx.msk $0xffff, v17;
	v17 =	vbroadcast v21, $0x0  }
0x199: {  	[tilespmem:v18+s16+$0x0] =	vst.idx.msk $0xffff, v20  }
0x19a: {  	v18 =	vld [tilespmem:s20+$0xA4C0];
	v19 =	vadd.s32 v13, v17  }
0x19b: {  	s31 =	simm.s32 $0x7;
	v20 =	vld [tilespmem:s20+$0xA4D0];
	v17 =	vadd.s32 v14, v17  }
0x19c: {  	v55 =	vmov s31  }
0x19d: {  	v21 =	vshrl.u32 v55, $0x3  }
0x19e: {  	v21 =	vshll.u32 v21, v1  }
0x19f: {  	[tilespmem:v19+s16+$0x0] =	vst.idx.msk $0xffff, v18;
	v18 =	vbroadcast v21, $0x0  }
0x1a0: {  	[tilespmem:v17+s16+$0x0] =	vst.idx.msk $0xffff, v20  }
0x1a1: {  	v17 =	vld [tilespmem:s20+$0xA4E0];
	v19 =	vadd.s32 v15, v18  }
0x1a2: {  	s22 =	simm.s32 $0x8;
	v20 =	vld [tilespmem:s20+$0xA4F0];
	v18 =	vadd.s32 v16, v18  }
0x1a3: {  	v56 =	vmov s22  }
0x1a4: {  	v21 =	vshrl.u32 v56, $0x3  }
0x1a5: {  	v21 =	vshll.u32 v21, v1  }
0x1a6: {  	[tilespmem:v19+s16+$0x0] =	vst.idx.msk $0xffff, v17;
	v17 =	vbroadcast v21, $0x0  }
0x1a7: {  	[tilespmem:v18+s16+$0x0] =	vst.idx.msk $0xffff, v20  }
0x1a8: {  	v18 =	vld [tilespmem:s20+$0xA500];
	v19 =	vadd.s32 v0, v17  }
0x1a9: {  	s23 =	simm.s32 $0x9;
	v20 =	vld [tilespmem:s20+$0xA510];
	v17 =	vadd.s32 v2, v17  }
0x1aa: {  	v57 =	vmov s23  }
0x1ab: {  	v21 =	vshrl.u32 v57, $0x3  }
0x1ac: {  	v21 =	vshll.u32 v21, v1  }
0x1ad: {  	[tilespmem:v19+s16+$0x0] =	vst.idx.msk $0xffff, v18;
	v18 =	vbroadcast v21, $0x0  }
0x1ae: {  	[tilespmem:v17+s16+$0x0] =	vst.idx.msk $0xffff, v20  }
0x1af: {  	v17 =	vld [tilespmem:s20+$0xA520];
	v19 =	vadd.s32 v3, v18  }
0x1b0: {  	s24 =	simm.s32 $0xA;
	v20 =	vld [tilespmem:s20+$0xA530];
	v18 =	vadd.s32 v4, v18  }
0x1b1: {  	v58 =	vmov s24  }
0x1b2: {  	v21 =	vshrl.u32 v58, $0x3  }
0x1b3: {  	v21 =	vshll.u32 v21, v1  }
0x1b4: {  	[tilespmem:v19+s16+$0x0] =	vst.idx.msk $0xffff, v17;
	v17 =	vbroadcast v21, $0x0  }
0x1b5: {  	[tilespmem:v18+s16+$0x0] =	vst.idx.msk $0xffff, v20  }
0x1b6: {  	v18 =	vld [tilespmem:s20+$0xA540];
	v19 =	vadd.s32 v5, v17  }
0x1b7: {  	s25 =	simm.s32 $0xB;
	v20 =	vld [tilespmem:s20+$0xA550];
	v17 =	vadd.s32 v6, v17  }
0x1b8: {  	v59 =	vmov s25  }
0x1b9: {  	v21 =	vshrl.u32 v59, $0x3  }
0x1ba: {  	v21 =	vshll.u32 v21, v1  }
0x1bb: {  	[tilespmem:v19+s16+$0x0] =	vst.idx.msk $0xffff, v18;
	v18 =	vbroadcast v21, $0x0  }
0x1bc: {  	[tilespmem:v17+s16+$0x0] =	vst.idx.msk $0xffff, v20  }
0x1bd: {  	v17 =	vld [tilespmem:s20+$0xA560];
	v19 =	vadd.s32 v7, v18  }
0x1be: {  	s26 =	simm.s32 $0xC;
	v20 =	vld [tilespmem:s20+$0xA570];
	v18 =	vadd.s32 v8, v18  }
0x1bf: {  	v60 =	vmov s26  }
0x1c0: {  	v21 =	vshrl.u32 v60, $0x3  }
0x1c1: {  	v21 =	vshll.u32 v21, v1  }
0x1c2: {  	[tilespmem:v19+s16+$0x0] =	vst.idx.msk $0xffff, v17;
	v17 =	vbroadcast v21, $0x0  }
0x1c3: {  	[tilespmem:v18+s16+$0x0] =	vst.idx.msk $0xffff, v20  }
0x1c4: {  	v18 =	vld [tilespmem:s20+$0xA580];
	v19 =	vadd.s32 v9, v17  }
0x1c5: {  	s28 =	simm.s32 $0xD;
	v20 =	vld [tilespmem:s20+$0xA590];
	v17 =	vadd.s32 v10, v17  }
0x1c6: {  	v61 =	vmov s28  }
0x1c7: {  	v21 =	vshrl.u32 v61, $0x3  }
0x1c8: {  	v21 =	vshll.u32 v21, v1  }
0x1c9: {  	[tilespmem:v19+s16+$0x0] =	vst.idx.msk $0xffff, v18;
	v18 =	vbroadcast v21, $0x0  }
0x1ca: {  	[tilespmem:v17+s16+$0x0] =	vst.idx.msk $0xffff, v20  }
0x1cb: {  	v17 =	vld [tilespmem:s20+$0xA5A0];
	v19 =	vadd.s32 v11, v18  }
0x1cc: {  	s29 =	simm.s32 $0xE;
	v20 =	vld [tilespmem:s20+$0xA5B0];
	v18 =	vadd.s32 v12, v18  }
0x1cd: {  	v62 =	vmov s29  }
0x1ce: {  	v21 =	vshrl.u32 v62, $0x3  }
0x1cf: {  	v21 =	vshll.u32 v21, v1  }
0x1d0: {  	[tilespmem:v19+s16+$0x0] =	vst.idx.msk $0xffff, v17;
	v17 =	vbroadcast v21, $0x0  }
0x1d1: {  	[tilespmem:v18+s16+$0x0] =	vst.idx.msk $0xffff, v20  }
0x1d2: {  	v18 =	vld [tilespmem:s20+$0xA5C0];
	v19 =	vadd.s32 v13, v17  }
0x1d3: {  	s30 =	simm.s32 $0xF;
	v20 =	vld [tilespmem:s20+$0xA5D0];
	v17 =	vadd.s32 v14, v17  }
0x1d4: {  	v63 =	vmov s30  }
0x1d5: {  	v21 =	vshrl.u32 v63, $0x3  }
0x1d6: {  	v21 =	vshll.u32 v21, v1  }
0x1d7: {  	[tilespmem:v19+s16+$0x0] =	vst.idx.msk $0xffff, v18;
	v18 =	vbroadcast v21, $0x0  }
0x1d8: {  	s31 =	simm.s32 $0x10;
	[tilespmem:v17+s16+$0x0] =	vst.idx.msk $0xffff, v20  }
0x1d9: {  	v17 =	vmov s31;
	v20 =	vld [tilespmem:s20+$0xA5E0];
	v21 =	vadd.s32 v15, v18  }
0x1da: {  	v19 =	vshrl.u32 v17, $0x3;
	v17 =	vld [tilespmem:s20+$0xA5F0];
	v18 =	vadd.s32 v16, v18;
	_ =	sdelay $0x2  }
0x1db: {  	v19 =	vshll.u32 v19, v1  }
0x1dc: {  	s22 =	simm.s32 $0x1000;
	s21 =	simm.s32 $0x1F;
	s20 =	simm.s32 $0x200;
	v19 =	vbroadcast v19, $0x0;
	[tilespmem:v21+s16+$0x0] =	vst.idx.msk $0xffff, v20  }
.LBB2_6:
0x1dd: {  	s23 =	sshra.s32 s22, $0x2;
	p0 =	sne.s32 s22, $0xF800;
	s22 =	sadd.s32 $0x800, s22;
	[tilespmem:v18+s16+$0x0] =	vst.idx.msk $0xffff, v17  }
0x1de: {  	v17 =	vld [tilespmem:s20+$0xA400];
	v18 =	vadd.s32 v0, v19  }
0x1df: {  	s24 =	sadd.s32 $0xFFFFFFF2, s21;
	v19 =	vadd.s32 v2, v19;
	v20 =	vld [tilespmem:s20+$0xA410]  }
0x1e0: {  	v21 =	vmov s24  }
0x1e1: {  	v21 =	vshrl.u32 v21, $0x3  }
0x1e2: {  	v21 =	vshll.u32 v21, v1  }
0x1e3: {  	[tilespmem:v18+s16+$0x0] =	vst.idx.msk $0xffff, v17;
	v17 =	vbroadcast v21, $0x0  }
0x1e4: {  	[tilespmem:v19+s16+$0x0] =	vst.idx.msk $0xffff, v20  }
0x1e5: {  	v18 =	vld [tilespmem:s20+$0xA420];
	v19 =	vadd.s32 v3, v17  }
0x1e6: {  	s24 =	sadd.s32 $0xFFFFFFF3, s21;
	v17 =	vadd.s32 v4, v17;
	v20 =	vld [tilespmem:s20+$0xA430]  }
0x1e7: {  	v21 =	vmov s24  }
0x1e8: {  	v21 =	vshrl.u32 v21, $0x3  }
0x1e9: {  	v21 =	vshll.u32 v21, v1  }
0x1ea: {  	[tilespmem:v19+s16+$0x0] =	vst.idx.msk $0xffff, v18;
	v18 =	vbroadcast v21, $0x0  }
0x1eb: {  	[tilespmem:v17+s16+$0x0] =	vst.idx.msk $0xffff, v20  }
0x1ec: {  	v17 =	vld [tilespmem:s20+$0xA440];
	v19 =	vadd.s32 v5, v18  }
0x1ed: {  	s24 =	sadd.s32 $0xFFFFFFF4, s21;
	v18 =	vadd.s32 v6, v18;
	v20 =	vld [tilespmem:s20+$0xA450]  }
0x1ee: {  	v21 =	vmov s24  }
0x1ef: {  	v21 =	vshrl.u32 v21, $0x3  }
0x1f0: {  	v21 =	vshll.u32 v21, v1  }
0x1f1: {  	[tilespmem:v19+s16+$0x0] =	vst.idx.msk $0xffff, v17;
	v17 =	vbroadcast v21, $0x0  }
0x1f2: {  	[tilespmem:v18+s16+$0x0] =	vst.idx.msk $0xffff, v20  }
0x1f3: {  	v18 =	vld [tilespmem:s20+$0xA460];
	v19 =	vadd.s32 v7, v17  }
0x1f4: {  	s24 =	sadd.s32 $0xFFFFFFF5, s21;
	v17 =	vadd.s32 v8, v17;
	v20 =	vld [tilespmem:s20+$0xA470]  }
0x1f5: {  	v21 =	vmov s24  }
0x1f6: {  	v21 =	vshrl.u32 v21, $0x3  }
0x1f7: {  	v21 =	vshll.u32 v21, v1  }
0x1f8: {  	[tilespmem:v19+s16+$0x0] =	vst.idx.msk $0xffff, v18;
	v18 =	vbroadcast v21, $0x0  }
0x1f9: {  	[tilespmem:v17+s16+$0x0] =	vst.idx.msk $0xffff, v20  }
0x1fa: {  	v17 =	vld [tilespmem:s20+$0xA480];
	v19 =	vadd.s32 v9, v18  }
0x1fb: {  	s24 =	sadd.s32 $0xFFFFFFF6, s21;
	v18 =	vadd.s32 v10, v18;
	v20 =	vld [tilespmem:s20+$0xA490]  }
0x1fc: {  	v21 =	vmov s24  }
0x1fd: {  	v21 =	vshrl.u32 v21, $0x3  }
0x1fe: {  	v21 =	vshll.u32 v21, v1  }
0x1ff: {  	[tilespmem:v19+s16+$0x0] =	vst.idx.msk $0xffff, v17;
	v17 =	vbroadcast v21, $0x0  }
0x200: {  	[tilespmem:v18+s16+$0x0] =	vst.idx.msk $0xffff, v20  }
0x201: {  	v18 =	vld [tilespmem:s20+$0xA4A0];
	v19 =	vadd.s32 v11, v17  }
0x202: {  	s24 =	sadd.s32 $0xFFFFFFF7, s21;
	v17 =	vadd.s32 v12, v17;
	v20 =	vld [tilespmem:s20+$0xA4B0]  }
0x203: {  	v21 =	vmov s24  }
0x204: {  	v21 =	vshrl.u32 v21, $0x3  }
0x205: {  	v21 =	vshll.u32 v21, v1  }
0x206: {  	[tilespmem:v19+s16+$0x0] =	vst.idx.msk $0xffff, v18;
	v18 =	vbroadcast v21, $0x0  }
0x207: {  	[tilespmem:v17+s16+$0x0] =	vst.idx.msk $0xffff, v20  }
0x208: {  	v17 =	vld [tilespmem:s20+$0xA4C0];
	v19 =	vadd.s32 v13, v18  }
0x209: {  	s24 =	sadd.s32 $0xFFFFFFF8, s21;
	v18 =	vadd.s32 v14, v18;
	v20 =	vld [tilespmem:s20+$0xA4D0]  }
0x20a: {  	v21 =	vmov s24  }
0x20b: {  	v21 =	vshrl.u32 v21, $0x3  }
0x20c: {  	v21 =	vshll.u32 v21, v1  }
0x20d: {  	[tilespmem:v19+s16+$0x0] =	vst.idx.msk $0xffff, v17;
	v17 =	vbroadcast v21, $0x0  }
0x20e: {  	[tilespmem:v18+s16+$0x0] =	vst.idx.msk $0xffff, v20  }
0x20f: {  	v18 =	vld [tilespmem:s20+$0xA4E0];
	v19 =	vadd.s32 v15, v17  }
0x210: {  	s24 =	sadd.s32 $0xFFFFFFF9, s21;
	v17 =	vadd.s32 v16, v17;
	v20 =	vld [tilespmem:s20+$0xA4F0]  }
0x211: {  	v21 =	vmov s24  }
0x212: {  	v21 =	vshrl.u32 v21, $0x3  }
0x213: {  	v21 =	vshll.u32 v21, v1  }
0x214: {  	[tilespmem:v19+s16+$0x0] =	vst.idx.msk $0xffff, v18;
	v18 =	vbroadcast v21, $0x0  }
0x215: {  	[tilespmem:v17+s16+$0x0] =	vst.idx.msk $0xffff, v20  }
0x216: {  	v17 =	vld [tilespmem:s20+$0xA500];
	v19 =	vadd.s32 v0, v18  }
0x217: {  	s24 =	sadd.s32 $0xFFFFFFFA, s21;
	v18 =	vadd.s32 v2, v18;
	v20 =	vld [tilespmem:s20+$0xA510]  }
0x218: {  	v21 =	vmov s24  }
0x219: {  	v21 =	vshrl.u32 v21, $0x3  }
0x21a: {  	v21 =	vshll.u32 v21, v1  }
0x21b: {  	[tilespmem:v19+s16+$0x0] =	vst.idx.msk $0xffff, v17;
	v17 =	vbroadcast v21, $0x0  }
0x21c: {  	[tilespmem:v18+s16+$0x0] =	vst.idx.msk $0xffff, v20  }
0x21d: {  	v18 =	vld [tilespmem:s20+$0xA520];
	v19 =	vadd.s32 v3, v17  }
0x21e: {  	s24 =	sadd.s32 $0xFFFFFFFB, s21;
	v17 =	vadd.s32 v4, v17;
	v20 =	vld [tilespmem:s20+$0xA530]  }
0x21f: {  	v21 =	vmov s24  }
0x220: {  	v21 =	vshrl.u32 v21, $0x3  }
0x221: {  	v21 =	vshll.u32 v21, v1  }
0x222: {  	[tilespmem:v19+s16+$0x0] =	vst.idx.msk $0xffff, v18;
	v18 =	vbroadcast v21, $0x0  }
0x223: {  	[tilespmem:v17+s16+$0x0] =	vst.idx.msk $0xffff, v20  }
0x224: {  	v17 =	vld [tilespmem:s20+$0xA540];
	v19 =	vadd.s32 v5, v18  }
0x225: {  	s24 =	sadd.s32 $0xFFFFFFFC, s21;
	v18 =	vadd.s32 v6, v18;
	v20 =	vld [tilespmem:s20+$0xA550]  }
0x226: {  	v21 =	vmov s24  }
0x227: {  	v21 =	vshrl.u32 v21, $0x3  }
0x228: {  	v21 =	vshll.u32 v21, v1  }
0x229: {  	[tilespmem:v19+s16+$0x0] =	vst.idx.msk $0xffff, v17;
	v17 =	vbroadcast v21, $0x0  }
0x22a: {  	[tilespmem:v18+s16+$0x0] =	vst.idx.msk $0xffff, v20  }
0x22b: {  	v18 =	vld [tilespmem:s20+$0xA560];
	v19 =	vadd.s32 v7, v17  }
0x22c: {  	s24 =	sadd.s32 $0xFFFFFFFD, s21;
	v17 =	vadd.s32 v8, v17;
	v20 =	vld [tilespmem:s20+$0xA570]  }
0x22d: {  	v21 =	vmov s24  }
0x22e: {  	v21 =	vshrl.u32 v21, $0x3  }
0x22f: {  	v21 =	vshll.u32 v21, v1  }
0x230: {  	[tilespmem:v19+s16+$0x0] =	vst.idx.msk $0xffff, v18;
	v18 =	vbroadcast v21, $0x0  }
0x231: {  	[tilespmem:v17+s16+$0x0] =	vst.idx.msk $0xffff, v20  }
0x232: {  	v17 =	vld [tilespmem:s20+$0xA580];
	v19 =	vadd.s32 v9, v18  }
0x233: {  	s24 =	sadd.s32 $0xFFFFFFFE, s21;
	v18 =	vadd.s32 v10, v18;
	v20 =	vld [tilespmem:s20+$0xA590]  }
0x234: {  	v21 =	vmov s24  }
0x235: {  	v21 =	vshrl.u32 v21, $0x3  }
0x236: {  	v21 =	vshll.u32 v21, v1  }
0x237: {  	[tilespmem:v19+s16+$0x0] =	vst.idx.msk $0xffff, v17;
	v17 =	vbroadcast v21, $0x0  }
0x238: {  	[tilespmem:v18+s16+$0x0] =	vst.idx.msk $0xffff, v20  }
0x239: {  	v18 =	vld [tilespmem:s20+$0xA5A0];
	v19 =	vadd.s32 v11, v17  }
0x23a: {  	s24 =	sadd.s32 $0xFFFFFFFF, s21;
	v17 =	vadd.s32 v12, v17;
	v20 =	vld [tilespmem:s20+$0xA5B0]  }
0x23b: {  	v21 =	vmov s24  }
0x23c: {  	v21 =	vshrl.u32 v21, $0x3  }
0x23d: {  	v21 =	vshll.u32 v21, v1  }
0x23e: {  	[tilespmem:v19+s16+$0x0] =	vst.idx.msk $0xffff, v18;
	v18 =	vbroadcast v21, $0x0  }
0x23f: {  	[tilespmem:v17+s16+$0x0] =	vst.idx.msk $0xffff, v20  }
0x240: {  	v17 =	vld [tilespmem:s20+$0xA5C0];
	v19 =	vadd.s32 v13, v18  }
0x241: {  	v18 =	vadd.s32 v14, v18;
	v20 =	vld [tilespmem:s20+$0xA5D0]  }
0x242: {  	v21 =	vmov s21  }
0x243: {  	v21 =	vshrl.u32 v21, $0x3  }
0x244: {  	v21 =	vshll.u32 v21, v1  }
0x245: {  	[tilespmem:v19+s16+$0x0] =	vst.idx.msk $0xffff, v17;
	v19 =	vbroadcast v21, $0x0  }
0x246: {  	[tilespmem:v18+s16+$0x0] =	vst.idx.msk $0xffff, v20  }
0x247: {  	s21 =	sadd.s32 $0x10, s21;
	v20 =	vld [tilespmem:s20+$0xA5E0];
	v21 =	vadd.s32 v15, v19  }
.Ltmp2:
0x248: {  	s24 =	sadd.s32 $0xFFFFFFF1, s21;
	v18 =	vadd.s32 v16, v19;
	v17 =	vld [tilespmem:s20+$0xA5F0];
	s20 =	smov.u32 s23;
	(pc) =	sbr.rel @p0 .LBB2_6-.Ltmp2, $4  }
0x249: {  	v19 =	vmov s24  }
0x24a: {  	v19 =	vshrl.u32 v19, $0x3  }
0x24b: {  	v19 =	vshll.u32 v19, v1  }
0x24c: {  	v19 =	vbroadcast v19, $0x0;
	[tilespmem:v21+s16+$0x0] =	vst.idx.msk $0xffff, v20  }
0x24d: {  	_ =	sdelay $0x3  }
0x24e: {  	[tilespmem:v18+s16+$0x0] =	vst.idx.msk $0xffff, v17  }
0x24f: {  	v17 =	vld [tilespmem:s20+$0xA400];
	v18 =	vadd.s32 v0, v19  }
0x250: {  	s22 =	sadd.s32 $0xFFFFFFF2, s21;
	v20 =	vld [tilespmem:s20+$0xA410];
	v19 =	vadd.s32 v2, v19  }
0x251: {  	v21 =	vmov s22  }
0x252: {  	v21 =	vshrl.u32 v21, $0x3  }
0x253: {  	v21 =	vshll.u32 v21, v1  }
0x254: {  	[tilespmem:v18+s16+$0x0] =	vst.idx.msk $0xffff, v17;
	v17 =	vbroadcast v21, $0x0  }
0x255: {  	[tilespmem:v19+s16+$0x0] =	vst.idx.msk $0xffff, v20  }
0x256: {  	v18 =	vld [tilespmem:s20+$0xA420];
	v19 =	vadd.s32 v3, v17  }
0x257: {  	s26 =	sadd.s32 $0xFFFFFFF3, s21;
	v20 =	vld [tilespmem:s20+$0xA430];
	v17 =	vadd.s32 v4, v17  }
0x258: {  	v50 =	vmov s26  }
0x259: {  	v21 =	vshrl.u32 v50, $0x3  }
0x25a: {  	v21 =	vshll.u32 v21, v1  }
0x25b: {  	[tilespmem:v19+s16+$0x0] =	vst.idx.msk $0xffff, v18;
	v18 =	vbroadcast v21, $0x0  }
0x25c: {  	[tilespmem:v17+s16+$0x0] =	vst.idx.msk $0xffff, v20  }
0x25d: {  	v17 =	vld [tilespmem:s20+$0xA440];
	v19 =	vadd.s32 v5, v18  }
0x25e: {  	s28 =	sadd.s32 $0xFFFFFFF4, s21;
	v20 =	vld [tilespmem:s20+$0xA450];
	v18 =	vadd.s32 v6, v18  }
0x25f: {  	v51 =	vmov s28  }
0x260: {  	v21 =	vshrl.u32 v51, $0x3  }
0x261: {  	v21 =	vshll.u32 v21, v1  }
0x262: {  	[tilespmem:v19+s16+$0x0] =	vst.idx.msk $0xffff, v17;
	v17 =	vbroadcast v21, $0x0  }
0x263: {  	[tilespmem:v18+s16+$0x0] =	vst.idx.msk $0xffff, v20  }
0x264: {  	v18 =	vld [tilespmem:s20+$0xA460];
	v19 =	vadd.s32 v7, v17  }
0x265: {  	s29 =	sadd.s32 $0xFFFFFFF5, s21;
	v20 =	vld [tilespmem:s20+$0xA470];
	v17 =	vadd.s32 v8, v17  }
0x266: {  	v52 =	vmov s29  }
0x267: {  	v21 =	vshrl.u32 v52, $0x3  }
0x268: {  	v21 =	vshll.u32 v21, v1  }
0x269: {  	[tilespmem:v19+s16+$0x0] =	vst.idx.msk $0xffff, v18;
	v18 =	vbroadcast v21, $0x0  }
0x26a: {  	[tilespmem:v17+s16+$0x0] =	vst.idx.msk $0xffff, v20  }
0x26b: {  	v17 =	vld [tilespmem:s20+$0xA480];
	v19 =	vadd.s32 v9, v18  }
0x26c: {  	s30 =	sadd.s32 $0xFFFFFFF6, s21;
	v20 =	vld [tilespmem:s20+$0xA490];
	v18 =	vadd.s32 v10, v18  }
0x26d: {  	v53 =	vmov s30  }
0x26e: {  	v21 =	vshrl.u32 v53, $0x3  }
0x26f: {  	v21 =	vshll.u32 v21, v1  }
0x270: {  	[tilespmem:v19+s16+$0x0] =	vst.idx.msk $0xffff, v17;
	v17 =	vbroadcast v21, $0x0  }
0x271: {  	[tilespmem:v18+s16+$0x0] =	vst.idx.msk $0xffff, v20  }
0x272: {  	v18 =	vld [tilespmem:s20+$0xA4A0];
	v19 =	vadd.s32 v11, v17  }
0x273: {  	s31 =	sadd.s32 $0xFFFFFFF7, s21;
	v20 =	vld [tilespmem:s20+$0xA4B0];
	v17 =	vadd.s32 v12, v17  }
0x274: {  	v54 =	vmov s31  }
0x275: {  	v21 =	vshrl.u32 v54, $0x3  }
0x276: {  	v21 =	vshll.u32 v21, v1  }
0x277: {  	[tilespmem:v19+s16+$0x0] =	vst.idx.msk $0xffff, v18;
	v18 =	vbroadcast v21, $0x0  }
0x278: {  	[tilespmem:v17+s16+$0x0] =	vst.idx.msk $0xffff, v20  }
0x279: {  	v17 =	vld [tilespmem:s20+$0xA4C0];
	v19 =	vadd.s32 v13, v18  }
0x27a: {  	s23 =	sadd.s32 $0xFFFFFFF8, s21;
	v20 =	vld [tilespmem:s20+$0xA4D0];
	v18 =	vadd.s32 v14, v18  }
0x27b: {  	v55 =	vmov s23  }
0x27c: {  	v21 =	vshrl.u32 v55, $0x3  }
0x27d: {  	v21 =	vshll.u32 v21, v1  }
0x27e: {  	[tilespmem:v19+s16+$0x0] =	vst.idx.msk $0xffff, v17;
	v17 =	vbroadcast v21, $0x0  }
0x27f: {  	[tilespmem:v18+s16+$0x0] =	vst.idx.msk $0xffff, v20  }
0x280: {  	v18 =	vld [tilespmem:s20+$0xA4E0];
	v19 =	vadd.s32 v15, v17  }
0x281: {  	s24 =	sadd.s32 $0xFFFFFFF9, s21;
	v20 =	vld [tilespmem:s20+$0xA4F0];
	v17 =	vadd.s32 v16, v17  }
0x282: {  	v56 =	vmov s24  }
0x283: {  	v21 =	vshrl.u32 v56, $0x3  }
0x284: {  	v21 =	vshll.u32 v21, v1  }
0x285: {  	[tilespmem:v19+s16+$0x0] =	vst.idx.msk $0xffff, v18;
	v18 =	vbroadcast v21, $0x0  }
0x286: {  	[tilespmem:v17+s16+$0x0] =	vst.idx.msk $0xffff, v20  }
0x287: {  	v17 =	vld [tilespmem:s20+$0xA500];
	v19 =	vadd.s32 v0, v18  }
0x288: {  	s25 =	sadd.s32 $0xFFFFFFFA, s21;
	v20 =	vld [tilespmem:s20+$0xA510];
	v18 =	vadd.s32 v2, v18  }
0x289: {  	v57 =	vmov s25  }
0x28a: {  	v21 =	vshrl.u32 v57, $0x3  }
0x28b: {  	v21 =	vshll.u32 v21, v1  }
0x28c: {  	[tilespmem:v19+s16+$0x0] =	vst.idx.msk $0xffff, v17;
	v17 =	vbroadcast v21, $0x0  }
0x28d: {  	[tilespmem:v18+s16+$0x0] =	vst.idx.msk $0xffff, v20  }
0x28e: {  	v18 =	vld [tilespmem:s20+$0xA520];
	v19 =	vadd.s32 v3, v17  }
0x28f: {  	s26 =	sadd.s32 $0xFFFFFFFB, s21;
	v20 =	vld [tilespmem:s20+$0xA530];
	v17 =	vadd.s32 v4, v17  }
0x290: {  	v58 =	vmov s26  }
0x291: {  	v21 =	vshrl.u32 v58, $0x3  }
0x292: {  	v21 =	vshll.u32 v21, v1  }
0x293: {  	[tilespmem:v19+s16+$0x0] =	vst.idx.msk $0xffff, v18;
	v18 =	vbroadcast v21, $0x0  }
0x294: {  	[tilespmem:v17+s16+$0x0] =	vst.idx.msk $0xffff, v20  }
0x295: {  	v17 =	vld [tilespmem:s20+$0xA540];
	v19 =	vadd.s32 v5, v18  }
0x296: {  	s28 =	sadd.s32 $0xFFFFFFFC, s21;
	v20 =	vld [tilespmem:s20+$0xA550];
	v18 =	vadd.s32 v6, v18  }
0x297: {  	v59 =	vmov s28  }
0x298: {  	v21 =	vshrl.u32 v59, $0x3  }
0x299: {  	v21 =	vshll.u32 v21, v1  }
0x29a: {  	[tilespmem:v19+s16+$0x0] =	vst.idx.msk $0xffff, v17;
	v17 =	vbroadcast v21, $0x0  }
0x29b: {  	[tilespmem:v18+s16+$0x0] =	vst.idx.msk $0xffff, v20  }
0x29c: {  	v18 =	vld [tilespmem:s20+$0xA560];
	v19 =	vadd.s32 v7, v17  }
0x29d: {  	s29 =	sadd.s32 $0xFFFFFFFD, s21;
	v20 =	vld [tilespmem:s20+$0xA570];
	v17 =	vadd.s32 v8, v17  }
0x29e: {  	v60 =	vmov s29  }
0x29f: {  	v21 =	vshrl.u32 v60, $0x3  }
0x2a0: {  	v21 =	vshll.u32 v21, v1  }
0x2a1: {  	[tilespmem:v19+s16+$0x0] =	vst.idx.msk $0xffff, v18;
	v18 =	vbroadcast v21, $0x0  }
0x2a2: {  	[tilespmem:v17+s16+$0x0] =	vst.idx.msk $0xffff, v20  }
0x2a3: {  	v17 =	vld [tilespmem:s20+$0xA580];
	v19 =	vadd.s32 v9, v18  }
0x2a4: {  	s30 =	sadd.s32 $0xFFFFFFFE, s21;
	v20 =	vld [tilespmem:s20+$0xA590];
	v18 =	vadd.s32 v10, v18  }
0x2a5: {  	v61 =	vmov s30  }
0x2a6: {  	v21 =	vshrl.u32 v61, $0x3  }
0x2a7: {  	v21 =	vshll.u32 v21, v1  }
0x2a8: {  	[tilespmem:v19+s16+$0x0] =	vst.idx.msk $0xffff, v17;
	v17 =	vbroadcast v21, $0x0  }
0x2a9: {  	[tilespmem:v18+s16+$0x0] =	vst.idx.msk $0xffff, v20  }
0x2aa: {  	v18 =	vld [tilespmem:s20+$0xA5A0];
	v19 =	vadd.s32 v11, v17  }
0x2ab: {  	s31 =	sadd.s32 $0xFFFFFFFF, s21;
	v20 =	vld [tilespmem:s20+$0xA5B0];
	v17 =	vadd.s32 v12, v17  }
0x2ac: {  	v62 =	vmov s31  }
0x2ad: {  	v21 =	vshrl.u32 v62, $0x3  }
0x2ae: {  	v21 =	vshll.u32 v21, v1  }
0x2af: {  	[tilespmem:v19+s16+$0x0] =	vst.idx.msk $0xffff, v18;
	v18 =	vbroadcast v21, $0x0  }
0x2b0: {  	[tilespmem:v17+s16+$0x0] =	vst.idx.msk $0xffff, v20  }
0x2b1: {  	v17 =	vld [tilespmem:s20+$0xA5C0];
	v19 =	vadd.s32 v13, v18  }
0x2b2: {  	v20 =	vld [tilespmem:s20+$0xA5D0];
	v18 =	vadd.s32 v14, v18  }
0x2b3: {  	v63 =	vmov s21  }
0x2b4: {  	v21 =	vshrl.u32 v63, $0x3  }
0x2b5: {  	v21 =	vshll.u32 v21, v1  }
0x2b6: {  	[tilespmem:v19+s16+$0x0] =	vst.idx.msk $0xffff, v17;
	v17 =	vbroadcast v21, $0x0  }
0x2b7: {  	[tilespmem:v18+s16+$0x0] =	vst.idx.msk $0xffff, v20  }
0x2b8: {  	v18 =	vld [tilespmem:s20+$0xA5E0];
	v19 =	vadd.s32 v15, v17  }
0x2b9: {  	v20 =	vld [tilespmem:s20+$0xA5F0];
	v17 =	vadd.s32 v16, v17;
	_ =	sdelay $0x3  }
0x2ba: {  	[tilespmem:v19+s16+$0x0] =	vst.idx.msk $0xffff, v18  }
0x2bb: {  	s21 =	simm.s32 $0x12500;
	s20 =	simm.s32 $0x0;
	[tilespmem:v17+s16+$0x0] =	vst.idx.msk $0xffff, v20  }
.LBB2_8:
0x2bc: {  	p0 =	sne.s32 s20, $0xF800  }
.Ltmp3:
0x2bd: {  	_ = 	snop;
	(pc) =	sbr.rel @p0 .LBB2_8-.Ltmp3, $4  }
0x2be: {  	_ = 	snop  }
0x2bf: {  	s22 =	sadd.s32 s20, s8  }
0x2c0: {  	[hbm4b:s22+s2] =	stream.linear.scatter [tilespmem:s21], [sflag:$0x3], $0x200, $0x38;
	[tilespmem:$0x16600] =	vst v63  }
0x2c1: {  	s20 =	sadd.s32 $0x800, s20;
	s21 =	sadd.s32 $0x208, s21  }
0x2c2: {  	s20 =	simm.s32 $0x1  }
.LBB2_10:
0x2c3: {  	_ =	swait.ge [sflag:s17], $0x4000  }
0x2c4: {  	s21 =	sshll.u32 s20, $0xA;
	[sflag:s17] =	ssyncset.done $0x0  }
0x2c5: {  	s21 =	sand.u32 $0x3FFFFC00, s21;
	[sflag:s17] =	ssyncadd.s32 $0xFFFFC000  }
0x2c6: {  	[tilespmem:s12], [sflag:$0x1] =	stream.indirect.gather [hbm4b:s3+s11], $0x20, s21, s11, $0xb8;
	[tilespmem:$0x16600] =	vst v63  }
0x2c7: {  	s21 =	sshllo.u32 s20, $0x1;
	_ =	swait.ge [sflag:s18], $0x4000  }
0x2c8: {  	s23 =	simm.s32 $0x0;
	s22 =	sshll.u32 s21, $0x9;
	[sflag:s18] =	ssyncset.done $0x0  }
0x2c9: {  	v17 =	vmov s23;
	s22 =	sand.u32 $0x3FFFFE00, s22;
	[sflag:s18] =	ssyncadd.s32 $0xFFFFC000  }
0x2ca: {  	v17 =	vshrl.u32 v17, $0x3;
	[tilespmem:s13], [sflag:$0x1] =	stream.indirect.gather [hbm4b:s3+s11], $0x20, s22, s11, $0xb8;
	[tilespmem:$0x16600] =	vst v63  }
0x2cb: {  	v17 =	vshll.u32 v17, v1;
	_ =	swait.ge [sflag:s14], $0x4000  }
0x2cc: {  	v17 =	vbroadcast v17, $0x0;
	[sflag:s14] =	ssyncset.done $0x0  }
0x2cd: {  	s22 =	simm.s32 $0x6500;
	[sflag:s14] =	ssyncadd.s32 $0xFFFFC000  }
0x2ce: {  	v19 =	vadd.s32 v0, v17;
	v18 =	vld [tilespmem:s22+$0xFFFFFF00]  }
0x2cf: {  	s30 =	simm.s32 $0x1;
	v17 =	vadd.s32 v2, v17;
	v20 =	vld [tilespmem:s22+$0xFFFFFF10]  }
0x2d0: {  	v21 =	vmov s30  }
0x2d1: {  	v21 =	vshrl.u32 v21, $0x3  }
0x2d2: {  	v21 =	vshll.u32 v21, v1  }
0x2d3: {  	[tilespmem:v19+s15+$0x0] =	vst.idx.msk $0xffff, v18;
	v18 =	vbroadcast v21, $0x0  }
0x2d4: {  	[tilespmem:v17+s15+$0x0] =	vst.idx.msk $0xffff, v20  }
0x2d5: {  	v17 =	vld [tilespmem:s22+$0xFFFFFF20];
	v19 =	vadd.s32 v3, v18  }
0x2d6: {  	s31 =	simm.s32 $0x2;
	v20 =	vld [tilespmem:s22+$0xFFFFFF30];
	v18 =	vadd.s32 v4, v18  }
0x2d7: {  	v50 =	vmov s31  }
0x2d8: {  	v21 =	vshrl.u32 v50, $0x3  }
0x2d9: {  	v21 =	vshll.u32 v21, v1  }
0x2da: {  	[tilespmem:v19+s15+$0x0] =	vst.idx.msk $0xffff, v17;
	v17 =	vbroadcast v21, $0x0  }
0x2db: {  	[tilespmem:v18+s15+$0x0] =	vst.idx.msk $0xffff, v20  }
0x2dc: {  	v18 =	vld [tilespmem:s22+$0xFFFFFF40];
	v19 =	vadd.s32 v5, v17  }
0x2dd: {  	s24 =	simm.s32 $0x3;
	v20 =	vld [tilespmem:s22+$0xFFFFFF50];
	v17 =	vadd.s32 v6, v17  }
0x2de: {  	v51 =	vmov s24  }
0x2df: {  	v21 =	vshrl.u32 v51, $0x3  }
0x2e0: {  	v21 =	vshll.u32 v21, v1  }
0x2e1: {  	[tilespmem:v19+s15+$0x0] =	vst.idx.msk $0xffff, v18;
	v18 =	vbroadcast v21, $0x0  }
0x2e2: {  	[tilespmem:v17+s15+$0x0] =	vst.idx.msk $0xffff, v20  }
0x2e3: {  	v17 =	vld [tilespmem:s22+$0xFFFFFF60];
	v19 =	vadd.s32 v7, v18  }
0x2e4: {  	s25 =	simm.s32 $0x4;
	v20 =	vld [tilespmem:s22+$0xFFFFFF70];
	v18 =	vadd.s32 v8, v18  }
0x2e5: {  	v52 =	vmov s25  }
0x2e6: {  	v21 =	vshrl.u32 v52, $0x3  }
0x2e7: {  	v21 =	vshll.u32 v21, v1  }
0x2e8: {  	[tilespmem:v19+s15+$0x0] =	vst.idx.msk $0xffff, v17;
	v17 =	vbroadcast v21, $0x0  }
0x2e9: {  	[tilespmem:v18+s15+$0x0] =	vst.idx.msk $0xffff, v20  }
0x2ea: {  	v18 =	vld [tilespmem:s22+$0xFFFFFF80];
	v19 =	vadd.s32 v9, v17  }
0x2eb: {  	s26 =	simm.s32 $0x5;
	v20 =	vld [tilespmem:s22+$0xFFFFFF90];
	v17 =	vadd.s32 v10, v17  }
0x2ec: {  	v53 =	vmov s26  }
0x2ed: {  	v21 =	vshrl.u32 v53, $0x3  }
0x2ee: {  	v21 =	vshll.u32 v21, v1  }
0x2ef: {  	[tilespmem:v19+s15+$0x0] =	vst.idx.msk $0xffff, v18;
	v18 =	vbroadcast v21, $0x0  }
0x2f0: {  	[tilespmem:v17+s15+$0x0] =	vst.idx.msk $0xffff, v20  }
0x2f1: {  	v17 =	vld [tilespmem:s22+$0xFFFFFFA0];
	v19 =	vadd.s32 v11, v18  }
0x2f2: {  	s28 =	simm.s32 $0x6;
	v20 =	vld [tilespmem:s22+$0xFFFFFFB0];
	v18 =	vadd.s32 v12, v18  }
0x2f3: {  	v54 =	vmov s28  }
0x2f4: {  	v21 =	vshrl.u32 v54, $0x3  }
0x2f5: {  	v21 =	vshll.u32 v21, v1  }
0x2f6: {  	[tilespmem:v19+s15+$0x0] =	vst.idx.msk $0xffff, v17;
	v17 =	vbroadcast v21, $0x0  }
0x2f7: {  	[tilespmem:v18+s15+$0x0] =	vst.idx.msk $0xffff, v20  }
0x2f8: {  	v18 =	vld [tilespmem:s22+$0xFFFFFFC0];
	v19 =	vadd.s32 v13, v17  }
0x2f9: {  	s29 =	simm.s32 $0x7;
	v20 =	vld [tilespmem:s22+$0xFFFFFFD0];
	v17 =	vadd.s32 v14, v17  }
0x2fa: {  	v55 =	vmov s29  }
0x2fb: {  	v21 =	vshrl.u32 v55, $0x3  }
0x2fc: {  	v21 =	vshll.u32 v21, v1  }
0x2fd: {  	[tilespmem:v19+s15+$0x0] =	vst.idx.msk $0xffff, v18;
	v18 =	vbroadcast v21, $0x0  }
0x2fe: {  	[tilespmem:v17+s15+$0x0] =	vst.idx.msk $0xffff, v20  }
0x2ff: {  	v17 =	vld [tilespmem:s22+$0xFFFFFFE0];
	v19 =	vadd.s32 v15, v18  }
0x300: {  	s30 =	simm.s32 $0x8;
	v20 =	vld [tilespmem:s22+$0xFFFFFFF0];
	v18 =	vadd.s32 v16, v18  }
0x301: {  	v56 =	vmov s30  }
0x302: {  	v21 =	vshrl.u32 v56, $0x3  }
0x303: {  	v21 =	vshll.u32 v21, v1  }
0x304: {  	[tilespmem:v19+s15+$0x0] =	vst.idx.msk $0xffff, v17;
	v17 =	vbroadcast v21, $0x0  }
0x305: {  	[tilespmem:v18+s15+$0x0] =	vst.idx.msk $0xffff, v20  }
0x306: {  	v18 =	vld [tilespmem:s22+$0x0];
	v19 =	vadd.s32 v0, v17  }
0x307: {  	s31 =	simm.s32 $0x9;
	v20 =	vld [tilespmem:s22+$0x10];
	v17 =	vadd.s32 v2, v17  }
0x308: {  	v57 =	vmov s31  }
0x309: {  	v21 =	vshrl.u32 v57, $0x3  }
0x30a: {  	v21 =	vshll.u32 v21, v1  }
0x30b: {  	[tilespmem:v19+s15+$0x0] =	vst.idx.msk $0xffff, v18;
	v18 =	vbroadcast v21, $0x0  }
0x30c: {  	[tilespmem:v17+s15+$0x0] =	vst.idx.msk $0xffff, v20  }
0x30d: {  	v17 =	vld [tilespmem:s22+$0x20];
	v19 =	vadd.s32 v3, v18  }
0x30e: {  	s24 =	simm.s32 $0xA;
	v20 =	vld [tilespmem:s22+$0x30];
	v18 =	vadd.s32 v4, v18  }
0x30f: {  	v58 =	vmov s24  }
0x310: {  	v21 =	vshrl.u32 v58, $0x3  }
0x311: {  	v21 =	vshll.u32 v21, v1  }
0x312: {  	[tilespmem:v19+s15+$0x0] =	vst.idx.msk $0xffff, v17;
	v17 =	vbroadcast v21, $0x0  }
0x313: {  	[tilespmem:v18+s15+$0x0] =	vst.idx.msk $0xffff, v20  }
0x314: {  	v18 =	vld [tilespmem:s22+$0x40];
	v19 =	vadd.s32 v5, v17  }
0x315: {  	s25 =	simm.s32 $0xB;
	v20 =	vld [tilespmem:s22+$0x50];
	v17 =	vadd.s32 v6, v17  }
0x316: {  	v59 =	vmov s25  }
0x317: {  	v21 =	vshrl.u32 v59, $0x3  }
0x318: {  	v21 =	vshll.u32 v21, v1  }
0x319: {  	[tilespmem:v19+s15+$0x0] =	vst.idx.msk $0xffff, v18;
	v18 =	vbroadcast v21, $0x0  }
0x31a: {  	[tilespmem:v17+s15+$0x0] =	vst.idx.msk $0xffff, v20  }
0x31b: {  	v17 =	vld [tilespmem:s22+$0x60];
	v19 =	vadd.s32 v7, v18  }
0x31c: {  	s26 =	simm.s32 $0xC;
	v20 =	vld [tilespmem:s22+$0x70];
	v18 =	vadd.s32 v8, v18  }
0x31d: {  	v60 =	vmov s26  }
0x31e: {  	v21 =	vshrl.u32 v60, $0x3  }
0x31f: {  	v21 =	vshll.u32 v21, v1  }
0x320: {  	[tilespmem:v19+s15+$0x0] =	vst.idx.msk $0xffff, v17;
	v17 =	vbroadcast v21, $0x0  }
0x321: {  	[tilespmem:v18+s15+$0x0] =	vst.idx.msk $0xffff, v20  }
0x322: {  	v18 =	vld [tilespmem:s22+$0x80];
	v19 =	vadd.s32 v9, v17  }
0x323: {  	s28 =	simm.s32 $0xD;
	v20 =	vld [tilespmem:s22+$0x90];
	v17 =	vadd.s32 v10, v17  }
0x324: {  	v61 =	vmov s28  }
0x325: {  	v21 =	vshrl.u32 v61, $0x3  }
0x326: {  	v21 =	vshll.u32 v21, v1  }
0x327: {  	[tilespmem:v19+s15+$0x0] =	vst.idx.msk $0xffff, v18;
	v18 =	vbroadcast v21, $0x0  }
0x328: {  	[tilespmem:v17+s15+$0x0] =	vst.idx.msk $0xffff, v20  }
0x329: {  	v17 =	vld [tilespmem:s22+$0xA0];
	v19 =	vadd.s32 v11, v18  }
0x32a: {  	s29 =	simm.s32 $0xE;
	v20 =	vld [tilespmem:s22+$0xB0];
	v18 =	vadd.s32 v12, v18  }
0x32b: {  	v62 =	vmov s29  }
0x32c: {  	v21 =	vshrl.u32 v62, $0x3  }
0x32d: {  	v21 =	vshll.u32 v21, v1  }
0x32e: {  	[tilespmem:v19+s15+$0x0] =	vst.idx.msk $0xffff, v17;
	v17 =	vbroadcast v21, $0x0  }
0x32f: {  	[tilespmem:v18+s15+$0x0] =	vst.idx.msk $0xffff, v20  }
0x330: {  	v18 =	vld [tilespmem:s22+$0xC0];
	v19 =	vadd.s32 v13, v17  }
0x331: {  	s30 =	simm.s32 $0xF;
	v20 =	vld [tilespmem:s22+$0xD0];
	v17 =	vadd.s32 v14, v17  }
0x332: {  	v63 =	vmov s30  }
0x333: {  	v21 =	vshrl.u32 v63, $0x3  }
0x334: {  	v21 =	vshll.u32 v21, v1  }
0x335: {  	[tilespmem:v19+s15+$0x0] =	vst.idx.msk $0xffff, v18;
	v18 =	vbroadcast v21, $0x0  }
0x336: {  	s31 =	simm.s32 $0x10;
	[tilespmem:v17+s15+$0x0] =	vst.idx.msk $0xffff, v20  }
0x337: {  	v17 =	vmov s31;
	v20 =	vld [tilespmem:s22+$0xE0];
	v21 =	vadd.s32 v15, v18  }
0x338: {  	v19 =	vshrl.u32 v17, $0x3  }
0x339: {  	v17 =	vld [tilespmem:s22+$0xF0];
	v22 =	vshll.u32 v19, v1;
	v19 =	vadd.s32 v16, v18;
	_ =	sdelay $0x2  }
0x33a: {  	s23 =	sshll.u32 s20, $0x1;
	s24 =	simm.s32 $0x1F;
	s25 =	simm.s32 $0x2F;
	v18 =	vbroadcast v22, $0x0;
	[tilespmem:v21+s15+$0x0] =	vst.idx.msk $0xffff, v20  }
.LBB2_11:
0x33b: {  	p0 =	sne.s32 s25, $0x1FF  }
0x33c: {  	[tilespmem:v19+s15+$0x0] =	vst.idx.msk $0xffff, v17;
	s22 =	sadd.s32 $0x200, s22;
	s26 =	smov.u32 s25;
	s25 =	sadd.s32 $0x10, s25  }
0x33d: {  	v17 =	vld [tilespmem:s22+$0xFFFFFF00];
	v19 =	vadd.s32 v0, v18  }
0x33e: {  	s28 =	sadd.s32 $0xFFFFFFF2, s24;
	v18 =	vadd.s32 v2, v18;
	v20 =	vld [tilespmem:s22+$0xFFFFFF10]  }
0x33f: {  	v21 =	vmov s28  }
0x340: {  	v21 =	vshrl.u32 v21, $0x3  }
0x341: {  	v21 =	vshll.u32 v21, v1  }
0x342: {  	[tilespmem:v19+s15+$0x0] =	vst.idx.msk $0xffff, v17;
	v17 =	vbroadcast v21, $0x0  }
0x343: {  	[tilespmem:v18+s15+$0x0] =	vst.idx.msk $0xffff, v20  }
0x344: {  	v18 =	vld [tilespmem:s22+$0xFFFFFF20];
	v19 =	vadd.s32 v3, v17  }
0x345: {  	s28 =	sadd.s32 $0xFFFFFFF3, s24;
	v17 =	vadd.s32 v4, v17;
	v20 =	vld [tilespmem:s22+$0xFFFFFF30]  }
0x346: {  	v21 =	vmov s28  }
0x347: {  	v21 =	vshrl.u32 v21, $0x3  }
0x348: {  	v21 =	vshll.u32 v21, v1  }
0x349: {  	[tilespmem:v19+s15+$0x0] =	vst.idx.msk $0xffff, v18;
	v18 =	vbroadcast v21, $0x0  }
0x34a: {  	[tilespmem:v17+s15+$0x0] =	vst.idx.msk $0xffff, v20  }
0x34b: {  	v17 =	vld [tilespmem:s22+$0xFFFFFF40];
	v19 =	vadd.s32 v5, v18  }
0x34c: {  	s28 =	sadd.s32 $0xFFFFFFF4, s24;
	v18 =	vadd.s32 v6, v18;
	v20 =	vld [tilespmem:s22+$0xFFFFFF50]  }
0x34d: {  	v21 =	vmov s28  }
0x34e: {  	v21 =	vshrl.u32 v21, $0x3  }
0x34f: {  	v21 =	vshll.u32 v21, v1  }
0x350: {  	[tilespmem:v19+s15+$0x0] =	vst.idx.msk $0xffff, v17;
	v17 =	vbroadcast v21, $0x0  }
0x351: {  	[tilespmem:v18+s15+$0x0] =	vst.idx.msk $0xffff, v20  }
0x352: {  	v18 =	vld [tilespmem:s22+$0xFFFFFF60];
	v19 =	vadd.s32 v7, v17  }
0x353: {  	s28 =	sadd.s32 $0xFFFFFFF5, s24;
	v17 =	vadd.s32 v8, v17;
	v20 =	vld [tilespmem:s22+$0xFFFFFF70]  }
0x354: {  	v21 =	vmov s28  }
0x355: {  	v21 =	vshrl.u32 v21, $0x3  }
0x356: {  	v21 =	vshll.u32 v21, v1  }
0x357: {  	[tilespmem:v19+s15+$0x0] =	vst.idx.msk $0xffff, v18;
	v18 =	vbroadcast v21, $0x0  }
0x358: {  	[tilespmem:v17+s15+$0x0] =	vst.idx.msk $0xffff, v20  }
0x359: {  	v17 =	vld [tilespmem:s22+$0xFFFFFF80];
	v19 =	vadd.s32 v9, v18  }
0x35a: {  	s28 =	sadd.s32 $0xFFFFFFF6, s24;
	v18 =	vadd.s32 v10, v18;
	v20 =	vld [tilespmem:s22+$0xFFFFFF90]  }
0x35b: {  	v21 =	vmov s28  }
0x35c: {  	v21 =	vshrl.u32 v21, $0x3  }
0x35d: {  	v21 =	vshll.u32 v21, v1  }
0x35e: {  	[tilespmem:v19+s15+$0x0] =	vst.idx.msk $0xffff, v17;
	v17 =	vbroadcast v21, $0x0  }
0x35f: {  	[tilespmem:v18+s15+$0x0] =	vst.idx.msk $0xffff, v20  }
0x360: {  	v18 =	vld [tilespmem:s22+$0xFFFFFFA0];
	v19 =	vadd.s32 v11, v17  }
0x361: {  	s28 =	sadd.s32 $0xFFFFFFF7, s24;
	v17 =	vadd.s32 v12, v17;
	v20 =	vld [tilespmem:s22+$0xFFFFFFB0]  }
0x362: {  	v21 =	vmov s28  }
0x363: {  	v21 =	vshrl.u32 v21, $0x3  }
0x364: {  	v21 =	vshll.u32 v21, v1  }
0x365: {  	[tilespmem:v19+s15+$0x0] =	vst.idx.msk $0xffff, v18;
	v18 =	vbroadcast v21, $0x0  }
0x366: {  	[tilespmem:v17+s15+$0x0] =	vst.idx.msk $0xffff, v20  }
0x367: {  	v17 =	vld [tilespmem:s22+$0xFFFFFFC0];
	v19 =	vadd.s32 v13, v18  }
0x368: {  	s28 =	sadd.s32 $0xFFFFFFF8, s24;
	v18 =	vadd.s32 v14, v18;
	v20 =	vld [tilespmem:s22+$0xFFFFFFD0]  }
0x369: {  	v21 =	vmov s28  }
0x36a: {  	v21 =	vshrl.u32 v21, $0x3  }
0x36b: {  	v21 =	vshll.u32 v21, v1  }
0x36c: {  	[tilespmem:v19+s15+$0x0] =	vst.idx.msk $0xffff, v17;
	v17 =	vbroadcast v21, $0x0  }
0x36d: {  	[tilespmem:v18+s15+$0x0] =	vst.idx.msk $0xffff, v20  }
0x36e: {  	v18 =	vld [tilespmem:s22+$0xFFFFFFE0];
	v19 =	vadd.s32 v15, v17  }
0x36f: {  	s28 =	sadd.s32 $0xFFFFFFF9, s24;
	v17 =	vadd.s32 v16, v17;
	v20 =	vld [tilespmem:s22+$0xFFFFFFF0]  }
0x370: {  	v21 =	vmov s28  }
0x371: {  	v21 =	vshrl.u32 v21, $0x3  }
0x372: {  	v21 =	vshll.u32 v21, v1  }
0x373: {  	[tilespmem:v19+s15+$0x0] =	vst.idx.msk $0xffff, v18;
	v18 =	vbroadcast v21, $0x0  }
0x374: {  	[tilespmem:v17+s15+$0x0] =	vst.idx.msk $0xffff, v20  }
0x375: {  	v17 =	vld [tilespmem:s22+$0x0];
	v19 =	vadd.s32 v0, v18  }
0x376: {  	s28 =	sadd.s32 $0xFFFFFFFA, s24;
	v18 =	vadd.s32 v2, v18;
	v20 =	vld [tilespmem:s22+$0x10]  }
0x377: {  	v21 =	vmov s28  }
0x378: {  	v21 =	vshrl.u32 v21, $0x3  }
0x379: {  	v21 =	vshll.u32 v21, v1  }
0x37a: {  	[tilespmem:v19+s15+$0x0] =	vst.idx.msk $0xffff, v17;
	v17 =	vbroadcast v21, $0x0  }
0x37b: {  	[tilespmem:v18+s15+$0x0] =	vst.idx.msk $0xffff, v20  }
0x37c: {  	v18 =	vld [tilespmem:s22+$0x20];
	v19 =	vadd.s32 v3, v17  }
0x37d: {  	s28 =	sadd.s32 $0xFFFFFFFB, s24;
	v17 =	vadd.s32 v4, v17;
	v20 =	vld [tilespmem:s22+$0x30]  }
0x37e: {  	v21 =	vmov s28  }
0x37f: {  	v21 =	vshrl.u32 v21, $0x3  }
0x380: {  	v21 =	vshll.u32 v21, v1  }
0x381: {  	[tilespmem:v19+s15+$0x0] =	vst.idx.msk $0xffff, v18;
	v18 =	vbroadcast v21, $0x0  }
0x382: {  	[tilespmem:v17+s15+$0x0] =	vst.idx.msk $0xffff, v20  }
0x383: {  	v17 =	vld [tilespmem:s22+$0x40];
	v19 =	vadd.s32 v5, v18  }
0x384: {  	s28 =	sadd.s32 $0xFFFFFFFC, s24;
	v18 =	vadd.s32 v6, v18;
	v20 =	vld [tilespmem:s22+$0x50]  }
0x385: {  	v21 =	vmov s28  }
0x386: {  	v21 =	vshrl.u32 v21, $0x3  }
0x387: {  	v21 =	vshll.u32 v21, v1  }
0x388: {  	[tilespmem:v19+s15+$0x0] =	vst.idx.msk $0xffff, v17;
	v17 =	vbroadcast v21, $0x0  }
0x389: {  	[tilespmem:v18+s15+$0x0] =	vst.idx.msk $0xffff, v20  }
0x38a: {  	v18 =	vld [tilespmem:s22+$0x60];
	v19 =	vadd.s32 v7, v17  }
0x38b: {  	s28 =	sadd.s32 $0xFFFFFFFD, s24;
	v17 =	vadd.s32 v8, v17;
	v20 =	vld [tilespmem:s22+$0x70]  }
0x38c: {  	v21 =	vmov s28  }
0x38d: {  	v21 =	vshrl.u32 v21, $0x3  }
0x38e: {  	v21 =	vshll.u32 v21, v1  }
0x38f: {  	[tilespmem:v19+s15+$0x0] =	vst.idx.msk $0xffff, v18;
	v18 =	vbroadcast v21, $0x0  }
0x390: {  	[tilespmem:v17+s15+$0x0] =	vst.idx.msk $0xffff, v20  }
0x391: {  	v17 =	vld [tilespmem:s22+$0x80];
	v19 =	vadd.s32 v9, v18  }
0x392: {  	s28 =	sadd.s32 $0xFFFFFFFE, s24;
	v18 =	vadd.s32 v10, v18;
	v20 =	vld [tilespmem:s22+$0x90]  }
0x393: {  	v21 =	vmov s28  }
0x394: {  	v21 =	vshrl.u32 v21, $0x3  }
0x395: {  	v21 =	vshll.u32 v21, v1  }
0x396: {  	[tilespmem:v19+s15+$0x0] =	vst.idx.msk $0xffff, v17;
	v17 =	vbroadcast v21, $0x0  }
0x397: {  	[tilespmem:v18+s15+$0x0] =	vst.idx.msk $0xffff, v20  }
0x398: {  	v18 =	vld [tilespmem:s22+$0xA0];
	v19 =	vadd.s32 v11, v17  }
0x399: {  	s28 =	sadd.s32 $0xFFFFFFFF, s24;
	v17 =	vadd.s32 v12, v17;
	v20 =	vld [tilespmem:s22+$0xB0]  }
0x39a: {  	v21 =	vmov s28  }
0x39b: {  	v21 =	vshrl.u32 v21, $0x3  }
0x39c: {  	v21 =	vshll.u32 v21, v1  }
0x39d: {  	[tilespmem:v19+s15+$0x0] =	vst.idx.msk $0xffff, v18;
	v18 =	vbroadcast v21, $0x0  }
0x39e: {  	[tilespmem:v17+s15+$0x0] =	vst.idx.msk $0xffff, v20  }
0x39f: {  	v17 =	vld [tilespmem:s22+$0xC0];
	v19 =	vadd.s32 v13, v18  }
0x3a0: {  	v18 =	vadd.s32 v14, v18;
	v20 =	vld [tilespmem:s22+$0xD0]  }
0x3a1: {  	v21 =	vmov s24;
	s24 =	smov.u32 s26  }
0x3a2: {  	v21 =	vshrl.u32 v21, $0x3  }
0x3a3: {  	v21 =	vshll.u32 v21, v1  }
0x3a4: {  	[tilespmem:v19+s15+$0x0] =	vst.idx.msk $0xffff, v17;
	v19 =	vbroadcast v21, $0x0  }
0x3a5: {  	[tilespmem:v18+s15+$0x0] =	vst.idx.msk $0xffff, v20  }
0x3a6: {  	v20 =	vld [tilespmem:s22+$0xE0];
	v21 =	vadd.s32 v15, v19  }
.Ltmp4:
0x3a7: {  	s26 =	sadd.s32 $0xFFFFFFF1, s24;
	v19 =	vadd.s32 v16, v19;
	v17 =	vld [tilespmem:s22+$0xF0];
	(pc) =	sbr.rel @p0 .LBB2_11-.Ltmp4, $4  }
0x3a8: {  	v18 =	vmov s26  }
0x3a9: {  	v18 =	vshrl.u32 v18, $0x3  }
0x3aa: {  	v18 =	vshll.u32 v18, v1  }
0x3ab: {  	v18 =	vbroadcast v18, $0x0;
	[tilespmem:v21+s15+$0x0] =	vst.idx.msk $0xffff, v20  }
0x3ac: {  	_ =	sdelay $0x3  }
0x3ad: {  	[tilespmem:v19+s15+$0x0] =	vst.idx.msk $0xffff, v17;
	s22 =	sadd.s32 $0x200, s22  }
0x3ae: {  	v17 =	vld [tilespmem:s22+$0xFFFFFF00];
	v19 =	vadd.s32 v0, v18  }
0x3af: {  	s25 =	sadd.s32 $0xFFFFFFF2, s24;
	v20 =	vld [tilespmem:s22+$0xFFFFFF10];
	v18 =	vadd.s32 v2, v18  }
0x3b0: {  	v21 =	vmov s25  }
0x3b1: {  	v21 =	vshrl.u32 v21, $0x3  }
0x3b2: {  	v21 =	vshll.u32 v21, v1  }
0x3b3: {  	[tilespmem:v19+s15+$0x0] =	vst.idx.msk $0xffff, v17;
	v17 =	vbroadcast v21, $0x0  }
0x3b4: {  	[tilespmem:v18+s15+$0x0] =	vst.idx.msk $0xffff, v20  }
0x3b5: {  	v18 =	vld [tilespmem:s22+$0xFFFFFF20];
	v19 =	vadd.s32 v3, v17  }
0x3b6: {  	s28 =	sadd.s32 $0xFFFFFFF3, s24;
	v20 =	vld [tilespmem:s22+$0xFFFFFF30];
	v17 =	vadd.s32 v4, v17  }
0x3b7: {  	v50 =	vmov s28  }
0x3b8: {  	v21 =	vshrl.u32 v50, $0x3  }
0x3b9: {  	v21 =	vshll.u32 v21, v1  }
0x3ba: {  	[tilespmem:v19+s15+$0x0] =	vst.idx.msk $0xffff, v18;
	v18 =	vbroadcast v21, $0x0  }
0x3bb: {  	[tilespmem:v17+s15+$0x0] =	vst.idx.msk $0xffff, v20  }
0x3bc: {  	v17 =	vld [tilespmem:s22+$0xFFFFFF40];
	v19 =	vadd.s32 v5, v18  }
0x3bd: {  	s29 =	sadd.s32 $0xFFFFFFF4, s24;
	v20 =	vld [tilespmem:s22+$0xFFFFFF50];
	v18 =	vadd.s32 v6, v18  }
0x3be: {  	v51 =	vmov s29  }
0x3bf: {  	v21 =	vshrl.u32 v51, $0x3  }
0x3c0: {  	v21 =	vshll.u32 v21, v1  }
0x3c1: {  	[tilespmem:v19+s15+$0x0] =	vst.idx.msk $0xffff, v17;
	v17 =	vbroadcast v21, $0x0  }
0x3c2: {  	[tilespmem:v18+s15+$0x0] =	vst.idx.msk $0xffff, v20  }
0x3c3: {  	v18 =	vld [tilespmem:s22+$0xFFFFFF60];
	v19 =	vadd.s32 v7, v17  }
0x3c4: {  	s30 =	sadd.s32 $0xFFFFFFF5, s24;
	v20 =	vld [tilespmem:s22+$0xFFFFFF70];
	v17 =	vadd.s32 v8, v17  }
0x3c5: {  	v52 =	vmov s30  }
0x3c6: {  	v21 =	vshrl.u32 v52, $0x3  }
0x3c7: {  	v21 =	vshll.u32 v21, v1  }
0x3c8: {  	[tilespmem:v19+s15+$0x0] =	vst.idx.msk $0xffff, v18;
	v18 =	vbroadcast v21, $0x0  }
0x3c9: {  	[tilespmem:v17+s15+$0x0] =	vst.idx.msk $0xffff, v20  }
0x3ca: {  	v17 =	vld [tilespmem:s22+$0xFFFFFF80];
	v19 =	vadd.s32 v9, v18  }
0x3cb: {  	s31 =	sadd.s32 $0xFFFFFFF6, s24;
	v20 =	vld [tilespmem:s22+$0xFFFFFF90];
	v18 =	vadd.s32 v10, v18  }
0x3cc: {  	v53 =	vmov s31  }
0x3cd: {  	v21 =	vshrl.u32 v53, $0x3  }
0x3ce: {  	v21 =	vshll.u32 v21, v1  }
0x3cf: {  	[tilespmem:v19+s15+$0x0] =	vst.idx.msk $0xffff, v17;
	v17 =	vbroadcast v21, $0x0  }
0x3d0: {  	[tilespmem:v18+s15+$0x0] =	vst.idx.msk $0xffff, v20  }
0x3d1: {  	v18 =	vld [tilespmem:s22+$0xFFFFFFA0];
	v19 =	vadd.s32 v11, v17  }
0x3d2: {  	s26 =	sadd.s32 $0xFFFFFFF7, s24;
	v20 =	vld [tilespmem:s22+$0xFFFFFFB0];
	v17 =	vadd.s32 v12, v17  }
0x3d3: {  	v54 =	vmov s26  }
0x3d4: {  	v21 =	vshrl.u32 v54, $0x3  }
0x3d5: {  	v21 =	vshll.u32 v21, v1  }
0x3d6: {  	[tilespmem:v19+s15+$0x0] =	vst.idx.msk $0xffff, v18;
	v18 =	vbroadcast v21, $0x0  }
0x3d7: {  	[tilespmem:v17+s15+$0x0] =	vst.idx.msk $0xffff, v20  }
0x3d8: {  	v17 =	vld [tilespmem:s22+$0xFFFFFFC0];
	v19 =	vadd.s32 v13, v18  }
0x3d9: {  	s28 =	sadd.s32 $0xFFFFFFF8, s24;
	v20 =	vld [tilespmem:s22+$0xFFFFFFD0];
	v18 =	vadd.s32 v14, v18  }
0x3da: {  	v55 =	vmov s28  }
0x3db: {  	v21 =	vshrl.u32 v55, $0x3  }
0x3dc: {  	v21 =	vshll.u32 v21, v1  }
0x3dd: {  	[tilespmem:v19+s15+$0x0] =	vst.idx.msk $0xffff, v17;
	v17 =	vbroadcast v21, $0x0  }
0x3de: {  	[tilespmem:v18+s15+$0x0] =	vst.idx.msk $0xffff, v20  }
0x3df: {  	v18 =	vld [tilespmem:s22+$0xFFFFFFE0];
	v19 =	vadd.s32 v15, v17  }
0x3e0: {  	s29 =	sadd.s32 $0xFFFFFFF9, s24;
	v20 =	vld [tilespmem:s22+$0xFFFFFFF0];
	v17 =	vadd.s32 v16, v17  }
0x3e1: {  	v56 =	vmov s29  }
0x3e2: {  	v21 =	vshrl.u32 v56, $0x3  }
0x3e3: {  	v21 =	vshll.u32 v21, v1  }
0x3e4: {  	[tilespmem:v19+s15+$0x0] =	vst.idx.msk $0xffff, v18;
	v18 =	vbroadcast v21, $0x0  }
0x3e5: {  	[tilespmem:v17+s15+$0x0] =	vst.idx.msk $0xffff, v20  }
0x3e6: {  	v17 =	vld [tilespmem:s22+$0x0];
	v19 =	vadd.s32 v0, v18  }
0x3e7: {  	s30 =	sadd.s32 $0xFFFFFFFA, s24;
	v20 =	vld [tilespmem:s22+$0x10];
	v18 =	vadd.s32 v2, v18  }
0x3e8: {  	v57 =	vmov s30  }
0x3e9: {  	v21 =	vshrl.u32 v57, $0x3  }
0x3ea: {  	v21 =	vshll.u32 v21, v1  }
0x3eb: {  	[tilespmem:v19+s15+$0x0] =	vst.idx.msk $0xffff, v17;
	v17 =	vbroadcast v21, $0x0  }
0x3ec: {  	[tilespmem:v18+s15+$0x0] =	vst.idx.msk $0xffff, v20  }
0x3ed: {  	v18 =	vld [tilespmem:s22+$0x20];
	v19 =	vadd.s32 v3, v17  }
0x3ee: {  	s31 =	sadd.s32 $0xFFFFFFFB, s24;
	v20 =	vld [tilespmem:s22+$0x30];
	v17 =	vadd.s32 v4, v17  }
0x3ef: {  	v58 =	vmov s31  }
0x3f0: {  	v21 =	vshrl.u32 v58, $0x3  }
0x3f1: {  	v21 =	vshll.u32 v21, v1  }
0x3f2: {  	[tilespmem:v19+s15+$0x0] =	vst.idx.msk $0xffff, v18;
	v18 =	vbroadcast v21, $0x0  }
0x3f3: {  	[tilespmem:v17+s15+$0x0] =	vst.idx.msk $0xffff, v20  }
0x3f4: {  	v17 =	vld [tilespmem:s22+$0x40];
	v19 =	vadd.s32 v5, v18  }
0x3f5: {  	s26 =	sadd.s32 $0xFFFFFFFC, s24;
	v20 =	vld [tilespmem:s22+$0x50];
	v18 =	vadd.s32 v6, v18  }
0x3f6: {  	v59 =	vmov s26  }
0x3f7: {  	v21 =	vshrl.u32 v59, $0x3  }
0x3f8: {  	v21 =	vshll.u32 v21, v1  }
0x3f9: {  	[tilespmem:v19+s15+$0x0] =	vst.idx.msk $0xffff, v17;
	v17 =	vbroadcast v21, $0x0  }
0x3fa: {  	[tilespmem:v18+s15+$0x0] =	vst.idx.msk $0xffff, v20  }
0x3fb: {  	v18 =	vld [tilespmem:s22+$0x60];
	v19 =	vadd.s32 v7, v17  }
0x3fc: {  	s28 =	sadd.s32 $0xFFFFFFFD, s24;
	v20 =	vld [tilespmem:s22+$0x70];
	v17 =	vadd.s32 v8, v17  }
0x3fd: {  	v60 =	vmov s28  }
0x3fe: {  	v21 =	vshrl.u32 v60, $0x3  }
0x3ff: {  	v21 =	vshll.u32 v21, v1  }
0x400: {  	[tilespmem:v19+s15+$0x0] =	vst.idx.msk $0xffff, v18;
	v18 =	vbroadcast v21, $0x0  }
0x401: {  	[tilespmem:v17+s15+$0x0] =	vst.idx.msk $0xffff, v20  }
0x402: {  	v17 =	vld [tilespmem:s22+$0x80];
	v19 =	vadd.s32 v9, v18  }
0x403: {  	s29 =	sadd.s32 $0xFFFFFFFE, s24;
	v20 =	vld [tilespmem:s22+$0x90];
	v18 =	vadd.s32 v10, v18  }
0x404: {  	v61 =	vmov s29  }
0x405: {  	v21 =	vshrl.u32 v61, $0x3  }
0x406: {  	v21 =	vshll.u32 v21, v1  }
0x407: {  	[tilespmem:v19+s15+$0x0] =	vst.idx.msk $0xffff, v17;
	v17 =	vbroadcast v21, $0x0  }
0x408: {  	[tilespmem:v18+s15+$0x0] =	vst.idx.msk $0xffff, v20  }
0x409: {  	v18 =	vld [tilespmem:s22+$0xA0];
	v19 =	vadd.s32 v11, v17  }
0x40a: {  	s30 =	sadd.s32 $0xFFFFFFFF, s24;
	v20 =	vld [tilespmem:s22+$0xB0];
	v17 =	vadd.s32 v12, v17  }
0x40b: {  	v62 =	vmov s30  }
0x40c: {  	v21 =	vshrl.u32 v62, $0x3  }
0x40d: {  	v21 =	vshll.u32 v21, v1  }
0x40e: {  	[tilespmem:v19+s15+$0x0] =	vst.idx.msk $0xffff, v18;
	v18 =	vbroadcast v21, $0x0  }
0x40f: {  	[tilespmem:v17+s15+$0x0] =	vst.idx.msk $0xffff, v20  }
0x410: {  	v17 =	vld [tilespmem:s22+$0xC0];
	v19 =	vadd.s32 v13, v18  }
0x411: {  	v20 =	vld [tilespmem:s22+$0xD0];
	v18 =	vadd.s32 v14, v18  }
0x412: {  	v63 =	vmov s24  }
0x413: {  	v21 =	vshrl.u32 v63, $0x3  }
0x414: {  	v21 =	vshll.u32 v21, v1  }
0x415: {  	[tilespmem:v19+s15+$0x0] =	vst.idx.msk $0xffff, v17;
	v17 =	vbroadcast v21, $0x0  }
0x416: {  	[tilespmem:v18+s15+$0x0] =	vst.idx.msk $0xffff, v20  }
0x417: {  	v18 =	vld [tilespmem:s22+$0xE0];
	v19 =	vadd.s32 v15, v17  }
0x418: {  	s31 =	sadd.s32 s6, s23;
	v20 =	vld [tilespmem:s22+$0xF0];
	v17 =	vadd.s32 v16, v17  }
0x419: {  	s23 =	sshll.u32 s31, $0x6  }
0x41a: {  	s23 =	sand.u32 $0x780, s23;
	s22 =	sshll.u32 s31, $0xB  }
0x41b: {  	s23 =	sadd.s32 s4, s23;
	s22 =	sand.u32 $0xFFF0000, s22  }
0x41c: {  	s25 =	simm.s32 $0xE608;
	s23 =	sadd.s32 s22, s23;
	[tilespmem:v19+s15+$0x0] =	vst.idx.msk $0xffff, v18  }
0x41d: {  	s24 =	simm.s32 $0x800;
	s22 =	simm.s32 $0xE400;
	s26 =	sadd.s32 $0x0, s23;
	[tilespmem:v17+s15+$0x0] =	vst.idx.msk $0xffff, v20  }
.LBB2_13:
0x41e: {  	[hbm4b:s26+s2] =	stream.linear.scatter [tilespmem:s22], [sflag:$0x2], $0x200, $0x38;
	[tilespmem:$0x16600] =	vst v63  }
0x41f: {  	s26 =	smov.u32 s24;
	s22 =	smov.u32 s25;
	p0 =	sne.s32 s24, $0xF800  }
.Ltmp5:
0x420: {  	s24 =	sadd.s32 $0x800, s24;
	(pc) =	sbr.rel @p0 .LBB2_13-.Ltmp5, $2  }
0x421: {  	_ =	sdelay $0x2  }
0x422: {  	s25 =	sadd.s32 $0x208, s25;
	s26 =	sadd.s32 s26, s23  }
0x423: {  	s23 =	simm.s32 $0x0  }
0x424: {  	v17 =	vmov s23  }
0x425: {  	[hbm4b:s26+s2] =	stream.linear.scatter [tilespmem:s22], [sflag:$0x2], $0x200, $0x38;
	v17 =	vshrl.u32 v17, $0x3;
	[tilespmem:$0x16600] =	vst v63  }
0x426: {  	_ =	swait.ge [sflag:s14], $0x4000;
	v17 =	vshll.u32 v17, v1  }
0x427: {  	[sflag:s14] =	ssyncset.done $0x0;
	v17 =	vbroadcast v17, $0x0  }
0x428: {  	s22 =	simm.s32 $0x0;
	[sflag:s14] =	ssyncadd.s32 $0xFFFFC000  }
0x429: {  	v18 =	vld [tilespmem:s22+$0xA400];
	v19 =	vadd.s32 v0, v17  }
0x42a: {  	s30 =	simm.s32 $0x1;
	v20 =	vld [tilespmem:s22+$0xA410];
	v17 =	vadd.s32 v2, v17  }
0x42b: {  	v21 =	vmov s30  }
0x42c: {  	v21 =	vshrl.u32 v21, $0x3  }
0x42d: {  	v21 =	vshll.u32 v21, v1  }
0x42e: {  	[tilespmem:v19+s16+$0x0] =	vst.idx.msk $0xffff, v18;
	v18 =	vbroadcast v21, $0x0  }
0x42f: {  	[tilespmem:v17+s16+$0x0] =	vst.idx.msk $0xffff, v20  }
0x430: {  	v17 =	vld [tilespmem:s22+$0xA420];
	v19 =	vadd.s32 v3, v18  }
0x431: {  	s31 =	simm.s32 $0x2;
	v20 =	vld [tilespmem:s22+$0xA430];
	v18 =	vadd.s32 v4, v18  }
0x432: {  	v50 =	vmov s31  }
0x433: {  	v21 =	vshrl.u32 v50, $0x3  }
0x434: {  	v21 =	vshll.u32 v21, v1  }
0x435: {  	[tilespmem:v19+s16+$0x0] =	vst.idx.msk $0xffff, v17;
	v17 =	vbroadcast v21, $0x0  }
0x436: {  	[tilespmem:v18+s16+$0x0] =	vst.idx.msk $0xffff, v20  }
0x437: {  	v18 =	vld [tilespmem:s22+$0xA440];
	v19 =	vadd.s32 v5, v17  }
0x438: {  	s24 =	simm.s32 $0x3;
	v20 =	vld [tilespmem:s22+$0xA450];
	v17 =	vadd.s32 v6, v17  }
0x439: {  	v51 =	vmov s24  }
0x43a: {  	v21 =	vshrl.u32 v51, $0x3  }
0x43b: {  	v21 =	vshll.u32 v21, v1  }
0x43c: {  	[tilespmem:v19+s16+$0x0] =	vst.idx.msk $0xffff, v18;
	v18 =	vbroadcast v21, $0x0  }
0x43d: {  	[tilespmem:v17+s16+$0x0] =	vst.idx.msk $0xffff, v20  }
0x43e: {  	v17 =	vld [tilespmem:s22+$0xA460];
	v19 =	vadd.s32 v7, v18  }
0x43f: {  	s25 =	simm.s32 $0x4;
	v20 =	vld [tilespmem:s22+$0xA470];
	v18 =	vadd.s32 v8, v18  }
0x440: {  	v52 =	vmov s25  }
0x441: {  	v21 =	vshrl.u32 v52, $0x3  }
0x442: {  	v21 =	vshll.u32 v21, v1  }
0x443: {  	[tilespmem:v19+s16+$0x0] =	vst.idx.msk $0xffff, v17;
	v17 =	vbroadcast v21, $0x0  }
0x444: {  	[tilespmem:v18+s16+$0x0] =	vst.idx.msk $0xffff, v20  }
0x445: {  	v18 =	vld [tilespmem:s22+$0xA480];
	v19 =	vadd.s32 v9, v17  }
0x446: {  	s26 =	simm.s32 $0x5;
	v20 =	vld [tilespmem:s22+$0xA490];
	v17 =	vadd.s32 v10, v17  }
0x447: {  	v53 =	vmov s26  }
0x448: {  	v21 =	vshrl.u32 v53, $0x3  }
0x449: {  	v21 =	vshll.u32 v21, v1  }
0x44a: {  	[tilespmem:v19+s16+$0x0] =	vst.idx.msk $0xffff, v18;
	v18 =	vbroadcast v21, $0x0  }
0x44b: {  	[tilespmem:v17+s16+$0x0] =	vst.idx.msk $0xffff, v20  }
0x44c: {  	v17 =	vld [tilespmem:s22+$0xA4A0];
	v19 =	vadd.s32 v11, v18  }
0x44d: {  	s28 =	simm.s32 $0x6;
	v20 =	vld [tilespmem:s22+$0xA4B0];
	v18 =	vadd.s32 v12, v18  }
0x44e: {  	v54 =	vmov s28  }
0x44f: {  	v21 =	vshrl.u32 v54, $0x3  }
0x450: {  	v21 =	vshll.u32 v21, v1  }
0x451: {  	[tilespmem:v19+s16+$0x0] =	vst.idx.msk $0xffff, v17;
	v17 =	vbroadcast v21, $0x0  }
0x452: {  	[tilespmem:v18+s16+$0x0] =	vst.idx.msk $0xffff, v20  }
0x453: {  	v18 =	vld [tilespmem:s22+$0xA4C0];
	v19 =	vadd.s32 v13, v17  }
0x454: {  	s29 =	simm.s32 $0x7;
	v20 =	vld [tilespmem:s22+$0xA4D0];
	v17 =	vadd.s32 v14, v17  }
0x455: {  	v55 =	vmov s29  }
0x456: {  	v21 =	vshrl.u32 v55, $0x3  }
0x457: {  	v21 =	vshll.u32 v21, v1  }
0x458: {  	[tilespmem:v19+s16+$0x0] =	vst.idx.msk $0xffff, v18;
	v18 =	vbroadcast v21, $0x0  }
0x459: {  	[tilespmem:v17+s16+$0x0] =	vst.idx.msk $0xffff, v20  }
0x45a: {  	v17 =	vld [tilespmem:s22+$0xA4E0];
	v19 =	vadd.s32 v15, v18  }
0x45b: {  	s30 =	simm.s32 $0x8;
	v20 =	vld [tilespmem:s22+$0xA4F0];
	v18 =	vadd.s32 v16, v18  }
0x45c: {  	v56 =	vmov s30  }
0x45d: {  	v21 =	vshrl.u32 v56, $0x3  }
0x45e: {  	v21 =	vshll.u32 v21, v1  }
0x45f: {  	[tilespmem:v19+s16+$0x0] =	vst.idx.msk $0xffff, v17;
	v17 =	vbroadcast v21, $0x0  }
0x460: {  	[tilespmem:v18+s16+$0x0] =	vst.idx.msk $0xffff, v20  }
0x461: {  	v18 =	vld [tilespmem:s22+$0xA500];
	v19 =	vadd.s32 v0, v17  }
0x462: {  	s31 =	simm.s32 $0x9;
	v20 =	vld [tilespmem:s22+$0xA510];
	v17 =	vadd.s32 v2, v17  }
0x463: {  	v57 =	vmov s31  }
0x464: {  	v21 =	vshrl.u32 v57, $0x3  }
0x465: {  	v21 =	vshll.u32 v21, v1  }
0x466: {  	[tilespmem:v19+s16+$0x0] =	vst.idx.msk $0xffff, v18;
	v18 =	vbroadcast v21, $0x0  }
0x467: {  	[tilespmem:v17+s16+$0x0] =	vst.idx.msk $0xffff, v20  }
0x468: {  	v17 =	vld [tilespmem:s22+$0xA520];
	v19 =	vadd.s32 v3, v18  }
0x469: {  	s24 =	simm.s32 $0xA;
	v20 =	vld [tilespmem:s22+$0xA530];
	v18 =	vadd.s32 v4, v18  }
0x46a: {  	v58 =	vmov s24  }
0x46b: {  	v21 =	vshrl.u32 v58, $0x3  }
0x46c: {  	v21 =	vshll.u32 v21, v1  }
0x46d: {  	[tilespmem:v19+s16+$0x0] =	vst.idx.msk $0xffff, v17;
	v17 =	vbroadcast v21, $0x0  }
0x46e: {  	[tilespmem:v18+s16+$0x0] =	vst.idx.msk $0xffff, v20  }
0x46f: {  	v18 =	vld [tilespmem:s22+$0xA540];
	v19 =	vadd.s32 v5, v17  }
0x470: {  	s25 =	simm.s32 $0xB;
	v20 =	vld [tilespmem:s22+$0xA550];
	v17 =	vadd.s32 v6, v17  }
0x471: {  	v59 =	vmov s25  }
0x472: {  	v21 =	vshrl.u32 v59, $0x3  }
0x473: {  	v21 =	vshll.u32 v21, v1  }
0x474: {  	[tilespmem:v19+s16+$0x0] =	vst.idx.msk $0xffff, v18;
	v18 =	vbroadcast v21, $0x0  }
0x475: {  	[tilespmem:v17+s16+$0x0] =	vst.idx.msk $0xffff, v20  }
0x476: {  	v17 =	vld [tilespmem:s22+$0xA560];
	v19 =	vadd.s32 v7, v18  }
0x477: {  	s26 =	simm.s32 $0xC;
	v20 =	vld [tilespmem:s22+$0xA570];
	v18 =	vadd.s32 v8, v18  }
0x478: {  	v60 =	vmov s26  }
0x479: {  	v21 =	vshrl.u32 v60, $0x3  }
0x47a: {  	v21 =	vshll.u32 v21, v1  }
0x47b: {  	[tilespmem:v19+s16+$0x0] =	vst.idx.msk $0xffff, v17;
	v17 =	vbroadcast v21, $0x0  }
0x47c: {  	[tilespmem:v18+s16+$0x0] =	vst.idx.msk $0xffff, v20  }
0x47d: {  	v18 =	vld [tilespmem:s22+$0xA580];
	v19 =	vadd.s32 v9, v17  }
0x47e: {  	s28 =	simm.s32 $0xD;
	v20 =	vld [tilespmem:s22+$0xA590];
	v17 =	vadd.s32 v10, v17  }
0x47f: {  	v61 =	vmov s28  }
0x480: {  	v21 =	vshrl.u32 v61, $0x3  }
0x481: {  	v21 =	vshll.u32 v21, v1  }
0x482: {  	[tilespmem:v19+s16+$0x0] =	vst.idx.msk $0xffff, v18;
	v18 =	vbroadcast v21, $0x0  }
0x483: {  	[tilespmem:v17+s16+$0x0] =	vst.idx.msk $0xffff, v20  }
0x484: {  	v17 =	vld [tilespmem:s22+$0xA5A0];
	v19 =	vadd.s32 v11, v18  }
0x485: {  	s29 =	simm.s32 $0xE;
	v20 =	vld [tilespmem:s22+$0xA5B0];
	v18 =	vadd.s32 v12, v18  }
0x486: {  	v62 =	vmov s29  }
0x487: {  	v21 =	vshrl.u32 v62, $0x3  }
0x488: {  	v21 =	vshll.u32 v21, v1  }
0x489: {  	[tilespmem:v19+s16+$0x0] =	vst.idx.msk $0xffff, v17;
	v17 =	vbroadcast v21, $0x0  }
0x48a: {  	[tilespmem:v18+s16+$0x0] =	vst.idx.msk $0xffff, v20  }
0x48b: {  	v18 =	vld [tilespmem:s22+$0xA5C0];
	v19 =	vadd.s32 v13, v17  }
0x48c: {  	s30 =	simm.s32 $0xF;
	v20 =	vld [tilespmem:s22+$0xA5D0];
	v17 =	vadd.s32 v14, v17  }
0x48d: {  	v63 =	vmov s30  }
0x48e: {  	v21 =	vshrl.u32 v63, $0x3  }
0x48f: {  	v21 =	vshll.u32 v21, v1  }
0x490: {  	[tilespmem:v19+s16+$0x0] =	vst.idx.msk $0xffff, v18;
	v18 =	vbroadcast v21, $0x0  }
0x491: {  	s31 =	simm.s32 $0x10;
	[tilespmem:v17+s16+$0x0] =	vst.idx.msk $0xffff, v20  }
0x492: {  	v17 =	vmov s31;
	v20 =	vld [tilespmem:s22+$0xA5E0];
	v21 =	vadd.s32 v15, v18  }
0x493: {  	v19 =	vshrl.u32 v17, $0x3;
	v17 =	vld [tilespmem:s22+$0xA5F0];
	v18 =	vadd.s32 v16, v18;
	_ =	sdelay $0x2  }
0x494: {  	v19 =	vshll.u32 v19, v1  }
0x495: {  	s23 =	simm.s32 $0x1F;
	s24 =	simm.s32 $0x1000;
	s22 =	simm.s32 $0x200;
	v19 =	vbroadcast v19, $0x0;
	[tilespmem:v21+s16+$0x0] =	vst.idx.msk $0xffff, v20  }
.LBB2_15:
0x496: {  	s25 =	sshra.s32 s24, $0x2;
	p0 =	sne.s32 s24, $0xF800;
	s24 =	sadd.s32 $0x800, s24;
	[tilespmem:v18+s16+$0x0] =	vst.idx.msk $0xffff, v17  }
0x497: {  	v17 =	vld [tilespmem:s22+$0xA400];
	v18 =	vadd.s32 v0, v19  }
0x498: {  	s26 =	sadd.s32 $0xFFFFFFF2, s23;
	v19 =	vadd.s32 v2, v19;
	v20 =	vld [tilespmem:s22+$0xA410]  }
0x499: {  	v21 =	vmov s26  }
0x49a: {  	v21 =	vshrl.u32 v21, $0x3  }
0x49b: {  	v21 =	vshll.u32 v21, v1  }
0x49c: {  	[tilespmem:v18+s16+$0x0] =	vst.idx.msk $0xffff, v17;
	v17 =	vbroadcast v21, $0x0  }
0x49d: {  	[tilespmem:v19+s16+$0x0] =	vst.idx.msk $0xffff, v20  }
0x49e: {  	v18 =	vld [tilespmem:s22+$0xA420];
	v19 =	vadd.s32 v3, v17  }
0x49f: {  	s26 =	sadd.s32 $0xFFFFFFF3, s23;
	v17 =	vadd.s32 v4, v17;
	v20 =	vld [tilespmem:s22+$0xA430]  }
0x4a0: {  	v21 =	vmov s26  }
0x4a1: {  	v21 =	vshrl.u32 v21, $0x3  }
0x4a2: {  	v21 =	vshll.u32 v21, v1  }
0x4a3: {  	[tilespmem:v19+s16+$0x0] =	vst.idx.msk $0xffff, v18;
	v18 =	vbroadcast v21, $0x0  }
0x4a4: {  	[tilespmem:v17+s16+$0x0] =	vst.idx.msk $0xffff, v20  }
0x4a5: {  	v17 =	vld [tilespmem:s22+$0xA440];
	v19 =	vadd.s32 v5, v18  }
0x4a6: {  	s26 =	sadd.s32 $0xFFFFFFF4, s23;
	v18 =	vadd.s32 v6, v18;
	v20 =	vld [tilespmem:s22+$0xA450]  }
0x4a7: {  	v21 =	vmov s26  }
0x4a8: {  	v21 =	vshrl.u32 v21, $0x3  }
0x4a9: {  	v21 =	vshll.u32 v21, v1  }
0x4aa: {  	[tilespmem:v19+s16+$0x0] =	vst.idx.msk $0xffff, v17;
	v17 =	vbroadcast v21, $0x0  }
0x4ab: {  	[tilespmem:v18+s16+$0x0] =	vst.idx.msk $0xffff, v20  }
0x4ac: {  	v18 =	vld [tilespmem:s22+$0xA460];
	v19 =	vadd.s32 v7, v17  }
0x4ad: {  	s26 =	sadd.s32 $0xFFFFFFF5, s23;
	v17 =	vadd.s32 v8, v17;
	v20 =	vld [tilespmem:s22+$0xA470]  }
0x4ae: {  	v21 =	vmov s26  }
0x4af: {  	v21 =	vshrl.u32 v21, $0x3  }
0x4b0: {  	v21 =	vshll.u32 v21, v1  }
0x4b1: {  	[tilespmem:v19+s16+$0x0] =	vst.idx.msk $0xffff, v18;
	v18 =	vbroadcast v21, $0x0  }
0x4b2: {  	[tilespmem:v17+s16+$0x0] =	vst.idx.msk $0xffff, v20  }
0x4b3: {  	v17 =	vld [tilespmem:s22+$0xA480];
	v19 =	vadd.s32 v9, v18  }
0x4b4: {  	s26 =	sadd.s32 $0xFFFFFFF6, s23;
	v18 =	vadd.s32 v10, v18;
	v20 =	vld [tilespmem:s22+$0xA490]  }
0x4b5: {  	v21 =	vmov s26  }
0x4b6: {  	v21 =	vshrl.u32 v21, $0x3  }
0x4b7: {  	v21 =	vshll.u32 v21, v1  }
0x4b8: {  	[tilespmem:v19+s16+$0x0] =	vst.idx.msk $0xffff, v17;
	v17 =	vbroadcast v21, $0x0  }
0x4b9: {  	[tilespmem:v18+s16+$0x0] =	vst.idx.msk $0xffff, v20  }
0x4ba: {  	v18 =	vld [tilespmem:s22+$0xA4A0];
	v19 =	vadd.s32 v11, v17  }
0x4bb: {  	s26 =	sadd.s32 $0xFFFFFFF7, s23;
	v17 =	vadd.s32 v12, v17;
	v20 =	vld [tilespmem:s22+$0xA4B0]  }
0x4bc: {  	v21 =	vmov s26  }
0x4bd: {  	v21 =	vshrl.u32 v21, $0x3  }
0x4be: {  	v21 =	vshll.u32 v21, v1  }
0x4bf: {  	[tilespmem:v19+s16+$0x0] =	vst.idx.msk $0xffff, v18;
	v18 =	vbroadcast v21, $0x0  }
0x4c0: {  	[tilespmem:v17+s16+$0x0] =	vst.idx.msk $0xffff, v20  }
0x4c1: {  	v17 =	vld [tilespmem:s22+$0xA4C0];
	v19 =	vadd.s32 v13, v18  }
0x4c2: {  	s26 =	sadd.s32 $0xFFFFFFF8, s23;
	v18 =	vadd.s32 v14, v18;
	v20 =	vld [tilespmem:s22+$0xA4D0]  }
0x4c3: {  	v21 =	vmov s26  }
0x4c4: {  	v21 =	vshrl.u32 v21, $0x3  }
0x4c5: {  	v21 =	vshll.u32 v21, v1  }
0x4c6: {  	[tilespmem:v19+s16+$0x0] =	vst.idx.msk $0xffff, v17;
	v17 =	vbroadcast v21, $0x0  }
0x4c7: {  	[tilespmem:v18+s16+$0x0] =	vst.idx.msk $0xffff, v20  }
0x4c8: {  	v18 =	vld [tilespmem:s22+$0xA4E0];
	v19 =	vadd.s32 v15, v17  }
0x4c9: {  	s26 =	sadd.s32 $0xFFFFFFF9, s23;
	v17 =	vadd.s32 v16, v17;
	v20 =	vld [tilespmem:s22+$0xA4F0]  }
0x4ca: {  	v21 =	vmov s26  }
0x4cb: {  	v21 =	vshrl.u32 v21, $0x3  }
0x4cc: {  	v21 =	vshll.u32 v21, v1  }
0x4cd: {  	[tilespmem:v19+s16+$0x0] =	vst.idx.msk $0xffff, v18;
	v18 =	vbroadcast v21, $0x0  }
0x4ce: {  	[tilespmem:v17+s16+$0x0] =	vst.idx.msk $0xffff, v20  }
0x4cf: {  	v17 =	vld [tilespmem:s22+$0xA500];
	v19 =	vadd.s32 v0, v18  }
0x4d0: {  	s26 =	sadd.s32 $0xFFFFFFFA, s23;
	v18 =	vadd.s32 v2, v18;
	v20 =	vld [tilespmem:s22+$0xA510]  }
0x4d1: {  	v21 =	vmov s26  }
0x4d2: {  	v21 =	vshrl.u32 v21, $0x3  }
0x4d3: {  	v21 =	vshll.u32 v21, v1  }
0x4d4: {  	[tilespmem:v19+s16+$0x0] =	vst.idx.msk $0xffff, v17;
	v17 =	vbroadcast v21, $0x0  }
0x4d5: {  	[tilespmem:v18+s16+$0x0] =	vst.idx.msk $0xffff, v20  }
0x4d6: {  	v18 =	vld [tilespmem:s22+$0xA520];
	v19 =	vadd.s32 v3, v17  }
0x4d7: {  	s26 =	sadd.s32 $0xFFFFFFFB, s23;
	v17 =	vadd.s32 v4, v17;
	v20 =	vld [tilespmem:s22+$0xA530]  }
0x4d8: {  	v21 =	vmov s26  }
0x4d9: {  	v21 =	vshrl.u32 v21, $0x3  }
0x4da: {  	v21 =	vshll.u32 v21, v1  }
0x4db: {  	[tilespmem:v19+s16+$0x0] =	vst.idx.msk $0xffff, v18;
	v18 =	vbroadcast v21, $0x0  }
0x4dc: {  	[tilespmem:v17+s16+$0x0] =	vst.idx.msk $0xffff, v20  }
0x4dd: {  	v17 =	vld [tilespmem:s22+$0xA540];
	v19 =	vadd.s32 v5, v18  }
0x4de: {  	s26 =	sadd.s32 $0xFFFFFFFC, s23;
	v18 =	vadd.s32 v6, v18;
	v20 =	vld [tilespmem:s22+$0xA550]  }
0x4df: {  	v21 =	vmov s26  }
0x4e0: {  	v21 =	vshrl.u32 v21, $0x3  }
0x4e1: {  	v21 =	vshll.u32 v21, v1  }
0x4e2: {  	[tilespmem:v19+s16+$0x0] =	vst.idx.msk $0xffff, v17;
	v17 =	vbroadcast v21, $0x0  }
0x4e3: {  	[tilespmem:v18+s16+$0x0] =	vst.idx.msk $0xffff, v20  }
0x4e4: {  	v18 =	vld [tilespmem:s22+$0xA560];
	v19 =	vadd.s32 v7, v17  }
0x4e5: {  	s26 =	sadd.s32 $0xFFFFFFFD, s23;
	v17 =	vadd.s32 v8, v17;
	v20 =	vld [tilespmem:s22+$0xA570]  }
0x4e6: {  	v21 =	vmov s26  }
0x4e7: {  	v21 =	vshrl.u32 v21, $0x3  }
0x4e8: {  	v21 =	vshll.u32 v21, v1  }
0x4e9: {  	[tilespmem:v19+s16+$0x0] =	vst.idx.msk $0xffff, v18;
	v18 =	vbroadcast v21, $0x0  }
0x4ea: {  	[tilespmem:v17+s16+$0x0] =	vst.idx.msk $0xffff, v20  }
0x4eb: {  	v17 =	vld [tilespmem:s22+$0xA580];
	v19 =	vadd.s32 v9, v18  }
0x4ec: {  	s26 =	sadd.s32 $0xFFFFFFFE, s23;
	v18 =	vadd.s32 v10, v18;
	v20 =	vld [tilespmem:s22+$0xA590]  }
0x4ed: {  	v21 =	vmov s26  }
0x4ee: {  	v21 =	vshrl.u32 v21, $0x3  }
0x4ef: {  	v21 =	vshll.u32 v21, v1  }
0x4f0: {  	[tilespmem:v19+s16+$0x0] =	vst.idx.msk $0xffff, v17;
	v17 =	vbroadcast v21, $0x0  }
0x4f1: {  	[tilespmem:v18+s16+$0x0] =	vst.idx.msk $0xffff, v20  }
0x4f2: {  	v18 =	vld [tilespmem:s22+$0xA5A0];
	v19 =	vadd.s32 v11, v17  }
0x4f3: {  	s26 =	sadd.s32 $0xFFFFFFFF, s23;
	v17 =	vadd.s32 v12, v17;
	v20 =	vld [tilespmem:s22+$0xA5B0]  }
0x4f4: {  	v21 =	vmov s26  }
0x4f5: {  	v21 =	vshrl.u32 v21, $0x3  }
0x4f6: {  	v21 =	vshll.u32 v21, v1  }
0x4f7: {  	[tilespmem:v19+s16+$0x0] =	vst.idx.msk $0xffff, v18;
	v18 =	vbroadcast v21, $0x0  }
0x4f8: {  	[tilespmem:v17+s16+$0x0] =	vst.idx.msk $0xffff, v20  }
0x4f9: {  	v17 =	vld [tilespmem:s22+$0xA5C0];
	v19 =	vadd.s32 v13, v18  }
0x4fa: {  	v18 =	vadd.s32 v14, v18;
	v20 =	vld [tilespmem:s22+$0xA5D0]  }
0x4fb: {  	v21 =	vmov s23  }
0x4fc: {  	v21 =	vshrl.u32 v21, $0x3  }
0x4fd: {  	v21 =	vshll.u32 v21, v1  }
0x4fe: {  	[tilespmem:v19+s16+$0x0] =	vst.idx.msk $0xffff, v17;
	v19 =	vbroadcast v21, $0x0  }
0x4ff: {  	[tilespmem:v18+s16+$0x0] =	vst.idx.msk $0xffff, v20  }
0x500: {  	s23 =	sadd.s32 $0x10, s23;
	v20 =	vld [tilespmem:s22+$0xA5E0];
	v21 =	vadd.s32 v15, v19  }
.Ltmp6:
0x501: {  	s26 =	sadd.s32 $0xFFFFFFF1, s23;
	v18 =	vadd.s32 v16, v19;
	v17 =	vld [tilespmem:s22+$0xA5F0];
	s22 =	smov.u32 s25;
	(pc) =	sbr.rel @p0 .LBB2_15-.Ltmp6, $4  }
0x502: {  	v19 =	vmov s26  }
0x503: {  	v19 =	vshrl.u32 v19, $0x3  }
0x504: {  	v19 =	vshll.u32 v19, v1  }
0x505: {  	v19 =	vbroadcast v19, $0x0;
	[tilespmem:v21+s16+$0x0] =	vst.idx.msk $0xffff, v20  }
0x506: {  	_ =	sdelay $0x3  }
0x507: {  	[tilespmem:v18+s16+$0x0] =	vst.idx.msk $0xffff, v17  }
0x508: {  	v17 =	vld [tilespmem:s22+$0xA400];
	v18 =	vadd.s32 v0, v19  }
0x509: {  	s24 =	sadd.s32 $0xFFFFFFF2, s23;
	v20 =	vld [tilespmem:s22+$0xA410];
	v19 =	vadd.s32 v2, v19  }
0x50a: {  	v21 =	vmov s24  }
0x50b: {  	v21 =	vshrl.u32 v21, $0x3  }
0x50c: {  	v21 =	vshll.u32 v21, v1  }
0x50d: {  	[tilespmem:v18+s16+$0x0] =	vst.idx.msk $0xffff, v17;
	v17 =	vbroadcast v21, $0x0  }
0x50e: {  	[tilespmem:v19+s16+$0x0] =	vst.idx.msk $0xffff, v20  }
0x50f: {  	v18 =	vld [tilespmem:s22+$0xA420];
	v19 =	vadd.s32 v3, v17  }
0x510: {  	s30 =	sadd.s32 $0xFFFFFFF3, s23;
	v20 =	vld [tilespmem:s22+$0xA430];
	v17 =	vadd.s32 v4, v17  }
0x511: {  	v50 =	vmov s30  }
0x512: {  	v21 =	vshrl.u32 v50, $0x3  }
0x513: {  	v21 =	vshll.u32 v21, v1  }
0x514: {  	[tilespmem:v19+s16+$0x0] =	vst.idx.msk $0xffff, v18;
	v18 =	vbroadcast v21, $0x0  }
0x515: {  	[tilespmem:v17+s16+$0x0] =	vst.idx.msk $0xffff, v20  }
0x516: {  	v17 =	vld [tilespmem:s22+$0xA440];
	v19 =	vadd.s32 v5, v18  }
0x517: {  	s31 =	sadd.s32 $0xFFFFFFF4, s23;
	v20 =	vld [tilespmem:s22+$0xA450];
	v18 =	vadd.s32 v6, v18  }
0x518: {  	v51 =	vmov s31  }
0x519: {  	v21 =	vshrl.u32 v51, $0x3  }
0x51a: {  	v21 =	vshll.u32 v21, v1  }
0x51b: {  	[tilespmem:v19+s16+$0x0] =	vst.idx.msk $0xffff, v17;
	v17 =	vbroadcast v21, $0x0  }
0x51c: {  	[tilespmem:v18+s16+$0x0] =	vst.idx.msk $0xffff, v20  }
0x51d: {  	v18 =	vld [tilespmem:s22+$0xA460];
	v19 =	vadd.s32 v7, v17  }
0x51e: {  	s25 =	sadd.s32 $0xFFFFFFF5, s23;
	v20 =	vld [tilespmem:s22+$0xA470];
	v17 =	vadd.s32 v8, v17  }
0x51f: {  	v52 =	vmov s25  }
0x520: {  	v21 =	vshrl.u32 v52, $0x3  }
0x521: {  	v21 =	vshll.u32 v21, v1  }
0x522: {  	[tilespmem:v19+s16+$0x0] =	vst.idx.msk $0xffff, v18;
	v18 =	vbroadcast v21, $0x0  }
0x523: {  	[tilespmem:v17+s16+$0x0] =	vst.idx.msk $0xffff, v20  }
0x524: {  	v17 =	vld [tilespmem:s22+$0xA480];
	v19 =	vadd.s32 v9, v18  }
0x525: {  	s26 =	sadd.s32 $0xFFFFFFF6, s23;
	v20 =	vld [tilespmem:s22+$0xA490];
	v18 =	vadd.s32 v10, v18  }
0x526: {  	v53 =	vmov s26  }
0x527: {  	v21 =	vshrl.u32 v53, $0x3  }
0x528: {  	v21 =	vshll.u32 v21, v1  }
0x529: {  	[tilespmem:v19+s16+$0x0] =	vst.idx.msk $0xffff, v17;
	v17 =	vbroadcast v21, $0x0  }
0x52a: {  	[tilespmem:v18+s16+$0x0] =	vst.idx.msk $0xffff, v20  }
0x52b: {  	v18 =	vld [tilespmem:s22+$0xA4A0];
	v19 =	vadd.s32 v11, v17  }
0x52c: {  	s28 =	sadd.s32 $0xFFFFFFF7, s23;
	v20 =	vld [tilespmem:s22+$0xA4B0];
	v17 =	vadd.s32 v12, v17  }
0x52d: {  	v54 =	vmov s28  }
0x52e: {  	v21 =	vshrl.u32 v54, $0x3  }
0x52f: {  	v21 =	vshll.u32 v21, v1  }
0x530: {  	[tilespmem:v19+s16+$0x0] =	vst.idx.msk $0xffff, v18;
	v18 =	vbroadcast v21, $0x0  }
0x531: {  	[tilespmem:v17+s16+$0x0] =	vst.idx.msk $0xffff, v20  }
0x532: {  	v17 =	vld [tilespmem:s22+$0xA4C0];
	v19 =	vadd.s32 v13, v18  }
0x533: {  	s29 =	sadd.s32 $0xFFFFFFF8, s23;
	v20 =	vld [tilespmem:s22+$0xA4D0];
	v18 =	vadd.s32 v14, v18  }
0x534: {  	v55 =	vmov s29  }
0x535: {  	v21 =	vshrl.u32 v55, $0x3  }
0x536: {  	v21 =	vshll.u32 v21, v1  }
0x537: {  	[tilespmem:v19+s16+$0x0] =	vst.idx.msk $0xffff, v17;
	v17 =	vbroadcast v21, $0x0  }
0x538: {  	[tilespmem:v18+s16+$0x0] =	vst.idx.msk $0xffff, v20  }
0x539: {  	v18 =	vld [tilespmem:s22+$0xA4E0];
	v19 =	vadd.s32 v15, v17  }
0x53a: {  	s30 =	sadd.s32 $0xFFFFFFF9, s23;
	v20 =	vld [tilespmem:s22+$0xA4F0];
	v17 =	vadd.s32 v16, v17  }
0x53b: {  	v56 =	vmov s30  }
0x53c: {  	v21 =	vshrl.u32 v56, $0x3  }
0x53d: {  	v21 =	vshll.u32 v21, v1  }
0x53e: {  	[tilespmem:v19+s16+$0x0] =	vst.idx.msk $0xffff, v18;
	v18 =	vbroadcast v21, $0x0  }
0x53f: {  	[tilespmem:v17+s16+$0x0] =	vst.idx.msk $0xffff, v20  }
0x540: {  	v17 =	vld [tilespmem:s22+$0xA500];
	v19 =	vadd.s32 v0, v18  }
0x541: {  	s31 =	sadd.s32 $0xFFFFFFFA, s23;
	v20 =	vld [tilespmem:s22+$0xA510];
	v18 =	vadd.s32 v2, v18  }
0x542: {  	v57 =	vmov s31  }
0x543: {  	v21 =	vshrl.u32 v57, $0x3  }
0x544: {  	v21 =	vshll.u32 v21, v1  }
0x545: {  	[tilespmem:v19+s16+$0x0] =	vst.idx.msk $0xffff, v17;
	v17 =	vbroadcast v21, $0x0  }
0x546: {  	[tilespmem:v18+s16+$0x0] =	vst.idx.msk $0xffff, v20  }
0x547: {  	v18 =	vld [tilespmem:s22+$0xA520];
	v19 =	vadd.s32 v3, v17  }
0x548: {  	s25 =	sadd.s32 $0xFFFFFFFB, s23;
	v20 =	vld [tilespmem:s22+$0xA530];
	v17 =	vadd.s32 v4, v17  }
0x549: {  	v58 =	vmov s25  }
0x54a: {  	v21 =	vshrl.u32 v58, $0x3  }
0x54b: {  	v21 =	vshll.u32 v21, v1  }
0x54c: {  	[tilespmem:v19+s16+$0x0] =	vst.idx.msk $0xffff, v18;
	v18 =	vbroadcast v21, $0x0  }
0x54d: {  	[tilespmem:v17+s16+$0x0] =	vst.idx.msk $0xffff, v20  }
0x54e: {  	v17 =	vld [tilespmem:s22+$0xA540];
	v19 =	vadd.s32 v5, v18  }
0x54f: {  	s26 =	sadd.s32 $0xFFFFFFFC, s23;
	v20 =	vld [tilespmem:s22+$0xA550];
	v18 =	vadd.s32 v6, v18  }
0x550: {  	v59 =	vmov s26  }
0x551: {  	v21 =	vshrl.u32 v59, $0x3  }
0x552: {  	v21 =	vshll.u32 v21, v1  }
0x553: {  	[tilespmem:v19+s16+$0x0] =	vst.idx.msk $0xffff, v17;
	v17 =	vbroadcast v21, $0x0  }
0x554: {  	[tilespmem:v18+s16+$0x0] =	vst.idx.msk $0xffff, v20  }
0x555: {  	v18 =	vld [tilespmem:s22+$0xA560];
	v19 =	vadd.s32 v7, v17  }
0x556: {  	s28 =	sadd.s32 $0xFFFFFFFD, s23;
	v20 =	vld [tilespmem:s22+$0xA570];
	v17 =	vadd.s32 v8, v17  }
0x557: {  	v60 =	vmov s28  }
0x558: {  	v21 =	vshrl.u32 v60, $0x3  }
0x559: {  	v21 =	vshll.u32 v21, v1  }
0x55a: {  	[tilespmem:v19+s16+$0x0] =	vst.idx.msk $0xffff, v18;
	v18 =	vbroadcast v21, $0x0  }
0x55b: {  	[tilespmem:v17+s16+$0x0] =	vst.idx.msk $0xffff, v20  }
0x55c: {  	v17 =	vld [tilespmem:s22+$0xA580];
	v19 =	vadd.s32 v9, v18  }
0x55d: {  	s29 =	sadd.s32 $0xFFFFFFFE, s23;
	v20 =	vld [tilespmem:s22+$0xA590];
	v18 =	vadd.s32 v10, v18  }
0x55e: {  	v61 =	vmov s29  }
0x55f: {  	v21 =	vshrl.u32 v61, $0x3  }
0x560: {  	v21 =	vshll.u32 v21, v1  }
0x561: {  	[tilespmem:v19+s16+$0x0] =	vst.idx.msk $0xffff, v17;
	v17 =	vbroadcast v21, $0x0  }
0x562: {  	[tilespmem:v18+s16+$0x0] =	vst.idx.msk $0xffff, v20  }
0x563: {  	v18 =	vld [tilespmem:s22+$0xA5A0];
	v19 =	vadd.s32 v11, v17  }
0x564: {  	s30 =	sadd.s32 $0xFFFFFFFF, s23;
	v20 =	vld [tilespmem:s22+$0xA5B0];
	v17 =	vadd.s32 v12, v17  }
0x565: {  	v62 =	vmov s30  }
0x566: {  	v21 =	vshrl.u32 v62, $0x3  }
0x567: {  	v21 =	vshll.u32 v21, v1  }
0x568: {  	[tilespmem:v19+s16+$0x0] =	vst.idx.msk $0xffff, v18;
	v18 =	vbroadcast v21, $0x0  }
0x569: {  	[tilespmem:v17+s16+$0x0] =	vst.idx.msk $0xffff, v20  }
0x56a: {  	v17 =	vld [tilespmem:s22+$0xA5C0];
	v19 =	vadd.s32 v13, v18  }
0x56b: {  	v20 =	vld [tilespmem:s22+$0xA5D0];
	v18 =	vadd.s32 v14, v18  }
0x56c: {  	v63 =	vmov s23  }
0x56d: {  	v21 =	vshrl.u32 v63, $0x3  }
0x56e: {  	v21 =	vshll.u32 v21, v1  }
0x56f: {  	[tilespmem:v19+s16+$0x0] =	vst.idx.msk $0xffff, v17;
	v17 =	vbroadcast v21, $0x0  }
0x570: {  	[tilespmem:v18+s16+$0x0] =	vst.idx.msk $0xffff, v20  }
0x571: {  	v18 =	vld [tilespmem:s22+$0xA5E0];
	v19 =	vadd.s32 v15, v17  }
0x572: {  	s21 =	sadd.s32 s6, s21;
	v20 =	vld [tilespmem:s22+$0xA5F0];
	v17 =	vadd.s32 v16, v17  }
0x573: {  	s31 =	sshll.u32 s21, $0x6  }
0x574: {  	s21 =	sshll.u32 s21, $0xB;
	s22 =	sand.u32 $0x7C0, s31  }
0x575: {  	s21 =	sand.u32 $0xFFF0000, s21;
	s22 =	sadd.s32 s4, s22  }
0x576: {  	s24 =	simm.s32 $0x12708;
	s21 =	sadd.s32 s21, s22;
	[tilespmem:v19+s16+$0x0] =	vst.idx.msk $0xffff, v18  }
0x577: {  	s23 =	simm.s32 $0x800;
	s22 =	simm.s32 $0x12500;
	s25 =	sadd.s32 $0x0, s21;
	[tilespmem:v17+s16+$0x0] =	vst.idx.msk $0xffff, v20  }
.LBB2_17:
0x578: {  	[hbm4b:s25+s2] =	stream.linear.scatter [tilespmem:s22], [sflag:$0x3], $0x200, $0x38;
	[tilespmem:$0x16600] =	vst v63  }
0x579: {  	s25 =	smov.u32 s23;
	s22 =	smov.u32 s24;
	p0 =	sne.s32 s23, $0xF800  }
.Ltmp7:
0x57a: {  	s23 =	sadd.s32 $0x800, s23;
	(pc) =	sbr.rel @p0 .LBB2_17-.Ltmp7, $2  }
0x57b: {  	_ =	sdelay $0x2  }
0x57c: {  	s24 =	sadd.s32 $0x208, s24;
	s25 =	sadd.s32 s25, s21  }
0x57d: {  	s20 =	sadd.s32 $0x1, s20  }
0x57e: {  	p0 =	sne.s32 s20, $0x19  }
.Ltmp8:
0x57f: {  	_ = 	snop;
	(pc) =	sbr.rel @p0 .LBB2_10-.Ltmp8, $2  }
0x580: {  	_ =	sdelay $0x2  }
0x581: {  	[hbm4b:s25+s2] =	stream.linear.scatter [tilespmem:s22], [sflag:$0x3], $0x200, $0x38;
	[tilespmem:$0x16600] =	vst v63  }
0x582: {  	s19 =	sadd.s32 $0x1, s19  }
0x583: {  	_ =	swait.ge [sflag:s17], $0x4000;
	p0 =	sne.s32 s19, s9  }
.Ltmp9:
0x584: {  	[sflag:s17] =	ssyncset.done $0x0;
	(pc) =	sbr.rel @p0 .LBB2_1-.Ltmp9, $4  }
0x585: {  	[sflag:s17] =	ssyncadd.s32 $0xFFFFC000  }
0x586: {  	_ =	swait.ge [sflag:s18], $0x4000  }
0x587: {  	[sflag:s18] =	ssyncset.done $0x0  }
0x588: {  	[sflag:s18] =	ssyncadd.s32 $0xFFFFC000  }
0x589: {  	_ =	sfence.sel $0x180000  }
0x58a: {  	[bflag:$0x0] =	sbarrier.arrive $0xFFFF  }
0x58b: {  	p0 =	sne.s32 s0, $0x0;
	_ =	strace $0x90000047  }
0x58c: {  	s0 =	sadd.s32 @!p0 $0x100000, s1;
	[bflag:$0x2] =	sbarrier.arrive $0xFFFF  }
0x58d: {  	[sflag:s0] =	ssyncadd.tile.s32 @!p0 $0x1;
	_ =	shalt  }
.Lfunc_end2:
_tile_overlayer_lowered:
.L_overlay_start_2:
0x58e: {  	(tag) =	ssettag $0x2  }
0x58f: {  	s0 =	rddreg [dreg:$0x0];
	s2 =	stileid.u32  }
0x590: {  	s1 =	rddreg [dreg:$0x1];
	p0 =	sne.s32 s2, $0x0  }
0x591: {  	s3 =	rddreg [dreg:$0x2];
	[bflag:$0x3] =	sbarrier.arrive $0xFFFF;
	s2 =	simm.s32 @!p0 $0x1C04  }
0x592: {  	[timem:s3], [sflag:s2] =	dma.local @!p0 [hbm:s0], s1  }
0x593: {  	s0 =	simm.s32 @!p0 $0x4  }
0x594: {  	_ =	swait.ge @!p0 [sflag:s0], s1  }
0x595: {  	s1 =	ssub.s32 @!p0 $0x0, s1;
	[sflag:s0] =	ssyncset.done @!p0 $0x0  }
0x596: {  	[sflag:s0] =	ssyncadd.s32 @!p0 s1  }
0x597: {  	[bflag:$0x3] =	sbarrier.arrive $0xFFFF  }
0x598: {  	_ =	shalt  }

</sc_bundles>
